<compile_context>
chip_gen: v7x
topology: tpu7x:2x2x1
jax: 0.10.2.dev20260603
libtpu: 0.0.44.dev20260713+nightly
codegen_flags: <defaults>
</compile_context>

<pallas_src>
import functools

import jax
import jax.numpy as jnp
from jax import lax
from jax.experimental import pallas as pl
from jax.experimental.pallas import tpu as pltpu
from jax.experimental.pallas import tpu_sc as plsc

N_REG = 10000
N_SUBJ = 2048
H = 256
HALF = 128
OUT = 64
NC = 2
NS = 16
CHUNK = 128

N_ACC_S = 2176
N_ACC_R = 10112
RPS_R = N_ACC_R // NS

RBLK = 2000
NB_R = N_REG // RBLK


def _pad_edges(src, dst, garbage, mult):
    e = src.shape[0]
    ep = ((e + mult - 1) // mult) * mult
    pad = ep - e
    srcp = jnp.concatenate([src.astype(jnp.int32), jnp.zeros((pad,), jnp.int32)])
    dstp = jnp.concatenate([dst.astype(jnp.int32),
                            jnp.full((pad,), garbage, jnp.int32)])
    return srcp, dstp



_MESH = plsc.VectorSubcoreMesh(core_axis_name="c", subcore_axis_name="s")


def _make_counts(e_s_pad, e_r_pad):
    eps_s = e_s_pad // NS
    eps_r = e_r_pad // NS

    @functools.partial(
        pl.kernel,
        out_type=(jax.ShapeDtypeStruct((N_ACC_S, HALF), jnp.float32),
                  jax.ShapeDtypeStruct((N_ACC_R, HALF), jnp.float32)),
        mesh=_MESH,
        scratch_types=[
            pltpu.VMEM((CHUNK,), jnp.int32),
            pltpu.VMEM((CHUNK, HALF), jnp.float32),
            pltpu.VMEM_SHARED((N_ACC_R, HALF), jnp.float32),
            pltpu.SemaphoreType.DMA,
        ],
    )
    def k(dst_s, dst_r, ones_hbm, zeros16_hbm, cs_out, cr_out,
          idx_v, ones_v, acc, sem):
        cid = lax.axis_index("c")
        sid = lax.axis_index("s")
        pltpu.sync_copy(ones_hbm, ones_v)

        def stage(dst_hbm, n_acc, eps, out_ref):
            rps = n_acc // NS
            pltpu.sync_copy(zeros16_hbm.at[pl.ds(0, rps)],
                            acc.at[pl.ds(sid * rps, rps)])
            plsc.subcore_barrier()

            def body(b, carry):
                base = sid * eps + b * CHUNK
                pltpu.sync_copy(dst_hbm.at[pl.ds(base, CHUNK)], idx_v)
                pltpu.sync_copy(ones_v, acc.at[idx_v], add=True)
                return carry

            lax.fori_loop(0, eps // CHUNK, body, 0)
            plsc.subcore_barrier()
            pltpu.sync_copy(acc.at[pl.ds(sid * rps, rps)],
                            out_ref.at[pl.ds(sid * rps, rps)])

        @pl.when(cid == 0)
        def _():
            stage(dst_s, N_ACC_S, eps_s, cs_out)

        @pl.when(cid == 1)
        def _():
            stage(dst_r, N_ACC_R, eps_r, cr_out)

    return k


def _make_gather_add(e_s_pad, e_r_pad):
    nblk_sub_s = e_s_pad // (NS * CHUNK)
    nblk_sub_r = e_r_pad // (NS * CHUNK)

    @functools.partial(
        pl.kernel,
        out_type=(jax.ShapeDtypeStruct((N_ACC_S, HALF), jnp.float32),
                  jax.ShapeDtypeStruct((N_ACC_S, HALF), jnp.float32),
                  jax.ShapeDtypeStruct((N_ACC_R, HALF), jnp.float32),
                  jax.ShapeDtypeStruct((N_ACC_R, HALF), jnp.float32)),
        mesh=_MESH,
        scratch_types=[
            pltpu.VMEM((CHUNK,), jnp.int32),
            pltpu.VMEM((CHUNK,), jnp.int32),
            pltpu.VMEM((CHUNK, HALF), jnp.float32),
            pltpu.VMEM_SHARED((N_ACC_R, HALF), jnp.float32),
            pltpu.SemaphoreType.DMA,
        ],
    )
    def k(hrA, hrB, tA, tB, src_s, dst_s, src_r, dst_r, zeros_hbm,
          s_out0, s_out1, r_out0, r_out1, src_v, dst_v, buf, acc, sem):
        cid = lax.axis_index("c")
        sid = lax.axis_index("s")

        def stage(tab, src_hbm, dst_hbm, n_acc, nblk_sub, out_ref):
            rps = n_acc // NS
            pltpu.sync_copy(zeros_hbm.at[pl.ds(0, rps)],
                            acc.at[pl.ds(sid * rps, rps)])
            plsc.subcore_barrier()
            base0 = sid * nblk_sub * CHUNK

            def body(i, carry):
                base = base0 + i * CHUNK
                pltpu.sync_copy(src_hbm.at[pl.ds(base, CHUNK)], src_v)
                pltpu.sync_copy(dst_hbm.at[pl.ds(base, CHUNK)], dst_v)
                pltpu.async_copy(tab.at[src_v], buf, sem).wait()
                pltpu.sync_copy(buf, acc.at[dst_v], add=True)
                return carry

            lax.fori_loop(0, nblk_sub, body, 0)
            plsc.subcore_barrier()
            pltpu.sync_copy(acc.at[pl.ds(sid * rps, rps)],
                            out_ref.at[pl.ds(sid * rps, rps)])
            plsc.subcore_barrier()

        @pl.when(cid == 0)
        def _():
            stage(hrA, src_s, dst_s, N_ACC_S, nblk_sub_s, s_out0)
            stage(tA, src_r, dst_r, N_ACC_R, nblk_sub_r, r_out0)

        @pl.when(cid == 1)
        def _():
            stage(hrB, src_s, dst_s, N_ACC_S, nblk_sub_s, s_out1)
            stage(tB, src_r, dst_r, N_ACC_R, nblk_sub_r, r_out1)

    return k



_PREC = jax.lax.Precision.HIGHEST


def _dot(a, b):
    return jnp.dot(a, b, precision=_PREC, preferred_element_type=jnp.float32)


def _f32(shape):
    return jax.ShapeDtypeStruct(shape, jnp.float32)


def _prep_s_body(xs, lsw, lsb, cs_part, cr_part, hs_out, cinv_out, dinv_out):
    x = xs[...]
    w = lsw[...]
    hs_out[...] = (x[:, 0:1] * w[0:1, :] + x[:, 1:2] * w[1:2, :]
                   + x[:, 2:3] * w[2:3, :] + lsb[...])
    cinv_out[...] = 1.0 / jnp.maximum(cs_part[0:N_SUBJ, 0:1], 1.0)
    dinv_out[...] = lax.rsqrt(cr_part[0:N_REG, 0:1] + 1.0)


def _prep_r_body(xr, lrw, lrb, dinv, hrA_out, hrB_out, tA_out, tB_out):
    hr = _dot(xr[...], lrw[...]) + lrb[...]
    t = dinv[...] * hr
    hrA_out[...] = hr[:, :HALF]
    hrB_out[...] = hr[:, HALF:]
    tA_out[...] = t[:, :HALF]
    tB_out[...] = t[:, HALF:]


def _bn_relu_from_stats(x, stats, n, gamma, beta):
    mu = stats[0:1, :] / n
    var = stats[1:2, :] / n - mu * mu
    return jnp.maximum((x - mu) * lax.rsqrt(var + 1e-5) * gamma + beta, 0.0)


def _comb_s_body(s0, s1, hs_prev, cinv, wl, wr, bs, gamma, beta, hs_out):
    s_part = jnp.concatenate([s0[0:N_SUBJ, :], s1[0:N_SUBJ, :]], axis=1)
    agg = s_part * cinv[...]
    new_s = _dot(agg, wl[...]) + _dot(hs_prev[...], wr[...]) + bs[...]
    mu = jnp.mean(new_s, axis=0, keepdims=True)
    var = jnp.mean((new_s - mu) * (new_s - mu), axis=0, keepdims=True)
    hs_out[...] = jnp.maximum(
        (new_s - mu) * lax.rsqrt(var + 1e-5) * gamma[...] + beta[...], 0.0)


def _comb_s_last_body(s0, s1, hs_prev, cinv, wl, wr, bs, gamma, beta,
                      osw, osb, outs_out):
    s_part = jnp.concatenate([s0[0:N_SUBJ, :], s1[0:N_SUBJ, :]], axis=1)
    agg = s_part * cinv[...]
    new_s = _dot(agg, wl[...]) + _dot(hs_prev[...], wr[...]) + bs[...]
    mu = jnp.mean(new_s, axis=0, keepdims=True)
    var = jnp.mean((new_s - mu) * (new_s - mu), axis=0, keepdims=True)
    hs = jnp.maximum(
        (new_s - mu) * lax.rsqrt(var + 1e-5) * gamma[...] + beta[...], 0.0)
    outs_out[...] = _dot(hs, osw[...]) + osb[...]


def _r_phase_a_body(r0, r1, tA, tB, dinv, gw, bg, newr_out, stats_out,
                    stats_acc):
    i = pl.program_id(0)

    @pl.when(i == 0)
    def _():
        stats_acc[...] = jnp.zeros((8, H), jnp.float32)

    t = jnp.concatenate([tA[...], tB[...]], axis=1)
    r_part = jnp.concatenate([r0[...], r1[...]], axis=1)
    m = dinv[...] * (r_part + t)
    new_r = _dot(m, gw[...]) + bg[...]
    newr_out[...] = new_r
    psum = jnp.sum(new_r, axis=0, keepdims=True)
    psq = jnp.sum(new_r * new_r, axis=0, keepdims=True)
    stats_acc[0:1, :] += psum
    stats_acc[1:2, :] += psq
    stats_out[...] = stats_acc[...]


def _r_phase_b_body(newr, stats, dinv, gamma, beta, hrA_out, hrB_out,
                    tA_out, tB_out):
    hr = _bn_relu_from_stats(newr[...], stats[...], float(N_REG),
                             gamma[...], beta[...])
    t = dinv[...] * hr
    hrA_out[...] = hr[:, :HALF]
    hrB_out[...] = hr[:, HALF:]
    tA_out[...] = t[:, :HALF]
    tB_out[...] = t[:, HALF:]


def _r_phase_b_last_body(newr, stats, gamma, beta, orw, orb, outr_out):
    hr = _bn_relu_from_stats(newr[...], stats[...], float(N_REG),
                             gamma[...], beta[...])
    outr_out[...] = _dot(hr, orw[...]) + orb[...]


def _rows(shape_rows, cols):
    return pl.BlockSpec((shape_rows, cols), lambda i: (i, 0))


def _whole(r, c):
    return pl.BlockSpec((r, c), lambda i: (0, 0))



def kernel(x_subject, x_region, edge_index_rs, edge_index_rr, lin_s_w,
           lin_s_b, lin_r_w, lin_r_b, sage_wl, sage_wr, sage_b, gcn_w,
           gcn_b, bn_gamma, bn_beta, out_s_w, out_s_b, out_r_w, out_r_b):
    mult = NS * CHUNK
    src_s, dst_s = _pad_edges(edge_index_rs[0], edge_index_rs[1], N_SUBJ, mult)
    src_r, dst_r = _pad_edges(edge_index_rr[0], edge_index_rr[1], N_REG, mult)
    e_s_pad = src_s.shape[0]
    e_r_pad = src_r.shape[0]

    ones128 = jnp.ones((CHUNK, HALF), jnp.float32)
    zeros128 = jnp.zeros((RPS_R, HALF), jnp.float32)

    cs_part, cr_part = _make_counts(e_s_pad, e_r_pad)(
        dst_s, dst_r, ones128, zeros128)

    hs, cinv, dinv = pl.pallas_call(
        _prep_s_body,
        out_shape=(_f32((N_SUBJ, H)), _f32((N_SUBJ, 1)), _f32((N_REG, 1))),
    )(x_subject, lin_s_w, lin_s_b.reshape(1, H), cs_part, cr_part)

    hrA, hrB, tA, tB = pl.pallas_call(
        _prep_r_body,
        grid=(NB_R,),
        in_specs=[_rows(RBLK, H), _whole(H, H), _whole(1, H), _rows(RBLK, 1)],
        out_specs=(_rows(RBLK, HALF),) * 4,
        out_shape=(_f32((N_REG, HALF)),) * 4,
    )(x_region, lin_r_w, lin_r_b.reshape(1, H), dinv)

    gath = _make_gather_add(e_s_pad, e_r_pad)

    for layer in range(2):
        last = layer == 1
        s0, s1, r0, r1 = gath(hrA, hrB, tA, tB, src_s, dst_s, src_r, dst_r,
                              zeros128)
        bs = sage_b[layer].reshape(1, H)
        bg = gcn_b[layer].reshape(1, H)
        gamma = bn_gamma[layer].reshape(1, H)
        beta = bn_beta[layer].reshape(1, H)

        if not last:
            hs = pl.pallas_call(
                _comb_s_body, out_shape=_f32((N_SUBJ, H)),
            )(s0, s1, hs, cinv, sage_wl[layer], sage_wr[layer], bs, gamma,
              beta)
        else:
            out_s = pl.pallas_call(
                _comb_s_last_body, out_shape=_f32((N_SUBJ, OUT)),
            )(s0, s1, hs, cinv, sage_wl[layer], sage_wr[layer], bs, gamma,
              beta, out_s_w, out_s_b.reshape(1, OUT))

        new_r, stats = pl.pallas_call(
            _r_phase_a_body,
            grid=(NB_R,),
            in_specs=[_rows(RBLK, HALF), _rows(RBLK, HALF), _rows(RBLK, HALF),
                      _rows(RBLK, HALF), _rows(RBLK, 1), _whole(H, H),
                      _whole(1, H)],
            out_specs=(_rows(RBLK, H), _whole(8, H)),
            out_shape=(_f32((N_REG, H)), _f32((8, H))),
            scratch_shapes=[pltpu.VMEM((8, H), jnp.float32)],
        )(r0, r1, tA, tB, dinv, gcn_w[layer], bg)

        if not last:
            hrA, hrB, tA, tB = pl.pallas_call(
                _r_phase_b_body,
                grid=(NB_R,),
                in_specs=[_rows(RBLK, H), _whole(8, H), _rows(RBLK, 1),
                          _whole(1, H), _whole(1, H)],
                out_specs=(_rows(RBLK, HALF),) * 4,
                out_shape=(_f32((N_REG, HALF)),) * 4,
            )(new_r, stats, dinv, gamma, beta)
        else:
            out_r = pl.pallas_call(
                _r_phase_b_last_body,
                grid=(NB_R,),
                in_specs=[_rows(RBLK, H), _whole(8, H), _whole(1, H),
                          _whole(1, H), _whole(H, OUT), _whole(1, OUT)],
                out_specs=_rows(RBLK, OUT),
                out_shape=_f32((N_REG, OUT)),
            )(new_r, stats, gamma, beta, out_r_w, out_r_b.reshape(1, OUT))

    return (out_s, out_r)

# --- scband reference (transcript-rebuilt; emitter-appended) ---
"""Pipeline reference for scband-hetero-gnn-62637803045332 (READ-ONLY COPY).

The authoritative reference and input builder live on the scoring server;
editing this copy changes nothing except your own understanding.
"""

import jax, jax.numpy as jnp
import numpy as np

N_REG = 10000
N_SUBJ = 2048
E_RR = 160000
E_RS = 200000
H = 256
OUT = 64
L = 2


def setup_inputs(seed: int = 0):
    key = jax.random.key(seed)
    ks = jax.random.split(key, 20)
    s = 0.05
    inp = {}
    inp["x_subject"] = jax.random.normal(ks[0], (N_SUBJ, 3), dtype=jnp.float32)
    inp["x_region"] = jax.random.normal(ks[1], (N_REG, H), dtype=jnp.float32)
    src_rs = jax.random.randint(ks[2], (E_RS,), 0, N_REG)
    dst_rs = jax.random.randint(ks[3], (E_RS,), 0, N_SUBJ)
    inp["edge_index_rs"] = jnp.stack([src_rs, dst_rs])
    inp["edge_index_rr"] = jax.random.randint(ks[4], (2, E_RR), 0, N_REG)
    inp["lin_s_w"] = jax.random.normal(ks[5], (3, H), dtype=jnp.float32) * s
    inp["lin_s_b"] = jnp.zeros((H,), dtype=jnp.float32)
    inp["lin_r_w"] = jax.random.normal(ks[6], (H, H), dtype=jnp.float32) * s
    inp["lin_r_b"] = jnp.zeros((H,), dtype=jnp.float32)
    inp["sage_wl"] = jax.random.normal(ks[7], (L, H, H), dtype=jnp.float32) * s
    inp["sage_wr"] = jax.random.normal(ks[8], (L, H, H), dtype=jnp.float32) * s
    inp["sage_b"] = jnp.zeros((L, H), dtype=jnp.float32)
    inp["gcn_w"] = jax.random.normal(ks[9], (L, H, H), dtype=jnp.float32) * s
    inp["gcn_b"] = jnp.zeros((L, H), dtype=jnp.float32)
    inp["bn_gamma"] = jnp.ones((L, H), dtype=jnp.float32)
    inp["bn_beta"] = jnp.zeros((L, H), dtype=jnp.float32)
    inp["out_s_w"] = jax.random.normal(ks[10], (H, OUT), dtype=jnp.float32) * s
    inp["out_s_b"] = jnp.zeros((OUT,), dtype=jnp.float32)
    inp["out_r_w"] = jax.random.normal(ks[11], (H, OUT), dtype=jnp.float32) * s
    inp["out_r_b"] = jnp.zeros((OUT,), dtype=jnp.float32)
    return inp


def _batch_norm(x, gamma, beta):
    mu = jnp.mean(x, axis=0)
    var = jnp.var(x, axis=0)
    return (x - mu) * jax.lax.rsqrt(var + 1e-5) * gamma + beta


def _sage_conv(x_src, x_dst, edge_index, wl, wr, b):
    # SAGEConv with mean aggregation on a bipartite (src, dst) graph
    src = edge_index[0]
    dst = edge_index[1]
    n_dst = x_dst.shape[0]
    msg = jnp.take(x_src, src, axis=0)
    agg = jax.ops.segment_sum(msg, dst, num_segments=n_dst)
    cnt = jax.ops.segment_sum(jnp.ones(src.shape[0], dtype=x_src.dtype), dst, num_segments=n_dst)
    agg = agg / jnp.maximum(cnt, 1.0)[:, None]
    return agg @ wl + x_dst @ wr + b


def _gcn_conv(x, edge_index, w, b):
    # GCNConv with added self-loops and symmetric normalization
    n = x.shape[0]
    loop = jnp.arange(n, dtype=edge_index.dtype)
    src = jnp.concatenate([edge_index[0], loop])
    dst = jnp.concatenate([edge_index[1], loop])
    deg = jax.ops.segment_sum(jnp.ones(src.shape[0], dtype=x.dtype), dst, num_segments=n)
    dinv = jax.lax.rsqrt(jnp.maximum(deg, 1.0))
    norm = jnp.take(dinv, src) * jnp.take(dinv, dst)
    xw = x @ w
    out = jax.ops.segment_sum(norm[:, None] * jnp.take(xw, src, axis=0), dst, num_segments=n)
    return out + b


def _forward(x_subject, x_region, edge_index_rs, edge_index_rr, lin_s_w, lin_s_b,
             lin_r_w, lin_r_b, sage_wl, sage_wr, sage_b, gcn_w, gcn_b,
             bn_gamma, bn_beta, out_s_w, out_s_b, out_r_w, out_r_b):
    h_s = x_subject @ lin_s_w + lin_s_b
    h_r = x_region @ lin_r_w + lin_r_b
    for l in range(L):
        new_s = _sage_conv(h_r, h_s, edge_index_rs, sage_wl[l], sage_wr[l], sage_b[l])
        new_r = _gcn_conv(h_r, edge_index_rr, gcn_w[l], gcn_b[l])
        h_s = jax.nn.relu(_batch_norm(new_s, bn_gamma[l], bn_beta[l]))
        h_r = jax.nn.relu(_batch_norm(new_r, bn_gamma[l], bn_beta[l]))
        # dropout omitted (eval mode / deterministic reference)
    out_s = h_s @ out_s_w + out_s_b
    out_r = h_r @ out_r_w + out_r_b
    return (out_s, out_r)


def reference(x_subject, x_region, edge_index_rs, edge_index_rr, lin_s_w, lin_s_b,
              lin_r_w, lin_r_b, sage_wl, sage_wr, sage_b, gcn_w, gcn_b,
              bn_gamma, bn_beta, out_s_w, out_s_b, out_r_w, out_r_b):
    return _forward(x_subject, x_region, edge_index_rs, edge_index_rr, lin_s_w, lin_s_b,
                    lin_r_w, lin_r_b, sage_wl, sage_wr, sage_b, gcn_w, gcn_b,
                    bn_gamma, bn_beta, out_s_w, out_s_b, out_r_w, out_r_b)

if __name__ == "__main__":
    import jax
    _d = setup_inputs()
    print(jax.jit(kernel)(*tuple(_d.values())))

</pallas_src>

<mosaic_0001>
#map = affine_map<(d0, d1) -> (0)>
#map1 = affine_map<(d0, d1) -> (0, 0)>
module attributes {stable_mosaic.version = 14 : i64} {
  func.func @k(%arg0: i32, %arg1: i32, %arg2: memref<200704xi32, #tpu.memory_space<hbm>>, %arg3: memref<161792xi32, #tpu.memory_space<hbm>>, %arg4: memref<128x128xf32, #tpu.memory_space<hbm>>, %arg5: memref<632x128xf32, #tpu.memory_space<hbm>>, %arg6: memref<2176x128xf32, #tpu.memory_space<hbm>>, %arg7: memref<10112x128xf32, #tpu.memory_space<hbm>>, %arg8: memref<128xi32, #tpu.memory_space<vmem>>, %arg9: memref<128x128xf32, #tpu.memory_space<vmem>>, %arg10: memref<10112x128xf32, #tpu.memory_space<vmem_shared>>, %arg11: memref<!tpu.dma_semaphore, #tpu.memory_space<semaphore_mem>>) attributes {dimension_semantics = [#tpu.dimension_semantics<core_parallel>, #tpu.dimension_semantics<subcore_parallel>], iteration_bounds = array<i64: 2, 16>, scalar_prefetch = 0 : i64, scratch_operands = 4 : i64, tpu.core_type = #tpu.core_type<sc_vector_subcore>, window_params = [{transform_indices = #map}, {transform_indices = #map}, {transform_indices = #map1}, {transform_indices = #map1}, {transform_indices = #map1}, {transform_indices = #map1}]} {
    "tpu.region"() ({
      %run_scoped3A = tpu.sem_alloc : memref<!tpu.dma_semaphore, #tpu.memory_space<semaphore_mem>>
      tpu.enqueue_dma source(%arg4 : memref<128x128xf32, #tpu.memory_space<hbm>>) target(%arg9 : memref<128x128xf32, #tpu.memory_space<vmem>>) target_semaphore(%run_scoped3A : memref<!tpu.dma_semaphore, #tpu.memory_space<semaphore_mem>>)
      tpu.wait_dma2 semaphore(%run_scoped3A : memref<!tpu.dma_semaphore, #tpu.memory_space<semaphore_mem>>) src(%arg4 : memref<128x128xf32, #tpu.memory_space<hbm>>) dst(%arg9 : memref<128x128xf32, #tpu.memory_space<vmem>>)
      tpu.yield
    }) : () -> ()
    %eq3A = arith.constant 0 : i32
    %eq3A_0 = arith.cmpi eq, %arg0, %eq3A : i32
    %convert_element_type3A = arith.extui %eq3A_0 : i1 to i32
    %cond3A = arith.constant 0 : i32
    %cond3A_1 = arith.cmpi ne, %convert_element_type3A, %cond3A : i32
    scf.if %cond3A_1 {
      %mul3A = arith.constant 136 : i32
      %mul3A_7 = arith.muli %arg1, %mul3A : i32
      "tpu.region"() ({
        %run_scoped3A = tpu.sem_alloc : memref<!tpu.dma_semaphore, #tpu.memory_space<semaphore_mem>>
        %dma_start3A = arith.constant 0 : i32
        %dma_start3A_18 = tpu.memref_slice %arg10[%mul3A_7, %dma_start3A] : memref<10112x128xf32, #tpu.memory_space<vmem_shared>> -> memref<136x128xf32, #tpu.memory_space<vmem_shared>>
        %dma_start3A_19 = arith.constant 0 : i32
        %dma_start3A_20 = arith.constant 0 : i32
        %dma_start3A_21 = tpu.memref_slice %arg5[%dma_start3A_19, %dma_start3A_20] : memref<632x128xf32, #tpu.memory_space<hbm>> -> memref<136x128xf32, #tpu.memory_space<hbm>>
        tpu.enqueue_dma source(%dma_start3A_21 : memref<136x128xf32, #tpu.memory_space<hbm>>) target(%dma_start3A_18 : memref<136x128xf32, #tpu.memory_space<vmem_shared>>) target_semaphore(%run_scoped3A : memref<!tpu.dma_semaphore, #tpu.memory_space<semaphore_mem>>)
        %dma_wait3A = arith.constant 0 : i32
        %dma_wait3A_22 = tpu.memref_slice %arg10[%mul3A_7, %dma_wait3A] : memref<10112x128xf32, #tpu.memory_space<vmem_shared>> -> memref<136x128xf32, #tpu.memory_space<vmem_shared>>
        %dma_wait3A_23 = arith.constant 0 : i32
        %dma_wait3A_24 = arith.constant 0 : i32
        %dma_wait3A_25 = tpu.memref_slice %arg5[%dma_wait3A_23, %dma_wait3A_24] : memref<632x128xf32, #tpu.memory_space<hbm>> -> memref<136x128xf32, #tpu.memory_space<hbm>>
        tpu.wait_dma2 semaphore(%run_scoped3A : memref<!tpu.dma_semaphore, #tpu.memory_space<semaphore_mem>>) src(%dma_wait3A_25 : memref<136x128xf32, #tpu.memory_space<hbm>>) dst(%dma_wait3A_22 : memref<136x128xf32, #tpu.memory_space<vmem_shared>>)
        tpu.yield
      }) : () -> ()
      %barrier3A = arith.constant 0 : index
      tpu.barrier barrier_id(%barrier3A)
      %scan3A = arith.constant 0 : i32
      %scan3A_8 = arith.constant 0 : i32
      %scan3A_9 = arith.constant 98 : i32
      %scan3A_10 = arith.addi %scan3A_8, %scan3A_9 : i32
      %scan3A_11 = arith.constant 1 : i32
      scf.for %scan3A_18 = %scan3A_8 to %scan3A_10 step %scan3A_11  : i32 {
        %mul3A_19 = arith.constant 12544 : i32
        %mul3A_20 = arith.muli %arg1, %mul3A_19 : i32
        %mul3A_21 = arith.constant 128 : i32
        %mul3A_22 = arith.muli %scan3A_18, %mul3A_21 : i32
        %add3A = arith.addi %mul3A_20, %mul3A_22 : i32
        "tpu.region"() ({
          %run_scoped3A = tpu.sem_alloc : memref<!tpu.dma_semaphore, #tpu.memory_space<semaphore_mem>>
          %dma_start3A = tpu.memref_slice %arg2[%add3A] : memref<200704xi32, #tpu.memory_space<hbm>> -> memref<128xi32, #tpu.memory_space<hbm>>
          %dma_start3A_23 = tpu.memref_slice %arg2[%add3A] : memref<200704xi32, #tpu.memory_space<hbm>> -> memref<128xi32, #tpu.memory_space<hbm>>
          tpu.enqueue_dma source(%dma_start3A_23 : memref<128xi32, #tpu.memory_space<hbm>>) target(%arg8 : memref<128xi32, #tpu.memory_space<vmem>>) target_semaphore(%run_scoped3A : memref<!tpu.dma_semaphore, #tpu.memory_space<semaphore_mem>>)
          %dma_wait3A = tpu.memref_slice %arg2[%add3A] : memref<200704xi32, #tpu.memory_space<hbm>> -> memref<128xi32, #tpu.memory_space<hbm>>
          %dma_wait3A_24 = tpu.memref_slice %arg2[%add3A] : memref<200704xi32, #tpu.memory_space<hbm>> -> memref<128xi32, #tpu.memory_space<hbm>>
          tpu.wait_dma2 semaphore(%run_scoped3A : memref<!tpu.dma_semaphore, #tpu.memory_space<semaphore_mem>>) src(%dma_wait3A_24 : memref<128xi32, #tpu.memory_space<hbm>>) dst(%arg8 : memref<128xi32, #tpu.memory_space<vmem>>)
          tpu.yield
        }) : () -> ()
        "tpu.region"() ({
          %run_scoped3A = tpu.sem_alloc : memref<!tpu.dma_semaphore, #tpu.memory_space<semaphore_mem>>
          %dma_start3A = arith.constant 0 : i32
          %dma_start3A_23 = arith.constant 0 : i32
          %dma_start3A_24 = tpu.memref_slice %arg10[%dma_start3A, %dma_start3A_23] : memref<10112x128xf32, #tpu.memory_space<vmem_shared>> -> memref<10112x128xf32, #tpu.memory_space<vmem_shared>>
          tpu.enqueue_indirect_dma source(%arg9 : memref<128x128xf32, #tpu.memory_space<vmem>>) target(%dma_start3A_24 : memref<10112x128xf32, #tpu.memory_space<vmem_shared>>) offsets(%arg8 : memref<128xi32, #tpu.memory_space<vmem>>) semaphore(%run_scoped3A : memref<!tpu.dma_semaphore, #tpu.memory_space<semaphore_mem>>) {add = true}
          %dma_wait3A = arith.constant 0 : i32
          %dma_wait3A_25 = arith.constant 0 : i32
          %dma_wait3A_26 = tpu.memref_slice %arg10[%dma_wait3A, %dma_wait3A_25] : memref<10112x128xf32, #tpu.memory_space<vmem_shared>> -> memref<10112x128xf32, #tpu.memory_space<vmem_shared>>
          tpu.wait_indirect_dma semaphore(%run_scoped3A : memref<!tpu.dma_semaphore, #tpu.memory_space<semaphore_mem>>) src(%arg9 : memref<128x128xf32, #tpu.memory_space<vmem>>) dst(%dma_wait3A_26 : memref<10112x128xf32, #tpu.memory_space<vmem_shared>>)
          tpu.yield
        }) : () -> ()
      }
      %scan3A_12 = arith.constant 98 : i32
      %barrier3A_13 = arith.constant 0 : index
      tpu.barrier barrier_id(%barrier3A_13)
      %mul3A_14 = arith.constant 136 : i32
      %mul3A_15 = arith.muli %arg1, %mul3A_14 : i32
      %mul3A_16 = arith.constant 136 : i32
      %mul3A_17 = arith.muli %arg1, %mul3A_16 : i32
      "tpu.region"() ({
        %run_scoped3A = tpu.sem_alloc : memref<!tpu.dma_semaphore, #tpu.memory_space<semaphore_mem>>
        %dma_start3A = arith.constant 0 : i32
        %dma_start3A_18 = tpu.memref_slice %arg6[%mul3A_17, %dma_start3A] : memref<2176x128xf32, #tpu.memory_space<hbm>> -> memref<136x128xf32, #tpu.memory_space<hbm>>
        %dma_start3A_19 = arith.constant 0 : i32
        %dma_start3A_20 = tpu.memref_slice %arg10[%mul3A_15, %dma_start3A_19] : memref<10112x128xf32, #tpu.memory_space<vmem_shared>> -> memref<136x128xf32, #tpu.memory_space<vmem_shared>>
        tpu.enqueue_dma source(%dma_start3A_20 : memref<136x128xf32, #tpu.memory_space<vmem_shared>>) target(%dma_start3A_18 : memref<136x128xf32, #tpu.memory_space<hbm>>) target_semaphore(%run_scoped3A : memref<!tpu.dma_semaphore, #tpu.memory_space<semaphore_mem>>)
        %dma_wait3A = arith.constant 0 : i32
        %dma_wait3A_21 = tpu.memref_slice %arg6[%mul3A_17, %dma_wait3A] : memref<2176x128xf32, #tpu.memory_space<hbm>> -> memref<136x128xf32, #tpu.memory_space<hbm>>
        %dma_wait3A_22 = arith.constant 0 : i32
        %dma_wait3A_23 = tpu.memref_slice %arg10[%mul3A_15, %dma_wait3A_22] : memref<10112x128xf32, #tpu.memory_space<vmem_shared>> -> memref<136x128xf32, #tpu.memory_space<vmem_shared>>
        tpu.wait_dma2 semaphore(%run_scoped3A : memref<!tpu.dma_semaphore, #tpu.memory_space<semaphore_mem>>) src(%dma_wait3A_23 : memref<136x128xf32, #tpu.memory_space<vmem_shared>>) dst(%dma_wait3A_21 : memref<136x128xf32, #tpu.memory_space<hbm>>)
        tpu.yield
      }) : () -> ()
    } else {
    }
    %eq3A_2 = arith.constant 1 : i32
    %eq3A_3 = arith.cmpi eq, %arg0, %eq3A_2 : i32
    %convert_element_type3A_4 = arith.extui %eq3A_3 : i1 to i32
    %cond3A_5 = arith.constant 0 : i32
    %cond3A_6 = arith.cmpi ne, %convert_element_type3A_4, %cond3A_5 : i32
    scf.if %cond3A_6 {
      %mul3A = arith.constant 632 : i32
      %mul3A_7 = arith.muli %arg1, %mul3A : i32
      "tpu.region"() ({
        %run_scoped3A = tpu.sem_alloc : memref<!tpu.dma_semaphore, #tpu.memory_space<semaphore_mem>>
        %dma_start3A = arith.constant 0 : i32
        %dma_start3A_18 = tpu.memref_slice %arg10[%mul3A_7, %dma_start3A] : memref<10112x128xf32, #tpu.memory_space<vmem_shared>> -> memref<632x128xf32, #tpu.memory_space<vmem_shared>>
        %dma_start3A_19 = arith.constant 0 : i32
        %dma_start3A_20 = arith.constant 0 : i32
        %dma_start3A_21 = tpu.memref_slice %arg5[%dma_start3A_19, %dma_start3A_20] : memref<632x128xf32, #tpu.memory_space<hbm>> -> memref<632x128xf32, #tpu.memory_space<hbm>>
        tpu.enqueue_dma source(%dma_start3A_21 : memref<632x128xf32, #tpu.memory_space<hbm>>) target(%dma_start3A_18 : memref<632x128xf32, #tpu.memory_space<vmem_shared>>) target_semaphore(%run_scoped3A : memref<!tpu.dma_semaphore, #tpu.memory_space<semaphore_mem>>)
        %dma_wait3A = arith.constant 0 : i32
        %dma_wait3A_22 = tpu.memref_slice %arg10[%mul3A_7, %dma_wait3A] : memref<10112x128xf32, #tpu.memory_space<vmem_shared>> -> memref<632x128xf32, #tpu.memory_space<vmem_shared>>
        %dma_wait3A_23 = arith.constant 0 : i32
        %dma_wait3A_24 = arith.constant 0 : i32
        %dma_wait3A_25 = tpu.memref_slice %arg5[%dma_wait3A_23, %dma_wait3A_24] : memref<632x128xf32, #tpu.memory_space<hbm>> -> memref<632x128xf32, #tpu.memory_space<hbm>>
        tpu.wait_dma2 semaphore(%run_scoped3A : memref<!tpu.dma_semaphore, #tpu.memory_space<semaphore_mem>>) src(%dma_wait3A_25 : memref<632x128xf32, #tpu.memory_space<hbm>>) dst(%dma_wait3A_22 : memref<632x128xf32, #tpu.memory_space<vmem_shared>>)
        tpu.yield
      }) : () -> ()
      %barrier3A = arith.constant 0 : index
      tpu.barrier barrier_id(%barrier3A)
      %scan3A = arith.constant 0 : i32
      %scan3A_8 = arith.constant 0 : i32
      %scan3A_9 = arith.constant 79 : i32
      %scan3A_10 = arith.addi %scan3A_8, %scan3A_9 : i32
      %scan3A_11 = arith.constant 1 : i32
      scf.for %scan3A_18 = %scan3A_8 to %scan3A_10 step %scan3A_11  : i32 {
        %mul3A_19 = arith.constant 10112 : i32
        %mul3A_20 = arith.muli %arg1, %mul3A_19 : i32
        %mul3A_21 = arith.constant 128 : i32
        %mul3A_22 = arith.muli %scan3A_18, %mul3A_21 : i32
        %add3A = arith.addi %mul3A_20, %mul3A_22 : i32
        "tpu.region"() ({
          %run_scoped3A = tpu.sem_alloc : memref<!tpu.dma_semaphore, #tpu.memory_space<semaphore_mem>>
          %dma_start3A = tpu.memref_slice %arg3[%add3A] : memref<161792xi32, #tpu.memory_space<hbm>> -> memref<128xi32, #tpu.memory_space<hbm>>
          %dma_start3A_23 = tpu.memref_slice %arg3[%add3A] : memref<161792xi32, #tpu.memory_space<hbm>> -> memref<128xi32, #tpu.memory_space<hbm>>
          tpu.enqueue_dma source(%dma_start3A_23 : memref<128xi32, #tpu.memory_space<hbm>>) target(%arg8 : memref<128xi32, #tpu.memory_space<vmem>>) target_semaphore(%run_scoped3A : memref<!tpu.dma_semaphore, #tpu.memory_space<semaphore_mem>>)
          %dma_wait3A = tpu.memref_slice %arg3[%add3A] : memref<161792xi32, #tpu.memory_space<hbm>> -> memref<128xi32, #tpu.memory_space<hbm>>
          %dma_wait3A_24 = tpu.memref_slice %arg3[%add3A] : memref<161792xi32, #tpu.memory_space<hbm>> -> memref<128xi32, #tpu.memory_space<hbm>>
          tpu.wait_dma2 semaphore(%run_scoped3A : memref<!tpu.dma_semaphore, #tpu.memory_space<semaphore_mem>>) src(%dma_wait3A_24 : memref<128xi32, #tpu.memory_space<hbm>>) dst(%arg8 : memref<128xi32, #tpu.memory_space<vmem>>)
          tpu.yield
        }) : () -> ()
        "tpu.region"() ({
          %run_scoped3A = tpu.sem_alloc : memref<!tpu.dma_semaphore, #tpu.memory_space<semaphore_mem>>
          %dma_start3A = arith.constant 0 : i32
          %dma_start3A_23 = arith.constant 0 : i32
          %dma_start3A_24 = tpu.memref_slice %arg10[%dma_start3A, %dma_start3A_23] : memref<10112x128xf32, #tpu.memory_space<vmem_shared>> -> memref<10112x128xf32, #tpu.memory_space<vmem_shared>>
          tpu.enqueue_indirect_dma source(%arg9 : memref<128x128xf32, #tpu.memory_space<vmem>>) target(%dma_start3A_24 : memref<10112x128xf32, #tpu.memory_space<vmem_shared>>) offsets(%arg8 : memref<128xi32, #tpu.memory_space<vmem>>) semaphore(%run_scoped3A : memref<!tpu.dma_semaphore, #tpu.memory_space<semaphore_mem>>) {add = true}
          %dma_wait3A = arith.constant 0 : i32
          %dma_wait3A_25 = arith.constant 0 : i32
          %dma_wait3A_26 = tpu.memref_slice %arg10[%dma_wait3A, %dma_wait3A_25] : memref<10112x128xf32, #tpu.memory_space<vmem_shared>> -> memref<10112x128xf32, #tpu.memory_space<vmem_shared>>
          tpu.wait_indirect_dma semaphore(%run_scoped3A : memref<!tpu.dma_semaphore, #tpu.memory_space<semaphore_mem>>) src(%arg9 : memref<128x128xf32, #tpu.memory_space<vmem>>) dst(%dma_wait3A_26 : memref<10112x128xf32, #tpu.memory_space<vmem_shared>>)
          tpu.yield
        }) : () -> ()
      }
      %scan3A_12 = arith.constant 79 : i32
      %barrier3A_13 = arith.constant 0 : index
      tpu.barrier barrier_id(%barrier3A_13)
      %mul3A_14 = arith.constant 632 : i32
      %mul3A_15 = arith.muli %arg1, %mul3A_14 : i32
      %mul3A_16 = arith.constant 632 : i32
      %mul3A_17 = arith.muli %arg1, %mul3A_16 : i32
      "tpu.region"() ({
        %run_scoped3A = tpu.sem_alloc : memref<!tpu.dma_semaphore, #tpu.memory_space<semaphore_mem>>
        %dma_start3A = arith.constant 0 : i32
        %dma_start3A_18 = tpu.memref_slice %arg7[%mul3A_17, %dma_start3A] : memref<10112x128xf32, #tpu.memory_space<hbm>> -> memref<632x128xf32, #tpu.memory_space<hbm>>
        %dma_start3A_19 = arith.constant 0 : i32
        %dma_start3A_20 = tpu.memref_slice %arg10[%mul3A_15, %dma_start3A_19] : memref<10112x128xf32, #tpu.memory_space<vmem_shared>> -> memref<632x128xf32, #tpu.memory_space<vmem_shared>>
        tpu.enqueue_dma source(%dma_start3A_20 : memref<632x128xf32, #tpu.memory_space<vmem_shared>>) target(%dma_start3A_18 : memref<632x128xf32, #tpu.memory_space<hbm>>) target_semaphore(%run_scoped3A : memref<!tpu.dma_semaphore, #tpu.memory_space<semaphore_mem>>)
        %dma_wait3A = arith.constant 0 : i32
        %dma_wait3A_21 = tpu.memref_slice %arg7[%mul3A_17, %dma_wait3A] : memref<10112x128xf32, #tpu.memory_space<hbm>> -> memref<632x128xf32, #tpu.memory_space<hbm>>
        %dma_wait3A_22 = arith.constant 0 : i32
        %dma_wait3A_23 = tpu.memref_slice %arg10[%mul3A_15, %dma_wait3A_22] : memref<10112x128xf32, #tpu.memory_space<vmem_shared>> -> memref<632x128xf32, #tpu.memory_space<vmem_shared>>
        tpu.wait_dma2 semaphore(%run_scoped3A : memref<!tpu.dma_semaphore, #tpu.memory_space<semaphore_mem>>) src(%dma_wait3A_23 : memref<632x128xf32, #tpu.memory_space<vmem_shared>>) dst(%dma_wait3A_21 : memref<632x128xf32, #tpu.memory_space<hbm>>)
        tpu.yield
      }) : () -> ()
    } else {
    }
    return
  }
}

#map = affine_map<(d0, d1) -> (0, 0)>
#map1 = affine_map<(d0, d1) -> (0)>
module attributes {stable_mosaic.version = 14 : i64} {
  func.func @k(%arg0: i32, %arg1: i32, %arg2: memref<10000x128xf32, #tpu.memory_space<hbm>>, %arg3: memref<10000x128xf32, #tpu.memory_space<hbm>>, %arg4: memref<10000x128xf32, #tpu.memory_space<hbm>>, %arg5: memref<10000x128xf32, #tpu.memory_space<hbm>>, %arg6: memref<200704xi32, #tpu.memory_space<hbm>>, %arg7: memref<200704xi32, #tpu.memory_space<hbm>>, %arg8: memref<161792xi32, #tpu.memory_space<hbm>>, %arg9: memref<161792xi32, #tpu.memory_space<hbm>>, %arg10: memref<632x128xf32, #tpu.memory_space<hbm>>, %arg11: memref<2176x128xf32, #tpu.memory_space<hbm>>, %arg12: memref<2176x128xf32, #tpu.memory_space<hbm>>, %arg13: memref<10112x128xf32, #tpu.memory_space<hbm>>, %arg14: memref<10112x128xf32, #tpu.memory_space<hbm>>, %arg15: memref<128xi32, #tpu.memory_space<vmem>>, %arg16: memref<128xi32, #tpu.memory_space<vmem>>, %arg17: memref<128x128xf32, #tpu.memory_space<vmem>>, %arg18: memref<10112x128xf32, #tpu.memory_space<vmem_shared>>, %arg19: memref<!tpu.dma_semaphore, #tpu.memory_space<semaphore_mem>>) attributes {dimension_semantics = [#tpu.dimension_semantics<core_parallel>, #tpu.dimension_semantics<subcore_parallel>], iteration_bounds = array<i64: 2, 16>, scalar_prefetch = 0 : i64, scratch_operands = 5 : i64, tpu.core_type = #tpu.core_type<sc_vector_subcore>, window_params = [{transform_indices = #map}, {transform_indices = #map}, {transform_indices = #map}, {transform_indices = #map}, {transform_indices = #map1}, {transform_indices = #map1}, {transform_indices = #map1}, {transform_indices = #map1}, {transform_indices = #map}, {transform_indices = #map}, {transform_indices = #map}, {transform_indices = #map}, {transform_indices = #map}]} {
    %eq3A = arith.constant 0 : i32
    %eq3A_0 = arith.cmpi eq, %arg0, %eq3A : i32
    %convert_element_type3A = arith.extui %eq3A_0 : i1 to i32
    %cond3A = arith.constant 0 : i32
    %cond3A_1 = arith.cmpi ne, %convert_element_type3A, %cond3A : i32
    scf.if %cond3A_1 {
      %mul3A = arith.constant 136 : i32
      %mul3A_7 = arith.muli %arg1, %mul3A : i32
      "tpu.region"() ({
        %run_scoped3A = tpu.sem_alloc : memref<!tpu.dma_semaphore, #tpu.memory_space<semaphore_mem>>
        %dma_start3A = arith.constant 0 : i32
        %dma_start3A_42 = tpu.memref_slice %arg18[%mul3A_7, %dma_start3A] : memref<10112x128xf32, #tpu.memory_space<vmem_shared>> -> memref<136x128xf32, #tpu.memory_space<vmem_shared>>
        %dma_start3A_43 = arith.constant 0 : i32
        %dma_start3A_44 = arith.constant 0 : i32
        %dma_start3A_45 = tpu.memref_slice %arg10[%dma_start3A_43, %dma_start3A_44] : memref<632x128xf32, #tpu.memory_space<hbm>> -> memref<136x128xf32, #tpu.memory_space<hbm>>
        tpu.enqueue_dma source(%dma_start3A_45 : memref<136x128xf32, #tpu.memory_space<hbm>>) target(%dma_start3A_42 : memref<136x128xf32, #tpu.memory_space<vmem_shared>>) target_semaphore(%run_scoped3A : memref<!tpu.dma_semaphore, #tpu.memory_space<semaphore_mem>>)
        %dma_wait3A = arith.constant 0 : i32
        %dma_wait3A_46 = tpu.memref_slice %arg18[%mul3A_7, %dma_wait3A] : memref<10112x128xf32, #tpu.memory_space<vmem_shared>> -> memref<136x128xf32, #tpu.memory_space<vmem_shared>>
        %dma_wait3A_47 = arith.constant 0 : i32
        %dma_wait3A_48 = arith.constant 0 : i32
        %dma_wait3A_49 = tpu.memref_slice %arg10[%dma_wait3A_47, %dma_wait3A_48] : memref<632x128xf32, #tpu.memory_space<hbm>> -> memref<136x128xf32, #tpu.memory_space<hbm>>
        tpu.wait_dma2 semaphore(%run_scoped3A : memref<!tpu.dma_semaphore, #tpu.memory_space<semaphore_mem>>) src(%dma_wait3A_49 : memref<136x128xf32, #tpu.memory_space<hbm>>) dst(%dma_wait3A_46 : memref<136x128xf32, #tpu.memory_space<vmem_shared>>)
        tpu.yield
      }) : () -> ()
      %barrier3A = arith.constant 0 : index
      tpu.barrier barrier_id(%barrier3A)
      %mul3A_8 = arith.constant 98 : i32
      %mul3A_9 = arith.muli %arg1, %mul3A_8 : i32
      %mul3A_10 = arith.constant 128 : i32
      %mul3A_11 = arith.muli %mul3A_9, %mul3A_10 : i32
      %scan3A = arith.constant 0 : i32
      %scan3A_12 = arith.constant 0 : i32
      %scan3A_13 = arith.constant 98 : i32
      %scan3A_14 = arith.addi %scan3A_12, %scan3A_13 : i32
      %scan3A_15 = arith.constant 1 : i32
      scf.for %scan3A_42 = %scan3A_12 to %scan3A_14 step %scan3A_15  : i32 {
        %mul3A_43 = arith.constant 128 : i32
        %mul3A_44 = arith.muli %scan3A_42, %mul3A_43 : i32
        %add3A = arith.addi %mul3A_11, %mul3A_44 : i32
        "tpu.region"() ({
          %run_scoped3A = tpu.sem_alloc : memref<!tpu.dma_semaphore, #tpu.memory_space<semaphore_mem>>
          %dma_start3A_49 = tpu.memref_slice %arg6[%add3A] : memref<200704xi32, #tpu.memory_space<hbm>> -> memref<128xi32, #tpu.memory_space<hbm>>
          %dma_start3A_50 = tpu.memref_slice %arg6[%add3A] : memref<200704xi32, #tpu.memory_space<hbm>> -> memref<128xi32, #tpu.memory_space<hbm>>
          tpu.enqueue_dma source(%dma_start3A_50 : memref<128xi32, #tpu.memory_space<hbm>>) target(%arg15 : memref<128xi32, #tpu.memory_space<vmem>>) target_semaphore(%run_scoped3A : memref<!tpu.dma_semaphore, #tpu.memory_space<semaphore_mem>>)
          %dma_wait3A_51 = tpu.memref_slice %arg6[%add3A] : memref<200704xi32, #tpu.memory_space<hbm>> -> memref<128xi32, #tpu.memory_space<hbm>>
          %dma_wait3A_52 = tpu.memref_slice %arg6[%add3A] : memref<200704xi32, #tpu.memory_space<hbm>> -> memref<128xi32, #tpu.memory_space<hbm>>
          tpu.wait_dma2 semaphore(%run_scoped3A : memref<!tpu.dma_semaphore, #tpu.memory_space<semaphore_mem>>) src(%dma_wait3A_52 : memref<128xi32, #tpu.memory_space<hbm>>) dst(%arg15 : memref<128xi32, #tpu.memory_space<vmem>>)
          tpu.yield
        }) : () -> ()
        "tpu.region"() ({
          %run_scoped3A = tpu.sem_alloc : memref<!tpu.dma_semaphore, #tpu.memory_space<semaphore_mem>>
          %dma_start3A_49 = tpu.memref_slice %arg7[%add3A] : memref<200704xi32, #tpu.memory_space<hbm>> -> memref<128xi32, #tpu.memory_space<hbm>>
          %dma_start3A_50 = tpu.memref_slice %arg7[%add3A] : memref<200704xi32, #tpu.memory_space<hbm>> -> memref<128xi32, #tpu.memory_space<hbm>>
          tpu.enqueue_dma source(%dma_start3A_50 : memref<128xi32, #tpu.memory_space<hbm>>) target(%arg16 : memref<128xi32, #tpu.memory_space<vmem>>) target_semaphore(%run_scoped3A : memref<!tpu.dma_semaphore, #tpu.memory_space<semaphore_mem>>)
          %dma_wait3A_51 = tpu.memref_slice %arg7[%add3A] : memref<200704xi32, #tpu.memory_space<hbm>> -> memref<128xi32, #tpu.memory_space<hbm>>
          %dma_wait3A_52 = tpu.memref_slice %arg7[%add3A] : memref<200704xi32, #tpu.memory_space<hbm>> -> memref<128xi32, #tpu.memory_space<hbm>>
          tpu.wait_dma2 semaphore(%run_scoped3A : memref<!tpu.dma_semaphore, #tpu.memory_space<semaphore_mem>>) src(%dma_wait3A_52 : memref<128xi32, #tpu.memory_space<hbm>>) dst(%arg16 : memref<128xi32, #tpu.memory_space<vmem>>)
          tpu.yield
        }) : () -> ()
        %dma_start3A = arith.constant 0 : i32
        %dma_start3A_45 = arith.constant 0 : i32
        %dma_start3A_46 = tpu.memref_slice %arg2[%dma_start3A, %dma_start3A_45] : memref<10000x128xf32, #tpu.memory_space<hbm>> -> memref<10000x128xf32, #tpu.memory_space<hbm>>
        tpu.enqueue_indirect_dma source(%dma_start3A_46 : memref<10000x128xf32, #tpu.memory_space<hbm>>) target(%arg17 : memref<128x128xf32, #tpu.memory_space<vmem>>) offsets(%arg15 : memref<128xi32, #tpu.memory_space<vmem>>) semaphore(%arg19 : memref<!tpu.dma_semaphore, #tpu.memory_space<semaphore_mem>>)
        %dma_wait3A = arith.constant 0 : i32
        %dma_wait3A_47 = arith.constant 0 : i32
        %dma_wait3A_48 = tpu.memref_slice %arg2[%dma_wait3A, %dma_wait3A_47] : memref<10000x128xf32, #tpu.memory_space<hbm>> -> memref<10000x128xf32, #tpu.memory_space<hbm>>
        tpu.wait_indirect_dma semaphore(%arg19 : memref<!tpu.dma_semaphore, #tpu.memory_space<semaphore_mem>>) src(%dma_wait3A_48 : memref<10000x128xf32, #tpu.memory_space<hbm>>) dst(%arg17 : memref<128x128xf32, #tpu.memory_space<vmem>>)
        "tpu.region"() ({
          %run_scoped3A = tpu.sem_alloc : memref<!tpu.dma_semaphore, #tpu.memory_space<semaphore_mem>>
          %dma_start3A_49 = arith.constant 0 : i32
          %dma_start3A_50 = arith.constant 0 : i32
          %dma_start3A_51 = tpu.memref_slice %arg18[%dma_start3A_49, %dma_start3A_50] : memref<10112x128xf32, #tpu.memory_space<vmem_shared>> -> memref<10112x128xf32, #tpu.memory_space<vmem_shared>>
          tpu.enqueue_indirect_dma source(%arg17 : memref<128x128xf32, #tpu.memory_space<vmem>>) target(%dma_start3A_51 : memref<10112x128xf32, #tpu.memory_space<vmem_shared>>) offsets(%arg16 : memref<128xi32, #tpu.memory_space<vmem>>) semaphore(%run_scoped3A : memref<!tpu.dma_semaphore, #tpu.memory_space<semaphore_mem>>) {add = true}
          %dma_wait3A_52 = arith.constant 0 : i32
          %dma_wait3A_53 = arith.constant 0 : i32
          %dma_wait3A_54 = tpu.memref_slice %arg18[%dma_wait3A_52, %dma_wait3A_53] : memref<10112x128xf32, #tpu.memory_space<vmem_shared>> -> memref<10112x128xf32, #tpu.memory_space<vmem_shared>>
          tpu.wait_indirect_dma semaphore(%run_scoped3A : memref<!tpu.dma_semaphore, #tpu.memory_space<semaphore_mem>>) src(%arg17 : memref<128x128xf32, #tpu.memory_space<vmem>>) dst(%dma_wait3A_54 : memref<10112x128xf32, #tpu.memory_space<vmem_shared>>)
          tpu.yield
        }) : () -> ()
      }
      %scan3A_16 = arith.constant 98 : i32
      %barrier3A_17 = arith.constant 0 : index
      tpu.barrier barrier_id(%barrier3A_17)
      %mul3A_18 = arith.constant 136 : i32
      %mul3A_19 = arith.muli %arg1, %mul3A_18 : i32
      %mul3A_20 = arith.constant 136 : i32
      %mul3A_21 = arith.muli %arg1, %mul3A_20 : i32
      "tpu.region"() ({
        %run_scoped3A = tpu.sem_alloc : memref<!tpu.dma_semaphore, #tpu.memory_space<semaphore_mem>>
        %dma_start3A = arith.constant 0 : i32
        %dma_start3A_42 = tpu.memref_slice %arg11[%mul3A_21, %dma_start3A] : memref<2176x128xf32, #tpu.memory_space<hbm>> -> memref<136x128xf32, #tpu.memory_space<hbm>>
        %dma_start3A_43 = arith.constant 0 : i32
        %dma_start3A_44 = tpu.memref_slice %arg18[%mul3A_19, %dma_start3A_43] : memref<10112x128xf32, #tpu.memory_space<vmem_shared>> -> memref<136x128xf32, #tpu.memory_space<vmem_shared>>
        tpu.enqueue_dma source(%dma_start3A_44 : memref<136x128xf32, #tpu.memory_space<vmem_shared>>) target(%dma_start3A_42 : memref<136x128xf32, #tpu.memory_space<hbm>>) target_semaphore(%run_scoped3A : memref<!tpu.dma_semaphore, #tpu.memory_space<semaphore_mem>>)
        %dma_wait3A = arith.constant 0 : i32
        %dma_wait3A_45 = tpu.memref_slice %arg11[%mul3A_21, %dma_wait3A] : memref<2176x128xf32, #tpu.memory_space<hbm>> -> memref<136x128xf32, #tpu.memory_space<hbm>>
        %dma_wait3A_46 = arith.constant 0 : i32
        %dma_wait3A_47 = tpu.memref_slice %arg18[%mul3A_19, %dma_wait3A_46] : memref<10112x128xf32, #tpu.memory_space<vmem_shared>> -> memref<136x128xf32, #tpu.memory_space<vmem_shared>>
        tpu.wait_dma2 semaphore(%run_scoped3A : memref<!tpu.dma_semaphore, #tpu.memory_space<semaphore_mem>>) src(%dma_wait3A_47 : memref<136x128xf32, #tpu.memory_space<vmem_shared>>) dst(%dma_wait3A_45 : memref<136x128xf32, #tpu.memory_space<hbm>>)
        tpu.yield
      }) : () -> ()
      %barrier3A_22 = arith.constant 0 : index
      tpu.barrier barrier_id(%barrier3A_22)
      %mul3A_23 = arith.constant 632 : i32
      %mul3A_24 = arith.muli %arg1, %mul3A_23 : i32
      "tpu.region"() ({
        %run_scoped3A = tpu.sem_alloc : memref<!tpu.dma_semaphore, #tpu.memory_space<semaphore_mem>>
        %dma_start3A = arith.constant 0 : i32
        %dma_start3A_42 = tpu.memref_slice %arg18[%mul3A_24, %dma_start3A] : memref<10112x128xf32, #tpu.memory_space<vmem_shared>> -> memref<632x128xf32, #tpu.memory_space<vmem_shared>>
        %dma_start3A_43 = arith.constant 0 : i32
        %dma_start3A_44 = arith.constant 0 : i32
        %dma_start3A_45 = tpu.memref_slice %arg10[%dma_start3A_43, %dma_start3A_44] : memref<632x128xf32, #tpu.memory_space<hbm>> -> memref<632x128xf32, #tpu.memory_space<hbm>>
        tpu.enqueue_dma source(%dma_start3A_45 : memref<632x128xf32, #tpu.memory_space<hbm>>) target(%dma_start3A_42 : memref<632x128xf32, #tpu.memory_space<vmem_shared>>) target_semaphore(%run_scoped3A : memref<!tpu.dma_semaphore, #tpu.memory_space<semaphore_mem>>)
        %dma_wait3A = arith.constant 0 : i32
        %dma_wait3A_46 = tpu.memref_slice %arg18[%mul3A_24, %dma_wait3A] : memref<10112x128xf32, #tpu.memory_space<vmem_shared>> -> memref<632x128xf32, #tpu.memory_space<vmem_shared>>
        %dma_wait3A_47 = arith.constant 0 : i32
        %dma_wait3A_48 = arith.constant 0 : i32
        %dma_wait3A_49 = tpu.memref_slice %arg10[%dma_wait3A_47, %dma_wait3A_48] : memref<632x128xf32, #tpu.memory_space<hbm>> -> memref<632x128xf32, #tpu.memory_space<hbm>>
        tpu.wait_dma2 semaphore(%run_scoped3A : memref<!tpu.dma_semaphore, #tpu.memory_space<semaphore_mem>>) src(%dma_wait3A_49 : memref<632x128xf32, #tpu.memory_space<hbm>>) dst(%dma_wait3A_46 : memref<632x128xf32, #tpu.memory_space<vmem_shared>>)
        tpu.yield
      }) : () -> ()
      %barrier3A_25 = arith.constant 0 : index
      tpu.barrier barrier_id(%barrier3A_25)
      %mul3A_26 = arith.constant 79 : i32
      %mul3A_27 = arith.muli %arg1, %mul3A_26 : i32
      %mul3A_28 = arith.constant 128 : i32
      %mul3A_29 = arith.muli %mul3A_27, %mul3A_28 : i32
      %scan3A_30 = arith.constant 0 : i32
      %scan3A_31 = arith.constant 0 : i32
      %scan3A_32 = arith.constant 79 : i32
      %scan3A_33 = arith.addi %scan3A_31, %scan3A_32 : i32
      %scan3A_34 = arith.constant 1 : i32
      scf.for %scan3A_42 = %scan3A_31 to %scan3A_33 step %scan3A_34  : i32 {
        %mul3A_43 = arith.constant 128 : i32
        %mul3A_44 = arith.muli %scan3A_42, %mul3A_43 : i32
        %add3A = arith.addi %mul3A_29, %mul3A_44 : i32
        "tpu.region"() ({
          %run_scoped3A = tpu.sem_alloc : memref<!tpu.dma_semaphore, #tpu.memory_space<semaphore_mem>>
          %dma_start3A_49 = tpu.memref_slice %arg8[%add3A] : memref<161792xi32, #tpu.memory_space<hbm>> -> memref<128xi32, #tpu.memory_space<hbm>>
          %dma_start3A_50 = tpu.memref_slice %arg8[%add3A] : memref<161792xi32, #tpu.memory_space<hbm>> -> memref<128xi32, #tpu.memory_space<hbm>>
          tpu.enqueue_dma source(%dma_start3A_50 : memref<128xi32, #tpu.memory_space<hbm>>) target(%arg15 : memref<128xi32, #tpu.memory_space<vmem>>) target_semaphore(%run_scoped3A : memref<!tpu.dma_semaphore, #tpu.memory_space<semaphore_mem>>)
          %dma_wait3A_51 = tpu.memref_slice %arg8[%add3A] : memref<161792xi32, #tpu.memory_space<hbm>> -> memref<128xi32, #tpu.memory_space<hbm>>
          %dma_wait3A_52 = tpu.memref_slice %arg8[%add3A] : memref<161792xi32, #tpu.memory_space<hbm>> -> memref<128xi32, #tpu.memory_space<hbm>>
          tpu.wait_dma2 semaphore(%run_scoped3A : memref<!tpu.dma_semaphore, #tpu.memory_space<semaphore_mem>>) src(%dma_wait3A_52 : memref<128xi32, #tpu.memory_space<hbm>>) dst(%arg15 : memref<128xi32, #tpu.memory_space<vmem>>)
          tpu.yield
        }) : () -> ()
        "tpu.region"() ({
          %run_scoped3A = tpu.sem_alloc : memref<!tpu.dma_semaphore, #tpu.memory_space<semaphore_mem>>
          %dma_start3A_49 = tpu.memref_slice %arg9[%add3A] : memref<161792xi32, #tpu.memory_space<hbm>> -> memref<128xi32, #tpu.memory_space<hbm>>
          %dma_start3A_50 = tpu.memref_slice %arg9[%add3A] : memref<161792xi32, #tpu.memory_space<hbm>> -> memref<128xi32, #tpu.memory_space<hbm>>
          tpu.enqueue_dma source(%dma_start3A_50 : memref<128xi32, #tpu.memory_space<hbm>>) target(%arg16 : memref<128xi32, #tpu.memory_space<vmem>>) target_semaphore(%run_scoped3A : memref<!tpu.dma_semaphore, #tpu.memory_space<semaphore_mem>>)
          %dma_wait3A_51 = tpu.memref_slice %arg9[%add3A] : memref<161792xi32, #tpu.memory_space<hbm>> -> memref<128xi32, #tpu.memory_space<hbm>>
          %dma_wait3A_52 = tpu.memref_slice %arg9[%add3A] : memref<161792xi32, #tpu.memory_space<hbm>> -> memref<128xi32, #tpu.memory_space<hbm>>
          tpu.wait_dma2 semaphore(%run_scoped3A : memref<!tpu.dma_semaphore, #tpu.memory_space<semaphore_mem>>) src(%dma_wait3A_52 : memref<128xi32, #tpu.memory_space<hbm>>) dst(%arg16 : memref<128xi32, #tpu.memory_space<vmem>>)
          tpu.yield
        }) : () -> ()
        %dma_start3A = arith.constant 0 : i32
        %dma_start3A_45 = arith.constant 0 : i32
        %dma_start3A_46 = tpu.memref_slice %arg4[%dma_start3A, %dma_start3A_45] : memref<10000x128xf32, #tpu.memory_space<hbm>> -> memref<10000x128xf32, #tpu.memory_space<hbm>>
        tpu.enqueue_indirect_dma source(%dma_start3A_46 : memref<10000x128xf32, #tpu.memory_space<hbm>>) target(%arg17 : memref<128x128xf32, #tpu.memory_space<vmem>>) offsets(%arg15 : memref<128xi32, #tpu.memory_space<vmem>>) semaphore(%arg19 : memref<!tpu.dma_semaphore, #tpu.memory_space<semaphore_mem>>)
        %dma_wait3A = arith.constant 0 : i32
        %dma_wait3A_47 = arith.constant 0 : i32
        %dma_wait3A_48 = tpu.memref_slice %arg4[%dma_wait3A, %dma_wait3A_47] : memref<10000x128xf32, #tpu.memory_space<hbm>> -> memref<10000x128xf32, #tpu.memory_space<hbm>>
        tpu.wait_indirect_dma semaphore(%arg19 : memref<!tpu.dma_semaphore, #tpu.memory_space<semaphore_mem>>) src(%dma_wait3A_48 : memref<10000x128xf32, #tpu.memory_space<hbm>>) dst(%arg17 : memref<128x128xf32, #tpu.memory_space<vmem>>)
        "tpu.region"() ({
          %run_scoped3A = tpu.sem_alloc : memref<!tpu.dma_semaphore, #tpu.memory_space<semaphore_mem>>
          %dma_start3A_49 = arith.constant 0 : i32
          %dma_start3A_50 = arith.constant 0 : i32
          %dma_start3A_51 = tpu.memref_slice %arg18[%dma_start3A_49, %dma_start3A_50] : memref<10112x128xf32, #tpu.memory_space<vmem_shared>> -> memref<10112x128xf32, #tpu.memory_space<vmem_shared>>
          tpu.enqueue_indirect_dma source(%arg17 : memref<128x128xf32, #tpu.memory_space<vmem>>) target(%dma_start3A_51 : memref<10112x128xf32, #tpu.memory_space<vmem_shared>>) offsets(%arg16 : memref<128xi32, #tpu.memory_space<vmem>>) semaphore(%run_scoped3A : memref<!tpu.dma_semaphore, #tpu.memory_space<semaphore_mem>>) {add = true}
          %dma_wait3A_52 = arith.constant 0 : i32
          %dma_wait3A_53 = arith.constant 0 : i32
          %dma_wait3A_54 = tpu.memref_slice %arg18[%dma_wait3A_52, %dma_wait3A_53] : memref<10112x128xf32, #tpu.memory_space<vmem_shared>> -> memref<10112x128xf32, #tpu.memory_space<vmem_shared>>
          tpu.wait_indirect_dma semaphore(%run_scoped3A : memref<!tpu.dma_semaphore, #tpu.memory_space<semaphore_mem>>) src(%arg17 : memref<128x128xf32, #tpu.memory_space<vmem>>) dst(%dma_wait3A_54 : memref<10112x128xf32, #tpu.memory_space<vmem_shared>>)
          tpu.yield
        }) : () -> ()
      }
      %scan3A_35 = arith.constant 79 : i32
      %barrier3A_36 = arith.constant 0 : index
      tpu.barrier barrier_id(%barrier3A_36)
      %mul3A_37 = arith.constant 632 : i32
      %mul3A_38 = arith.muli %arg1, %mul3A_37 : i32
      %mul3A_39 = arith.constant 632 : i32
      %mul3A_40 = arith.muli %arg1, %mul3A_39 : i32
      "tpu.region"() ({
        %run_scoped3A = tpu.sem_alloc : memref<!tpu.dma_semaphore, #tpu.memory_space<semaphore_mem>>
        %dma_start3A = arith.constant 0 : i32
        %dma_start3A_42 = tpu.memref_slice %arg13[%mul3A_40, %dma_start3A] : memref<10112x128xf32, #tpu.memory_space<hbm>> -> memref<632x128xf32, #tpu.memory_space<hbm>>
        %dma_start3A_43 = arith.constant 0 : i32
        %dma_start3A_44 = tpu.memref_slice %arg18[%mul3A_38, %dma_start3A_43] : memref<10112x128xf32, #tpu.memory_space<vmem_shared>> -> memref<632x128xf32, #tpu.memory_space<vmem_shared>>
        tpu.enqueue_dma source(%dma_start3A_44 : memref<632x128xf32, #tpu.memory_space<vmem_shared>>) target(%dma_start3A_42 : memref<632x128xf32, #tpu.memory_space<hbm>>) target_semaphore(%run_scoped3A : memref<!tpu.dma_semaphore, #tpu.memory_space<semaphore_mem>>)
        %dma_wait3A = arith.constant 0 : i32
        %dma_wait3A_45 = tpu.memref_slice %arg13[%mul3A_40, %dma_wait3A] : memref<10112x128xf32, #tpu.memory_space<hbm>> -> memref<632x128xf32, #tpu.memory_space<hbm>>
        %dma_wait3A_46 = arith.constant 0 : i32
        %dma_wait3A_47 = tpu.memref_slice %arg18[%mul3A_38, %dma_wait3A_46] : memref<10112x128xf32, #tpu.memory_space<vmem_shared>> -> memref<632x128xf32, #tpu.memory_space<vmem_shared>>
        tpu.wait_dma2 semaphore(%run_scoped3A : memref<!tpu.dma_semaphore, #tpu.memory_space<semaphore_mem>>) src(%dma_wait3A_47 : memref<632x128xf32, #tpu.memory_space<vmem_shared>>) dst(%dma_wait3A_45 : memref<632x128xf32, #tpu.memory_space<hbm>>)
        tpu.yield
      }) : () -> ()
      %barrier3A_41 = arith.constant 0 : index
      tpu.barrier barrier_id(%barrier3A_41)
    } else {
    }
    %eq3A_2 = arith.constant 1 : i32
    %eq3A_3 = arith.cmpi eq, %arg0, %eq3A_2 : i32
    %convert_element_type3A_4 = arith.extui %eq3A_3 : i1 to i32
    %cond3A_5 = arith.constant 0 : i32
    %cond3A_6 = arith.cmpi ne, %convert_element_type3A_4, %cond3A_5 : i32
    scf.if %cond3A_6 {
      %mul3A = arith.constant 136 : i32
      %mul3A_7 = arith.muli %arg1, %mul3A : i32
      "tpu.region"() ({
        %run_scoped3A = tpu.sem_alloc : memref<!tpu.dma_semaphore, #tpu.memory_space<semaphore_mem>>
        %dma_start3A = arith.constant 0 : i32
        %dma_start3A_42 = tpu.memref_slice %arg18[%mul3A_7, %dma_start3A] : memref<10112x128xf32, #tpu.memory_space<vmem_shared>> -> memref<136x128xf32, #tpu.memory_space<vmem_shared>>
        %dma_start3A_43 = arith.constant 0 : i32
        %dma_start3A_44 = arith.constant 0 : i32
        %dma_start3A_45 = tpu.memref_slice %arg10[%dma_start3A_43, %dma_start3A_44] : memref<632x128xf32, #tpu.memory_space<hbm>> -> memref<136x128xf32, #tpu.memory_space<hbm>>
        tpu.enqueue_dma source(%dma_start3A_45 : memref<136x128xf32, #tpu.memory_space<hbm>>) target(%dma_start3A_42 : memref<136x128xf32, #tpu.memory_space<vmem_shared>>) target_semaphore(%run_scoped3A : memref<!tpu.dma_semaphore, #tpu.memory_space<semaphore_mem>>)
        %dma_wait3A = arith.constant 0 : i32
        %dma_wait3A_46 = tpu.memref_slice %arg18[%mul3A_7, %dma_wait3A] : memref<10112x128xf32, #tpu.memory_space<vmem_shared>> -> memref<136x128xf32, #tpu.memory_space<vmem_shared>>
        %dma_wait3A_47 = arith.constant 0 : i32
        %dma_wait3A_48 = arith.constant 0 : i32
        %dma_wait3A_49 = tpu.memref_slice %arg10[%dma_wait3A_47, %dma_wait3A_48] : memref<632x128xf32, #tpu.memory_space<hbm>> -> memref<136x128xf32, #tpu.memory_space<hbm>>
        tpu.wait_dma2 semaphore(%run_scoped3A : memref<!tpu.dma_semaphore, #tpu.memory_space<semaphore_mem>>) src(%dma_wait3A_49 : memref<136x128xf32, #tpu.memory_space<hbm>>) dst(%dma_wait3A_46 : memref<136x128xf32, #tpu.memory_space<vmem_shared>>)
        tpu.yield
      }) : () -> ()
      %barrier3A = arith.constant 0 : index
      tpu.barrier barrier_id(%barrier3A)
      %mul3A_8 = arith.constant 98 : i32
      %mul3A_9 = arith.muli %arg1, %mul3A_8 : i32
      %mul3A_10 = arith.constant 128 : i32
      %mul3A_11 = arith.muli %mul3A_9, %mul3A_10 : i32
      %scan3A = arith.constant 0 : i32
      %scan3A_12 = arith.constant 0 : i32
      %scan3A_13 = arith.constant 98 : i32
      %scan3A_14 = arith.addi %scan3A_12, %scan3A_13 : i32
      %scan3A_15 = arith.constant 1 : i32
      scf.for %scan3A_42 = %scan3A_12 to %scan3A_14 step %scan3A_15  : i32 {
        %mul3A_43 = arith.constant 128 : i32
        %mul3A_44 = arith.muli %scan3A_42, %mul3A_43 : i32
        %add3A = arith.addi %mul3A_11, %mul3A_44 : i32
        "tpu.region"() ({
          %run_scoped3A = tpu.sem_alloc : memref<!tpu.dma_semaphore, #tpu.memory_space<semaphore_mem>>
          %dma_start3A_49 = tpu.memref_slice %arg6[%add3A] : memref<200704xi32, #tpu.memory_space<hbm>> -> memref<128xi32, #tpu.memory_space<hbm>>
          %dma_start3A_50 = tpu.memref_slice %arg6[%add3A] : memref<200704xi32, #tpu.memory_space<hbm>> -> memref<128xi32, #tpu.memory_space<hbm>>
          tpu.enqueue_dma source(%dma_start3A_50 : memref<128xi32, #tpu.memory_space<hbm>>) target(%arg15 : memref<128xi32, #tpu.memory_space<vmem>>) target_semaphore(%run_scoped3A : memref<!tpu.dma_semaphore, #tpu.memory_space<semaphore_mem>>)
          %dma_wait3A_51 = tpu.memref_slice %arg6[%add3A] : memref<200704xi32, #tpu.memory_space<hbm>> -> memref<128xi32, #tpu.memory_space<hbm>>
          %dma_wait3A_52 = tpu.memref_slice %arg6[%add3A] : memref<200704xi32, #tpu.memory_space<hbm>> -> memref<128xi32, #tpu.memory_space<hbm>>
          tpu.wait_dma2 semaphore(%run_scoped3A : memref<!tpu.dma_semaphore, #tpu.memory_space<semaphore_mem>>) src(%dma_wait3A_52 : memref<128xi32, #tpu.memory_space<hbm>>) dst(%arg15 : memref<128xi32, #tpu.memory_space<vmem>>)
          tpu.yield
        }) : () -> ()
        "tpu.region"() ({
          %run_scoped3A = tpu.sem_alloc : memref<!tpu.dma_semaphore, #tpu.memory_space<semaphore_mem>>
          %dma_start3A_49 = tpu.memref_slice %arg7[%add3A] : memref<200704xi32, #tpu.memory_space<hbm>> -> memref<128xi32, #tpu.memory_space<hbm>>
          %dma_start3A_50 = tpu.memref_slice %arg7[%add3A] : memref<200704xi32, #tpu.memory_space<hbm>> -> memref<128xi32, #tpu.memory_space<hbm>>
          tpu.enqueue_dma source(%dma_start3A_50 : memref<128xi32, #tpu.memory_space<hbm>>) target(%arg16 : memref<128xi32, #tpu.memory_space<vmem>>) target_semaphore(%run_scoped3A : memref<!tpu.dma_semaphore, #tpu.memory_space<semaphore_mem>>)
          %dma_wait3A_51 = tpu.memref_slice %arg7[%add3A] : memref<200704xi32, #tpu.memory_space<hbm>> -> memref<128xi32, #tpu.memory_space<hbm>>
          %dma_wait3A_52 = tpu.memref_slice %arg7[%add3A] : memref<200704xi32, #tpu.memory_space<hbm>> -> memref<128xi32, #tpu.memory_space<hbm>>
          tpu.wait_dma2 semaphore(%run_scoped3A : memref<!tpu.dma_semaphore, #tpu.memory_space<semaphore_mem>>) src(%dma_wait3A_52 : memref<128xi32, #tpu.memory_space<hbm>>) dst(%arg16 : memref<128xi32, #tpu.memory_space<vmem>>)
          tpu.yield
        }) : () -> ()
        %dma_start3A = arith.constant 0 : i32
        %dma_start3A_45 = arith.constant 0 : i32
        %dma_start3A_46 = tpu.memref_slice %arg3[%dma_start3A, %dma_start3A_45] : memref<10000x128xf32, #tpu.memory_space<hbm>> -> memref<10000x128xf32, #tpu.memory_space<hbm>>
        tpu.enqueue_indirect_dma source(%dma_start3A_46 : memref<10000x128xf32, #tpu.memory_space<hbm>>) target(%arg17 : memref<128x128xf32, #tpu.memory_space<vmem>>) offsets(%arg15 : memref<128xi32, #tpu.memory_space<vmem>>) semaphore(%arg19 : memref<!tpu.dma_semaphore, #tpu.memory_space<semaphore_mem>>)
        %dma_wait3A = arith.constant 0 : i32
        %dma_wait3A_47 = arith.constant 0 : i32
        %dma_wait3A_48 = tpu.memref_slice %arg3[%dma_wait3A, %dma_wait3A_47] : memref<10000x128xf32, #tpu.memory_space<hbm>> -> memref<10000x128xf32, #tpu.memory_space<hbm>>
        tpu.wait_indirect_dma semaphore(%arg19 : memref<!tpu.dma_semaphore, #tpu.memory_space<semaphore_mem>>) src(%dma_wait3A_48 : memref<10000x128xf32, #tpu.memory_space<hbm>>) dst(%arg17 : memref<128x128xf32, #tpu.memory_space<vmem>>)
        "tpu.region"() ({
          %run_scoped3A = tpu.sem_alloc : memref<!tpu.dma_semaphore, #tpu.memory_space<semaphore_mem>>
          %dma_start3A_49 = arith.constant 0 : i32
          %dma_start3A_50 = arith.constant 0 : i32
          %dma_start3A_51 = tpu.memref_slice %arg18[%dma_start3A_49, %dma_start3A_50] : memref<10112x128xf32, #tpu.memory_space<vmem_shared>> -> memref<10112x128xf32, #tpu.memory_space<vmem_shared>>
          tpu.enqueue_indirect_dma source(%arg17 : memref<128x128xf32, #tpu.memory_space<vmem>>) target(%dma_start3A_51 : memref<10112x128xf32, #tpu.memory_space<vmem_shared>>) offsets(%arg16 : memref<128xi32, #tpu.memory_space<vmem>>) semaphore(%run_scoped3A : memref<!tpu.dma_semaphore, #tpu.memory_space<semaphore_mem>>) {add = true}
          %dma_wait3A_52 = arith.constant 0 : i32
          %dma_wait3A_53 = arith.constant 0 : i32
          %dma_wait3A_54 = tpu.memref_slice %arg18[%dma_wait3A_52, %dma_wait3A_53] : memref<10112x128xf32, #tpu.memory_space<vmem_shared>> -> memref<10112x128xf32, #tpu.memory_space<vmem_shared>>
          tpu.wait_indirect_dma semaphore(%run_scoped3A : memref<!tpu.dma_semaphore, #tpu.memory_space<semaphore_mem>>) src(%arg17 : memref<128x128xf32, #tpu.memory_space<vmem>>) dst(%dma_wait3A_54 : memref<10112x128xf32, #tpu.memory_space<vmem_shared>>)
          tpu.yield
        }) : () -> ()
      }
      %scan3A_16 = arith.constant 98 : i32
      %barrier3A_17 = arith.constant 0 : index
      tpu.barrier barrier_id(%barrier3A_17)
      %mul3A_18 = arith.constant 136 : i32
      %mul3A_19 = arith.muli %arg1, %mul3A_18 : i32
      %mul3A_20 = arith.constant 136 : i32
      %mul3A_21 = arith.muli %arg1, %mul3A_20 : i32
      "tpu.region"() ({
        %run_scoped3A = tpu.sem_alloc : memref<!tpu.dma_semaphore, #tpu.memory_space<semaphore_mem>>
        %dma_start3A = arith.constant 0 : i32
        %dma_start3A_42 = tpu.memref_slice %arg12[%mul3A_21, %dma_start3A] : memref<2176x128xf32, #tpu.memory_space<hbm>> -> memref<136x128xf32, #tpu.memory_space<hbm>>
        %dma_start3A_43 = arith.constant 0 : i32
        %dma_start3A_44 = tpu.memref_slice %arg18[%mul3A_19, %dma_start3A_43] : memref<10112x128xf32, #tpu.memory_space<vmem_shared>> -> memref<136x128xf32, #tpu.memory_space<vmem_shared>>
        tpu.enqueue_dma source(%dma_start3A_44 : memref<136x128xf32, #tpu.memory_space<vmem_shared>>) target(%dma_start3A_42 : memref<136x128xf32, #tpu.memory_space<hbm>>) target_semaphore(%run_scoped3A : memref<!tpu.dma_semaphore, #tpu.memory_space<semaphore_mem>>)
        %dma_wait3A = arith.constant 0 : i32
        %dma_wait3A_45 = tpu.memref_slice %arg12[%mul3A_21, %dma_wait3A] : memref<2176x128xf32, #tpu.memory_space<hbm>> -> memref<136x128xf32, #tpu.memory_space<hbm>>
        %dma_wait3A_46 = arith.constant 0 : i32
        %dma_wait3A_47 = tpu.memref_slice %arg18[%mul3A_19, %dma_wait3A_46] : memref<10112x128xf32, #tpu.memory_space<vmem_shared>> -> memref<136x128xf32, #tpu.memory_space<vmem_shared>>
        tpu.wait_dma2 semaphore(%run_scoped3A : memref<!tpu.dma_semaphore, #tpu.memory_space<semaphore_mem>>) src(%dma_wait3A_47 : memref<136x128xf32, #tpu.memory_space<vmem_shared>>) dst(%dma_wait3A_45 : memref<136x128xf32, #tpu.memory_space<hbm>>)
        tpu.yield
      }) : () -> ()
      %barrier3A_22 = arith.constant 0 : index
      tpu.barrier barrier_id(%barrier3A_22)
      %mul3A_23 = arith.constant 632 : i32
      %mul3A_24 = arith.muli %arg1, %mul3A_23 : i32
      "tpu.region"() ({
        %run_scoped3A = tpu.sem_alloc : memref<!tpu.dma_semaphore, #tpu.memory_space<semaphore_mem>>
        %dma_start3A = arith.constant 0 : i32
        %dma_start3A_42 = tpu.memref_slice %arg18[%mul3A_24, %dma_start3A] : memref<10112x128xf32, #tpu.memory_space<vmem_shared>> -> memref<632x128xf32, #tpu.memory_space<vmem_shared>>
        %dma_start3A_43 = arith.constant 0 : i32
        %dma_start3A_44 = arith.constant 0 : i32
        %dma_start3A_45 = tpu.memref_slice %arg10[%dma_start3A_43, %dma_start3A_44] : memref<632x128xf32, #tpu.memory_space<hbm>> -> memref<632x128xf32, #tpu.memory_space<hbm>>
        tpu.enqueue_dma source(%dma_start3A_45 : memref<632x128xf32, #tpu.memory_space<hbm>>) target(%dma_start3A_42 : memref<632x128xf32, #tpu.memory_space<vmem_shared>>) target_semaphore(%run_scoped3A : memref<!tpu.dma_semaphore, #tpu.memory_space<semaphore_mem>>)
        %dma_wait3A = arith.constant 0 : i32
        %dma_wait3A_46 = tpu.memref_slice %arg18[%mul3A_24, %dma_wait3A] : memref<10112x128xf32, #tpu.memory_space<vmem_shared>> -> memref<632x128xf32, #tpu.memory_space<vmem_shared>>
        %dma_wait3A_47 = arith.constant 0 : i32
        %dma_wait3A_48 = arith.constant 0 : i32
        %dma_wait3A_49 = tpu.memref_slice %arg10[%dma_wait3A_47, %dma_wait3A_48] : memref<632x128xf32, #tpu.memory_space<hbm>> -> memref<632x128xf32, #tpu.memory_space<hbm>>
        tpu.wait_dma2 semaphore(%run_scoped3A : memref<!tpu.dma_semaphore, #tpu.memory_space<semaphore_mem>>) src(%dma_wait3A_49 : memref<632x128xf32, #tpu.memory_space<hbm>>) dst(%dma_wait3A_46 : memref<632x128xf32, #tpu.memory_space<vmem_shared>>)
        tpu.yield
      }) : () -> ()
      %barrier3A_25 = arith.constant 0 : index
      tpu.barrier barrier_id(%barrier3A_25)
      %mul3A_26 = arith.constant 79 : i32
      %mul3A_27 = arith.muli %arg1, %mul3A_26 : i32
      %mul3A_28 = arith.constant 128 : i32
      %mul3A_29 = arith.muli %mul3A_27, %mul3A_28 : i32
      %scan3A_30 = arith.constant 0 : i32
      %scan3A_31 = arith.constant 0 : i32
      %scan3A_32 = arith.constant 79 : i32
      %scan3A_33 = arith.addi %scan3A_31, %scan3A_32 : i32
      %scan3A_34 = arith.constant 1 : i32
      scf.for %scan3A_42 = %scan3A_31 to %scan3A_33 step %scan3A_34  : i32 {
        %mul3A_43 = arith.constant 128 : i32
        %mul3A_44 = arith.muli %scan3A_42, %mul3A_43 : i32
        %add3A = arith.addi %mul3A_29, %mul3A_44 : i32
        "tpu.region"() ({
          %run_scoped3A = tpu.sem_alloc : memref<!tpu.dma_semaphore, #tpu.memory_space<semaphore_mem>>
          %dma_start3A_49 = tpu.memref_slice %arg8[%add3A] : memref<161792xi32, #tpu.memory_space<hbm>> -> memref<128xi32, #tpu.memory_space<hbm>>
          %dma_start3A_50 = tpu.memref_slice %arg8[%add3A] : memref<161792xi32, #tpu.memory_space<hbm>> -> memref<128xi32, #tpu.memory_space<hbm>>
          tpu.enqueue_dma source(%dma_start3A_50 : memref<128xi32, #tpu.memory_space<hbm>>) target(%arg15 : memref<128xi32, #tpu.memory_space<vmem>>) target_semaphore(%run_scoped3A : memref<!tpu.dma_semaphore, #tpu.memory_space<semaphore_mem>>)
          %dma_wait3A_51 = tpu.memref_slice %arg8[%add3A] : memref<161792xi32, #tpu.memory_space<hbm>> -> memref<128xi32, #tpu.memory_space<hbm>>
          %dma_wait3A_52 = tpu.memref_slice %arg8[%add3A] : memref<161792xi32, #tpu.memory_space<hbm>> -> memref<128xi32, #tpu.memory_space<hbm>>
          tpu.wait_dma2 semaphore(%run_scoped3A : memref<!tpu.dma_semaphore, #tpu.memory_space<semaphore_mem>>) src(%dma_wait3A_52 : memref<128xi32, #tpu.memory_space<hbm>>) dst(%arg15 : memref<128xi32, #tpu.memory_space<vmem>>)
          tpu.yield
        }) : () -> ()
        "tpu.region"() ({
          %run_scoped3A = tpu.sem_alloc : memref<!tpu.dma_semaphore, #tpu.memory_space<semaphore_mem>>
          %dma_start3A_49 = tpu.memref_slice %arg9[%add3A] : memref<161792xi32, #tpu.memory_space<hbm>> -> memref<128xi32, #tpu.memory_space<hbm>>
          %dma_start3A_50 = tpu.memref_slice %arg9[%add3A] : memref<161792xi32, #tpu.memory_space<hbm>> -> memref<128xi32, #tpu.memory_space<hbm>>
          tpu.enqueue_dma source(%dma_start3A_50 : memref<128xi32, #tpu.memory_space<hbm>>) target(%arg16 : memref<128xi32, #tpu.memory_space<vmem>>) target_semaphore(%run_scoped3A : memref<!tpu.dma_semaphore, #tpu.memory_space<semaphore_mem>>)
          %dma_wait3A_51 = tpu.memref_slice %arg9[%add3A] : memref<161792xi32, #tpu.memory_space<hbm>> -> memref<128xi32, #tpu.memory_space<hbm>>
          %dma_wait3A_52 = tpu.memref_slice %arg9[%add3A] : memref<161792xi32, #tpu.memory_space<hbm>> -> memref<128xi32, #tpu.memory_space<hbm>>
          tpu.wait_dma2 semaphore(%run_scoped3A : memref<!tpu.dma_semaphore, #tpu.memory_space<semaphore_mem>>) src(%dma_wait3A_52 : memref<128xi32, #tpu.memory_space<hbm>>) dst(%arg16 : memref<128xi32, #tpu.memory_space<vmem>>)
          tpu.yield
        }) : () -> ()
        %dma_start3A = arith.constant 0 : i32
        %dma_start3A_45 = arith.constant 0 : i32
        %dma_start3A_46 = tpu.memref_slice %arg5[%dma_start3A, %dma_start3A_45] : memref<10000x128xf32, #tpu.memory_space<hbm>> -> memref<10000x128xf32, #tpu.memory_space<hbm>>
        tpu.enqueue_indirect_dma source(%dma_start3A_46 : memref<10000x128xf32, #tpu.memory_space<hbm>>) target(%arg17 : memref<128x128xf32, #tpu.memory_space<vmem>>) offsets(%arg15 : memref<128xi32, #tpu.memory_space<vmem>>) semaphore(%arg19 : memref<!tpu.dma_semaphore, #tpu.memory_space<semaphore_mem>>)
        %dma_wait3A = arith.constant 0 : i32
        %dma_wait3A_47 = arith.constant 0 : i32
        %dma_wait3A_48 = tpu.memref_slice %arg5[%dma_wait3A, %dma_wait3A_47] : memref<10000x128xf32, #tpu.memory_space<hbm>> -> memref<10000x128xf32, #tpu.memory_space<hbm>>
        tpu.wait_indirect_dma semaphore(%arg19 : memref<!tpu.dma_semaphore, #tpu.memory_space<semaphore_mem>>) src(%dma_wait3A_48 : memref<10000x128xf32, #tpu.memory_space<hbm>>) dst(%arg17 : memref<128x128xf32, #tpu.memory_space<vmem>>)
        "tpu.region"() ({
          %run_scoped3A = tpu.sem_alloc : memref<!tpu.dma_semaphore, #tpu.memory_space<semaphore_mem>>
          %dma_start3A_49 = arith.constant 0 : i32
          %dma_start3A_50 = arith.constant 0 : i32
          %dma_start3A_51 = tpu.memref_slice %arg18[%dma_start3A_49, %dma_start3A_50] : memref<10112x128xf32, #tpu.memory_space<vmem_shared>> -> memref<10112x128xf32, #tpu.memory_space<vmem_shared>>
          tpu.enqueue_indirect_dma source(%arg17 : memref<128x128xf32, #tpu.memory_space<vmem>>) target(%dma_start3A_51 : memref<10112x128xf32, #tpu.memory_space<vmem_shared>>) offsets(%arg16 : memref<128xi32, #tpu.memory_space<vmem>>) semaphore(%run_scoped3A : memref<!tpu.dma_semaphore, #tpu.memory_space<semaphore_mem>>) {add = true}
          %dma_wait3A_52 = arith.constant 0 : i32
          %dma_wait3A_53 = arith.constant 0 : i32
          %dma_wait3A_54 = tpu.memref_slice %arg18[%dma_wait3A_52, %dma_wait3A_53] : memref<10112x128xf32, #tpu.memory_space<vmem_shared>> -> memref<10112x128xf32, #tpu.memory_space<vmem_shared>>
          tpu.wait_indirect_dma semaphore(%run_scoped3A : memref<!tpu.dma_semaphore, #tpu.memory_space<semaphore_mem>>) src(%arg17 : memref<128x128xf32, #tpu.memory_space<vmem>>) dst(%dma_wait3A_54 : memref<10112x128xf32, #tpu.memory_space<vmem_shared>>)
          tpu.yield
        }) : () -> ()
      }
      %scan3A_35 = arith.constant 79 : i32
      %barrier3A_36 = arith.constant 0 : index
      tpu.barrier barrier_id(%barrier3A_36)
      %mul3A_37 = arith.constant 632 : i32
      %mul3A_38 = arith.muli %arg1, %mul3A_37 : i32
      %mul3A_39 = arith.constant 632 : i32
      %mul3A_40 = arith.muli %arg1, %mul3A_39 : i32
      "tpu.region"() ({
        %run_scoped3A = tpu.sem_alloc : memref<!tpu.dma_semaphore, #tpu.memory_space<semaphore_mem>>
        %dma_start3A = arith.constant 0 : i32
        %dma_start3A_42 = tpu.memref_slice %arg14[%mul3A_40, %dma_start3A] : memref<10112x128xf32, #tpu.memory_space<hbm>> -> memref<632x128xf32, #tpu.memory_space<hbm>>
        %dma_start3A_43 = arith.constant 0 : i32
        %dma_start3A_44 = tpu.memref_slice %arg18[%mul3A_38, %dma_start3A_43] : memref<10112x128xf32, #tpu.memory_space<vmem_shared>> -> memref<632x128xf32, #tpu.memory_space<vmem_shared>>
        tpu.enqueue_dma source(%dma_start3A_44 : memref<632x128xf32, #tpu.memory_space<vmem_shared>>) target(%dma_start3A_42 : memref<632x128xf32, #tpu.memory_space<hbm>>) target_semaphore(%run_scoped3A : memref<!tpu.dma_semaphore, #tpu.memory_space<semaphore_mem>>)
        %dma_wait3A = arith.constant 0 : i32
        %dma_wait3A_45 = tpu.memref_slice %arg14[%mul3A_40, %dma_wait3A] : memref<10112x128xf32, #tpu.memory_space<hbm>> -> memref<632x128xf32, #tpu.memory_space<hbm>>
        %dma_wait3A_46 = arith.constant 0 : i32
        %dma_wait3A_47 = tpu.memref_slice %arg18[%mul3A_38, %dma_wait3A_46] : memref<10112x128xf32, #tpu.memory_space<vmem_shared>> -> memref<632x128xf32, #tpu.memory_space<vmem_shared>>
        tpu.wait_dma2 semaphore(%run_scoped3A : memref<!tpu.dma_semaphore, #tpu.memory_space<semaphore_mem>>) src(%dma_wait3A_47 : memref<632x128xf32, #tpu.memory_space<vmem_shared>>) dst(%dma_wait3A_45 : memref<632x128xf32, #tpu.memory_space<hbm>>)
        tpu.yield
      }) : () -> ()
      %barrier3A_41 = arith.constant 0 : index
      tpu.barrier barrier_id(%barrier3A_41)
    } else {
    }
    return
  }
}

#map = affine_map<(d0, d1) -> (0, 0)>
#map1 = affine_map<(d0, d1) -> (0)>
module attributes {stable_mosaic.version = 14 : i64} {
  func.func @k(%arg0: i32, %arg1: i32, %arg2: memref<10000x128xf32, #tpu.memory_space<hbm>>, %arg3: memref<10000x128xf32, #tpu.memory_space<hbm>>, %arg4: memref<10000x128xf32, #tpu.memory_space<hbm>>, %arg5: memref<10000x128xf32, #tpu.memory_space<hbm>>, %arg6: memref<200704xi32, #tpu.memory_space<hbm>>, %arg7: memref<200704xi32, #tpu.memory_space<hbm>>, %arg8: memref<161792xi32, #tpu.memory_space<hbm>>, %arg9: memref<161792xi32, #tpu.memory_space<hbm>>, %arg10: memref<632x128xf32, #tpu.memory_space<hbm>>, %arg11: memref<2176x128xf32, #tpu.memory_space<hbm>>, %arg12: memref<2176x128xf32, #tpu.memory_space<hbm>>, %arg13: memref<10112x128xf32, #tpu.memory_space<hbm>>, %arg14: memref<10112x128xf32, #tpu.memory_space<hbm>>, %arg15: memref<128xi32, #tpu.memory_space<vmem>>, %arg16: memref<128xi32, #tpu.memory_space<vmem>>, %arg17: memref<128x128xf32, #tpu.memory_space<vmem>>, %arg18: memref<10112x128xf32, #tpu.memory_space<vmem_shared>>, %arg19: memref<!tpu.dma_semaphore, #tpu.memory_space<semaphore_mem>>) attributes {dimension_semantics = [#tpu.dimension_semantics<core_parallel>, #tpu.dimension_semantics<subcore_parallel>], iteration_bounds = array<i64: 2, 16>, scalar_prefetch = 0 : i64, scratch_operands = 5 : i64, tpu.core_type = #tpu.core_type<sc_vector_subcore>, window_params = [{transform_indices = #map}, {transform_indices = #map}, {transform_indices = #map}, {transform_indices = #map}, {transform_indices = #map1}, {transform_indices = #map1}, {transform_indices = #map1}, {transform_indices = #map1}, {transform_indices = #map}, {transform_indices = #map}, {transform_indices = #map}, {transform_indices = #map}, {transform_indices = #map}]} {
    %eq3A = arith.constant 0 : i32
    %eq3A_0 = arith.cmpi eq, %arg0, %eq3A : i32
    %convert_element_type3A = arith.extui %eq3A_0 : i1 to i32
    %cond3A = arith.constant 0 : i32
    %cond3A_1 = arith.cmpi ne, %convert_element_type3A, %cond3A : i32
    scf.if %cond3A_1 {
      %mul3A = arith.constant 136 : i32
      %mul3A_7 = arith.muli %arg1, %mul3A : i32
      "tpu.region"() ({
        %run_scoped3A = tpu.sem_alloc : memref<!tpu.dma_semaphore, #tpu.memory_space<semaphore_mem>>
        %dma_start3A = arith.constant 0 : i32
        %dma_start3A_42 = tpu.memref_slice %arg18[%mul3A_7, %dma_start3A] : memref<10112x128xf32, #tpu.memory_space<vmem_shared>> -> memref<136x128xf32, #tpu.memory_space<vmem_shared>>
        %dma_start3A_43 = arith.constant 0 : i32
        %dma_start3A_44 = arith.constant 0 : i32
        %dma_start3A_45 = tpu.memref_slice %arg10[%dma_start3A_43, %dma_start3A_44] : memref<632x128xf32, #tpu.memory_space<hbm>> -> memref<136x128xf32, #tpu.memory_space<hbm>>
        tpu.enqueue_dma source(%dma_start3A_45 : memref<136x128xf32, #tpu.memory_space<hbm>>) target(%dma_start3A_42 : memref<136x128xf32, #tpu.memory_space<vmem_shared>>) target_semaphore(%run_scoped3A : memref<!tpu.dma_semaphore, #tpu.memory_space<semaphore_mem>>)
        %dma_wait3A = arith.constant 0 : i32
        %dma_wait3A_46 = tpu.memref_slice %arg18[%mul3A_7, %dma_wait3A] : memref<10112x128xf32, #tpu.memory_space<vmem_shared>> -> memref<136x128xf32, #tpu.memory_space<vmem_shared>>
        %dma_wait3A_47 = arith.constant 0 : i32
        %dma_wait3A_48 = arith.constant 0 : i32
        %dma_wait3A_49 = tpu.memref_slice %arg10[%dma_wait3A_47, %dma_wait3A_48] : memref<632x128xf32, #tpu.memory_space<hbm>> -> memref<136x128xf32, #tpu.memory_space<hbm>>
        tpu.wait_dma2 semaphore(%run_scoped3A : memref<!tpu.dma_semaphore, #tpu.memory_space<semaphore_mem>>) src(%dma_wait3A_49 : memref<136x128xf32, #tpu.memory_space<hbm>>) dst(%dma_wait3A_46 : memref<136x128xf32, #tpu.memory_space<vmem_shared>>)
        tpu.yield
      }) : () -> ()
      %barrier3A = arith.constant 0 : index
      tpu.barrier barrier_id(%barrier3A)
      %mul3A_8 = arith.constant 98 : i32
      %mul3A_9 = arith.muli %arg1, %mul3A_8 : i32
      %mul3A_10 = arith.constant 128 : i32
      %mul3A_11 = arith.muli %mul3A_9, %mul3A_10 : i32
      %scan3A = arith.constant 0 : i32
      %scan3A_12 = arith.constant 0 : i32
      %scan3A_13 = arith.constant 98 : i32
      %scan3A_14 = arith.addi %scan3A_12, %scan3A_13 : i32
      %scan3A_15 = arith.constant 1 : i32
      scf.for %scan3A_42 = %scan3A_12 to %scan3A_14 step %scan3A_15  : i32 {
        %mul3A_43 = arith.constant 128 : i32
        %mul3A_44 = arith.muli %scan3A_42, %mul3A_43 : i32
        %add3A = arith.addi %mul3A_11, %mul3A_44 : i32
        "tpu.region"() ({
          %run_scoped3A = tpu.sem_alloc : memref<!tpu.dma_semaphore, #tpu.memory_space<semaphore_mem>>
          %dma_start3A_49 = tpu.memref_slice %arg6[%add3A] : memref<200704xi32, #tpu.memory_space<hbm>> -> memref<128xi32, #tpu.memory_space<hbm>>
          %dma_start3A_50 = tpu.memref_slice %arg6[%add3A] : memref<200704xi32, #tpu.memory_space<hbm>> -> memref<128xi32, #tpu.memory_space<hbm>>
          tpu.enqueue_dma source(%dma_start3A_50 : memref<128xi32, #tpu.memory_space<hbm>>) target(%arg15 : memref<128xi32, #tpu.memory_space<vmem>>) target_semaphore(%run_scoped3A : memref<!tpu.dma_semaphore, #tpu.memory_space<semaphore_mem>>)
          %dma_wait3A_51 = tpu.memref_slice %arg6[%add3A] : memref<200704xi32, #tpu.memory_space<hbm>> -> memref<128xi32, #tpu.memory_space<hbm>>
          %dma_wait3A_52 = tpu.memref_slice %arg6[%add3A] : memref<200704xi32, #tpu.memory_space<hbm>> -> memref<128xi32, #tpu.memory_space<hbm>>
          tpu.wait_dma2 semaphore(%run_scoped3A : memref<!tpu.dma_semaphore, #tpu.memory_space<semaphore_mem>>) src(%dma_wait3A_52 : memref<128xi32, #tpu.memory_space<hbm>>) dst(%arg15 : memref<128xi32, #tpu.memory_space<vmem>>)
          tpu.yield
        }) : () -> ()
        "tpu.region"() ({
          %run_scoped3A = tpu.sem_alloc : memref<!tpu.dma_semaphore, #tpu.memory_space<semaphore_mem>>
          %dma_start3A_49 = tpu.memref_slice %arg7[%add3A] : memref<200704xi32, #tpu.memory_space<hbm>> -> memref<128xi32, #tpu.memory_space<hbm>>
          %dma_start3A_50 = tpu.memref_slice %arg7[%add3A] : memref<200704xi32, #tpu.memory_space<hbm>> -> memref<128xi32, #tpu.memory_space<hbm>>
          tpu.enqueue_dma source(%dma_start3A_50 : memref<128xi32, #tpu.memory_space<hbm>>) target(%arg16 : memref<128xi32, #tpu.memory_space<vmem>>) target_semaphore(%run_scoped3A : memref<!tpu.dma_semaphore, #tpu.memory_space<semaphore_mem>>)
          %dma_wait3A_51 = tpu.memref_slice %arg7[%add3A] : memref<200704xi32, #tpu.memory_space<hbm>> -> memref<128xi32, #tpu.memory_space<hbm>>
          %dma_wait3A_52 = tpu.memref_slice %arg7[%add3A] : memref<200704xi32, #tpu.memory_space<hbm>> -> memref<128xi32, #tpu.memory_space<hbm>>
          tpu.wait_dma2 semaphore(%run_scoped3A : memref<!tpu.dma_semaphore, #tpu.memory_space<semaphore_mem>>) src(%dma_wait3A_52 : memref<128xi32, #tpu.memory_space<hbm>>) dst(%arg16 : memref<128xi32, #tpu.memory_space<vmem>>)
          tpu.yield
        }) : () -> ()
        %dma_start3A = arith.constant 0 : i32
        %dma_start3A_45 = arith.constant 0 : i32
        %dma_start3A_46 = tpu.memref_slice %arg2[%dma_start3A, %dma_start3A_45] : memref<10000x128xf32, #tpu.memory_space<hbm>> -> memref<10000x128xf32, #tpu.memory_space<hbm>>
        tpu.enqueue_indirect_dma source(%dma_start3A_46 : memref<10000x128xf32, #tpu.memory_space<hbm>>) target(%arg17 : memref<128x128xf32, #tpu.memory_space<vmem>>) offsets(%arg15 : memref<128xi32, #tpu.memory_space<vmem>>) semaphore(%arg19 : memref<!tpu.dma_semaphore, #tpu.memory_space<semaphore_mem>>)
        %dma_wait3A = arith.constant 0 : i32
        %dma_wait3A_47 = arith.constant 0 : i32
        %dma_wait3A_48 = tpu.memref_slice %arg2[%dma_wait3A, %dma_wait3A_47] : memref<10000x128xf32, #tpu.memory_space<hbm>> -> memref<10000x128xf32, #tpu.memory_space<hbm>>
        tpu.wait_indirect_dma semaphore(%arg19 : memref<!tpu.dma_semaphore, #tpu.memory_space<semaphore_mem>>) src(%dma_wait3A_48 : memref<10000x128xf32, #tpu.memory_space<hbm>>) dst(%arg17 : memref<128x128xf32, #tpu.memory_space<vmem>>)
        "tpu.region"() ({
          %run_scoped3A = tpu.sem_alloc : memref<!tpu.dma_semaphore, #tpu.memory_space<semaphore_mem>>
          %dma_start3A_49 = arith.constant 0 : i32
          %dma_start3A_50 = arith.constant 0 : i32
          %dma_start3A_51 = tpu.memref_slice %arg18[%dma_start3A_49, %dma_start3A_50] : memref<10112x128xf32, #tpu.memory_space<vmem_shared>> -> memref<10112x128xf32, #tpu.memory_space<vmem_shared>>
          tpu.enqueue_indirect_dma source(%arg17 : memref<128x128xf32, #tpu.memory_space<vmem>>) target(%dma_start3A_51 : memref<10112x128xf32, #tpu.memory_space<vmem_shared>>) offsets(%arg16 : memref<128xi32, #tpu.memory_space<vmem>>) semaphore(%run_scoped3A : memref<!tpu.dma_semaphore, #tpu.memory_space<semaphore_mem>>) {add = true}
          %dma_wait3A_52 = arith.constant 0 : i32
          %dma_wait3A_53 = arith.constant 0 : i32
          %dma_wait3A_54 = tpu.memref_slice %arg18[%dma_wait3A_52, %dma_wait3A_53] : memref<10112x128xf32, #tpu.memory_space<vmem_shared>> -> memref<10112x128xf32, #tpu.memory_space<vmem_shared>>
          tpu.wait_indirect_dma semaphore(%run_scoped3A : memref<!tpu.dma_semaphore, #tpu.memory_space<semaphore_mem>>) src(%arg17 : memref<128x128xf32, #tpu.memory_space<vmem>>) dst(%dma_wait3A_54 : memref<10112x128xf32, #tpu.memory_space<vmem_shared>>)
          tpu.yield
        }) : () -> ()
      }
      %scan3A_16 = arith.constant 98 : i32
      %barrier3A_17 = arith.constant 0 : index
      tpu.barrier barrier_id(%barrier3A_17)
      %mul3A_18 = arith.constant 136 : i32
      %mul3A_19 = arith.muli %arg1, %mul3A_18 : i32
      %mul3A_20 = arith.constant 136 : i32
      %mul3A_21 = arith.muli %arg1, %mul3A_20 : i32
      "tpu.region"() ({
        %run_scoped3A = tpu.sem_alloc : memref<!tpu.dma_semaphore, #tpu.memory_space<semaphore_mem>>
        %dma_start3A = arith.constant 0 : i32
        %dma_start3A_42 = tpu.memref_slice %arg11[%mul3A_21, %dma_start3A] : memref<2176x128xf32, #tpu.memory_space<hbm>> -> memref<136x128xf32, #tpu.memory_space<hbm>>
        %dma_start3A_43 = arith.constant 0 : i32
        %dma_start3A_44 = tpu.memref_slice %arg18[%mul3A_19, %dma_start3A_43] : memref<10112x128xf32, #tpu.memory_space<vmem_shared>> -> memref<136x128xf32, #tpu.memory_space<vmem_shared>>
        tpu.enqueue_dma source(%dma_start3A_44 : memref<136x128xf32, #tpu.memory_space<vmem_shared>>) target(%dma_start3A_42 : memref<136x128xf32, #tpu.memory_space<hbm>>) target_semaphore(%run_scoped3A : memref<!tpu.dma_semaphore, #tpu.memory_space<semaphore_mem>>)
        %dma_wait3A = arith.constant 0 : i32
        %dma_wait3A_45 = tpu.memref_slice %arg11[%mul3A_21, %dma_wait3A] : memref<2176x128xf32, #tpu.memory_space<hbm>> -> memref<136x128xf32, #tpu.memory_space<hbm>>
        %dma_wait3A_46 = arith.constant 0 : i32
        %dma_wait3A_47 = tpu.memref_slice %arg18[%mul3A_19, %dma_wait3A_46] : memref<10112x128xf32, #tpu.memory_space<vmem_shared>> -> memref<136x128xf32, #tpu.memory_space<vmem_shared>>
        tpu.wait_dma2 semaphore(%run_scoped3A : memref<!tpu.dma_semaphore, #tpu.memory_space<semaphore_mem>>) src(%dma_wait3A_47 : memref<136x128xf32, #tpu.memory_space<vmem_shared>>) dst(%dma_wait3A_45 : memref<136x128xf32, #tpu.memory_space<hbm>>)
        tpu.yield
      }) : () -> ()
      %barrier3A_22 = arith.constant 0 : index
      tpu.barrier barrier_id(%barrier3A_22)
      %mul3A_23 = arith.constant 632 : i32
      %mul3A_24 = arith.muli %arg1, %mul3A_23 : i32
      "tpu.region"() ({
        %run_scoped3A = tpu.sem_alloc : memref<!tpu.dma_semaphore, #tpu.memory_space<semaphore_mem>>
        %dma_start3A = arith.constant 0 : i32
        %dma_start3A_42 = tpu.memref_slice %arg18[%mul3A_24, %dma_start3A] : memref<10112x128xf32, #tpu.memory_space<vmem_shared>> -> memref<632x128xf32, #tpu.memory_space<vmem_shared>>
        %dma_start3A_43 = arith.constant 0 : i32
        %dma_start3A_44 = arith.constant 0 : i32
        %dma_start3A_45 = tpu.memref_slice %arg10[%dma_start3A_43, %dma_start3A_44] : memref<632x128xf32, #tpu.memory_space<hbm>> -> memref<632x128xf32, #tpu.memory_space<hbm>>
        tpu.enqueue_dma source(%dma_start3A_45 : memref<632x128xf32, #tpu.memory_space<hbm>>) target(%dma_start3A_42 : memref<632x128xf32, #tpu.memory_space<vmem_shared>>) target_semaphore(%run_scoped3A : memref<!tpu.dma_semaphore, #tpu.memory_space<semaphore_mem>>)
        %dma_wait3A = arith.constant 0 : i32
        %dma_wait3A_46 = tpu.memref_slice %arg18[%mul3A_24, %dma_wait3A] : memref<10112x128xf32, #tpu.memory_space<vmem_shared>> -> memref<632x128xf32, #tpu.memory_space<vmem_shared>>
        %dma_wait3A_47 = arith.constant 0 : i32
        %dma_wait3A_48 = arith.constant 0 : i32
        %dma_wait3A_49 = tpu.memref_slice %arg10[%dma_wait3A_47, %dma_wait3A_48] : memref<632x128xf32, #tpu.memory_space<hbm>> -> memref<632x128xf32, #tpu.memory_space<hbm>>
        tpu.wait_dma2 semaphore(%run_scoped3A : memref<!tpu.dma_semaphore, #tpu.memory_space<semaphore_mem>>) src(%dma_wait3A_49 : memref<632x128xf32, #tpu.memory_space<hbm>>) dst(%dma_wait3A_46 : memref<632x128xf32, #tpu.memory_space<vmem_shared>>)
        tpu.yield
      }) : () -> ()
      %barrier3A_25 = arith.constant 0 : index
      tpu.barrier barrier_id(%barrier3A_25)
      %mul3A_26 = arith.constant 79 : i32
      %mul3A_27 = arith.muli %arg1, %mul3A_26 : i32
      %mul3A_28 = arith.constant 128 : i32
      %mul3A_29 = arith.muli %mul3A_27, %mul3A_28 : i32
      %scan3A_30 = arith.constant 0 : i32
      %scan3A_31 = arith.constant 0 : i32
      %scan3A_32 = arith.constant 79 : i32
      %scan3A_33 = arith.addi %scan3A_31, %scan3A_32 : i32
      %scan3A_34 = arith.constant 1 : i32
      scf.for %scan3A_42 = %scan3A_31 to %scan3A_33 step %scan3A_34  : i32 {
        %mul3A_43 = arith.constant 128 : i32
        %mul3A_44 = arith.muli %scan3A_42, %mul3A_43 : i32
        %add3A = arith.addi %mul3A_29, %mul3A_44 : i32
        "tpu.region"() ({
          %run_scoped3A = tpu.sem_alloc : memref<!tpu.dma_semaphore, #tpu.memory_space<semaphore_mem>>
          %dma_start3A_49 = tpu.memref_slice %arg8[%add3A] : memref<161792xi32, #tpu.memory_space<hbm>> -> memref<128xi32, #tpu.memory_space<hbm>>
          %dma_start3A_50 = tpu.memref_slice %arg8[%add3A] : memref<161792xi32, #tpu.memory_space<hbm>> -> memref<128xi32, #tpu.memory_space<hbm>>
          tpu.enqueue_dma source(%dma_start3A_50 : memref<128xi32, #tpu.memory_space<hbm>>) target(%arg15 : memref<128xi32, #tpu.memory_space<vmem>>) target_semaphore(%run_scoped3A : memref<!tpu.dma_semaphore, #tpu.memory_space<semaphore_mem>>)
          %dma_wait3A_51 = tpu.memref_slice %arg8[%add3A] : memref<161792xi32, #tpu.memory_space<hbm>> -> memref<128xi32, #tpu.memory_space<hbm>>
          %dma_wait3A_52 = tpu.memref_slice %arg8[%add3A] : memref<161792xi32, #tpu.memory_space<hbm>> -> memref<128xi32, #tpu.memory_space<hbm>>
          tpu.wait_dma2 semaphore(%run_scoped3A : memref<!tpu.dma_semaphore, #tpu.memory_space<semaphore_mem>>) src(%dma_wait3A_52 : memref<128xi32, #tpu.memory_space<hbm>>) dst(%arg15 : memref<128xi32, #tpu.memory_space<vmem>>)
          tpu.yield
        }) : () -> ()
        "tpu.region"() ({
          %run_scoped3A = tpu.sem_alloc : memref<!tpu.dma_semaphore, #tpu.memory_space<semaphore_mem>>
          %dma_start3A_49 = tpu.memref_slice %arg9[%add3A] : memref<161792xi32, #tpu.memory_space<hbm>> -> memref<128xi32, #tpu.memory_space<hbm>>
          %dma_start3A_50 = tpu.memref_slice %arg9[%add3A] : memref<161792xi32, #tpu.memory_space<hbm>> -> memref<128xi32, #tpu.memory_space<hbm>>
          tpu.enqueue_dma source(%dma_start3A_50 : memref<128xi32, #tpu.memory_space<hbm>>) target(%arg16 : memref<128xi32, #tpu.memory_space<vmem>>) target_semaphore(%run_scoped3A : memref<!tpu.dma_semaphore, #tpu.memory_space<semaphore_mem>>)
          %dma_wait3A_51 = tpu.memref_slice %arg9[%add3A] : memref<161792xi32, #tpu.memory_space<hbm>> -> memref<128xi32, #tpu.memory_space<hbm>>
          %dma_wait3A_52 = tpu.memref_slice %arg9[%add3A] : memref<161792xi32, #tpu.memory_space<hbm>> -> memref<128xi32, #tpu.memory_space<hbm>>
          tpu.wait_dma2 semaphore(%run_scoped3A : memref<!tpu.dma_semaphore, #tpu.memory_space<semaphore_mem>>) src(%dma_wait3A_52 : memref<128xi32, #tpu.memory_space<hbm>>) dst(%arg16 : memref<128xi32, #tpu.memory_space<vmem>>)
          tpu.yield
        }) : () -> ()
        %dma_start3A = arith.constant 0 : i32
        %dma_start3A_45 = arith.constant 0 : i32
        %dma_start3A_46 = tpu.memref_slice %arg4[%dma_start3A, %dma_start3A_45] : memref<10000x128xf32, #tpu.memory_space<hbm>> -> memref<10000x128xf32, #tpu.memory_space<hbm>>
        tpu.enqueue_indirect_dma source(%dma_start3A_46 : memref<10000x128xf32, #tpu.memory_space<hbm>>) target(%arg17 : memref<128x128xf32, #tpu.memory_space<vmem>>) offsets(%arg15 : memref<128xi32, #tpu.memory_space<vmem>>) semaphore(%arg19 : memref<!tpu.dma_semaphore, #tpu.memory_space<semaphore_mem>>)
        %dma_wait3A = arith.constant 0 : i32
        %dma_wait3A_47 = arith.constant 0 : i32
        %dma_wait3A_48 = tpu.memref_slice %arg4[%dma_wait3A, %dma_wait3A_47] : memref<10000x128xf32, #tpu.memory_space<hbm>> -> memref<10000x128xf32, #tpu.memory_space<hbm>>
        tpu.wait_indirect_dma semaphore(%arg19 : memref<!tpu.dma_semaphore, #tpu.memory_space<semaphore_mem>>) src(%dma_wait3A_48 : memref<10000x128xf32, #tpu.memory_space<hbm>>) dst(%arg17 : memref<128x128xf32, #tpu.memory_space<vmem>>)
        "tpu.region"() ({
          %run_scoped3A = tpu.sem_alloc : memref<!tpu.dma_semaphore, #tpu.memory_space<semaphore_mem>>
          %dma_start3A_49 = arith.constant 0 : i32
          %dma_start3A_50 = arith.constant 0 : i32
          %dma_start3A_51 = tpu.memref_slice %arg18[%dma_start3A_49, %dma_start3A_50] : memref<10112x128xf32, #tpu.memory_space<vmem_shared>> -> memref<10112x128xf32, #tpu.memory_space<vmem_shared>>
          tpu.enqueue_indirect_dma source(%arg17 : memref<128x128xf32, #tpu.memory_space<vmem>>) target(%dma_start3A_51 : memref<10112x128xf32, #tpu.memory_space<vmem_shared>>) offsets(%arg16 : memref<128xi32, #tpu.memory_space<vmem>>) semaphore(%run_scoped3A : memref<!tpu.dma_semaphore, #tpu.memory_space<semaphore_mem>>) {add = true}
          %dma_wait3A_52 = arith.constant 0 : i32
          %dma_wait3A_53 = arith.constant 0 : i32
          %dma_wait3A_54 = tpu.memref_slice %arg18[%dma_wait3A_52, %dma_wait3A_53] : memref<10112x128xf32, #tpu.memory_space<vmem_shared>> -> memref<10112x128xf32, #tpu.memory_space<vmem_shared>>
          tpu.wait_indirect_dma semaphore(%run_scoped3A : memref<!tpu.dma_semaphore, #tpu.memory_space<semaphore_mem>>) src(%arg17 : memref<128x128xf32, #tpu.memory_space<vmem>>) dst(%dma_wait3A_54 : memref<10112x128xf32, #tpu.memory_space<vmem_shared>>)
          tpu.yield
        }) : () -> ()
      }
      %scan3A_35 = arith.constant 79 : i32
      %barrier3A_36 = arith.constant 0 : index
      tpu.barrier barrier_id(%barrier3A_36)
      %mul3A_37 = arith.constant 632 : i32
      %mul3A_38 = arith.muli %arg1, %mul3A_37 : i32
      %mul3A_39 = arith.constant 632 : i32
      %mul3A_40 = arith.muli %arg1, %mul3A_39 : i32
      "tpu.region"() ({
        %run_scoped3A = tpu.sem_alloc : memref<!tpu.dma_semaphore, #tpu.memory_space<semaphore_mem>>
        %dma_start3A = arith.constant 0 : i32
        %dma_start3A_42 = tpu.memref_slice %arg13[%mul3A_40, %dma_start3A] : memref<10112x128xf32, #tpu.memory_space<hbm>> -> memref<632x128xf32, #tpu.memory_space<hbm>>
        %dma_start3A_43 = arith.constant 0 : i32
        %dma_start3A_44 = tpu.memref_slice %arg18[%mul3A_38, %dma_start3A_43] : memref<10112x128xf32, #tpu.memory_space<vmem_shared>> -> memref<632x128xf32, #tpu.memory_space<vmem_shared>>
        tpu.enqueue_dma source(%dma_start3A_44 : memref<632x128xf32, #tpu.memory_space<vmem_shared>>) target(%dma_start3A_42 : memref<632x128xf32, #tpu.memory_space<hbm>>) target_semaphore(%run_scoped3A : memref<!tpu.dma_semaphore, #tpu.memory_space<semaphore_mem>>)
        %dma_wait3A = arith.constant 0 : i32
        %dma_wait3A_45 = tpu.memref_slice %arg13[%mul3A_40, %dma_wait3A] : memref<10112x128xf32, #tpu.memory_space<hbm>> -> memref<632x128xf32, #tpu.memory_space<hbm>>
        %dma_wait3A_46 = arith.constant 0 : i32
        %dma_wait3A_47 = tpu.memref_slice %arg18[%mul3A_38, %dma_wait3A_46] : memref<10112x128xf32, #tpu.memory_space<vmem_shared>> -> memref<632x128xf32, #tpu.memory_space<vmem_shared>>
        tpu.wait_dma2 semaphore(%run_scoped3A : memref<!tpu.dma_semaphore, #tpu.memory_space<semaphore_mem>>) src(%dma_wait3A_47 : memref<632x128xf32, #tpu.memory_space<vmem_shared>>) dst(%dma_wait3A_45 : memref<632x128xf32, #tpu.memory_space<hbm>>)
        tpu.yield
      }) : () -> ()
      %barrier3A_41 = arith.constant 0 : index
      tpu.barrier barrier_id(%barrier3A_41)
    } else {
    }
    %eq3A_2 = arith.constant 1 : i32
    %eq3A_3 = arith.cmpi eq, %arg0, %eq3A_2 : i32
    %convert_element_type3A_4 = arith.extui %eq3A_3 : i1 to i32
    %cond3A_5 = arith.constant 0 : i32
    %cond3A_6 = arith.cmpi ne, %convert_element_type3A_4, %cond3A_5 : i32
    scf.if %cond3A_6 {
      %mul3A = arith.constant 136 : i32
      %mul3A_7 = arith.muli %arg1, %mul3A : i32
      "tpu.region"() ({
        %run_scoped3A = tpu.sem_alloc : memref<!tpu.dma_semaphore, #tpu.memory_space<semaphore_mem>>
        %dma_start3A = arith.constant 0 : i32
        %dma_start3A_42 = tpu.memref_slice %arg18[%mul3A_7, %dma_start3A] : memref<10112x128xf32, #tpu.memory_space<vmem_shared>> -> memref<136x128xf32, #tpu.memory_space<vmem_shared>>
        %dma_start3A_43 = arith.constant 0 : i32
        %dma_start3A_44 = arith.constant 0 : i32
        %dma_start3A_45 = tpu.memref_slice %arg10[%dma_start3A_43, %dma_start3A_44] : memref<632x128xf32, #tpu.memory_space<hbm>> -> memref<136x128xf32, #tpu.memory_space<hbm>>
        tpu.enqueue_dma source(%dma_start3A_45 : memref<136x128xf32, #tpu.memory_space<hbm>>) target(%dma_start3A_42 : memref<136x128xf32, #tpu.memory_space<vmem_shared>>) target_semaphore(%run_scoped3A : memref<!tpu.dma_semaphore, #tpu.memory_space<semaphore_mem>>)
        %dma_wait3A = arith.constant 0 : i32
        %dma_wait3A_46 = tpu.memref_slice %arg18[%mul3A_7, %dma_wait3A] : memref<10112x128xf32, #tpu.memory_space<vmem_shared>> -> memref<136x128xf32, #tpu.memory_space<vmem_shared>>
        %dma_wait3A_47 = arith.constant 0 : i32
        %dma_wait3A_48 = arith.constant 0 : i32
        %dma_wait3A_49 = tpu.memref_slice %arg10[%dma_wait3A_47, %dma_wait3A_48] : memref<632x128xf32, #tpu.memory_space<hbm>> -> memref<136x128xf32, #tpu.memory_space<hbm>>
        tpu.wait_dma2 semaphore(%run_scoped3A : memref<!tpu.dma_semaphore, #tpu.memory_space<semaphore_mem>>) src(%dma_wait3A_49 : memref<136x128xf32, #tpu.memory_space<hbm>>) dst(%dma_wait3A_46 : memref<136x128xf32, #tpu.memory_space<vmem_shared>>)
        tpu.yield
      }) : () -> ()
      %barrier3A = arith.constant 0 : index
      tpu.barrier barrier_id(%barrier3A)
      %mul3A_8 = arith.constant 98 : i32
      %mul3A_9 = arith.muli %arg1, %mul3A_8 : i32
      %mul3A_10 = arith.constant 128 : i32
      %mul3A_11 = arith.muli %mul3A_9, %mul3A_10 : i32
      %scan3A = arith.constant 0 : i32
      %scan3A_12 = arith.constant 0 : i32
      %scan3A_13 = arith.constant 98 : i32
      %scan3A_14 = arith.addi %scan3A_12, %scan3A_13 : i32
      %scan3A_15 = arith.constant 1 : i32
      scf.for %scan3A_42 = %scan3A_12 to %scan3A_14 step %scan3A_15  : i32 {
        %mul3A_43 = arith.constant 128 : i32
        %mul3A_44 = arith.muli %scan3A_42, %mul3A_43 : i32
        %add3A = arith.addi %mul3A_11, %mul3A_44 : i32
        "tpu.region"() ({
          %run_scoped3A = tpu.sem_alloc : memref<!tpu.dma_semaphore, #tpu.memory_space<semaphore_mem>>
          %dma_start3A_49 = tpu.memref_slice %arg6[%add3A] : memref<200704xi32, #tpu.memory_space<hbm>> -> memref<128xi32, #tpu.memory_space<hbm>>
          %dma_start3A_50 = tpu.memref_slice %arg6[%add3A] : memref<200704xi32, #tpu.memory_space<hbm>> -> memref<128xi32, #tpu.memory_space<hbm>>
          tpu.enqueue_dma source(%dma_start3A_50 : memref<128xi32, #tpu.memory_space<hbm>>) target(%arg15 : memref<128xi32, #tpu.memory_space<vmem>>) target_semaphore(%run_scoped3A : memref<!tpu.dma_semaphore, #tpu.memory_space<semaphore_mem>>)
          %dma_wait3A_51 = tpu.memref_slice %arg6[%add3A] : memref<200704xi32, #tpu.memory_space<hbm>> -> memref<128xi32, #tpu.memory_space<hbm>>
          %dma_wait3A_52 = tpu.memref_slice %arg6[%add3A] : memref<200704xi32, #tpu.memory_space<hbm>> -> memref<128xi32, #tpu.memory_space<hbm>>
          tpu.wait_dma2 semaphore(%run_scoped3A : memref<!tpu.dma_semaphore, #tpu.memory_space<semaphore_mem>>) src(%dma_wait3A_52 : memref<128xi32, #tpu.memory_space<hbm>>) dst(%arg15 : memref<128xi32, #tpu.memory_space<vmem>>)
          tpu.yield
        }) : () -> ()
        "tpu.region"() ({
          %run_scoped3A = tpu.sem_alloc : memref<!tpu.dma_semaphore, #tpu.memory_space<semaphore_mem>>
          %dma_start3A_49 = tpu.memref_slice %arg7[%add3A] : memref<200704xi32, #tpu.memory_space<hbm>> -> memref<128xi32, #tpu.memory_space<hbm>>
          %dma_start3A_50 = tpu.memref_slice %arg7[%add3A] : memref<200704xi32, #tpu.memory_space<hbm>> -> memref<128xi32, #tpu.memory_space<hbm>>
          tpu.enqueue_dma source(%dma_start3A_50 : memref<128xi32, #tpu.memory_space<hbm>>) target(%arg16 : memref<128xi32, #tpu.memory_space<vmem>>) target_semaphore(%run_scoped3A : memref<!tpu.dma_semaphore, #tpu.memory_space<semaphore_mem>>)
          %dma_wait3A_51 = tpu.memref_slice %arg7[%add3A] : memref<200704xi32, #tpu.memory_space<hbm>> -> memref<128xi32, #tpu.memory_space<hbm>>
          %dma_wait3A_52 = tpu.memref_slice %arg7[%add3A] : memref<200704xi32, #tpu.memory_space<hbm>> -> memref<128xi32, #tpu.memory_space<hbm>>
          tpu.wait_dma2 semaphore(%run_scoped3A : memref<!tpu.dma_semaphore, #tpu.memory_space<semaphore_mem>>) src(%dma_wait3A_52 : memref<128xi32, #tpu.memory_space<hbm>>) dst(%arg16 : memref<128xi32, #tpu.memory_space<vmem>>)
          tpu.yield
        }) : () -> ()
        %dma_start3A = arith.constant 0 : i32
        %dma_start3A_45 = arith.constant 0 : i32
        %dma_start3A_46 = tpu.memref_slice %arg3[%dma_start3A, %dma_start3A_45] : memref<10000x128xf32, #tpu.memory_space<hbm>> -> memref<10000x128xf32, #tpu.memory_space<hbm>>
        tpu.enqueue_indirect_dma source(%dma_start3A_46 : memref<10000x128xf32, #tpu.memory_space<hbm>>) target(%arg17 : memref<128x128xf32, #tpu.memory_space<vmem>>) offsets(%arg15 : memref<128xi32, #tpu.memory_space<vmem>>) semaphore(%arg19 : memref<!tpu.dma_semaphore, #tpu.memory_space<semaphore_mem>>)
        %dma_wait3A = arith.constant 0 : i32
        %dma_wait3A_47 = arith.constant 0 : i32
        %dma_wait3A_48 = tpu.memref_slice %arg3[%dma_wait3A, %dma_wait3A_47] : memref<10000x128xf32, #tpu.memory_space<hbm>> -> memref<10000x128xf32, #tpu.memory_space<hbm>>
        tpu.wait_indirect_dma semaphore(%arg19 : memref<!tpu.dma_semaphore, #tpu.memory_space<semaphore_mem>>) src(%dma_wait3A_48 : memref<10000x128xf32, #tpu.memory_space<hbm>>) dst(%arg17 : memref<128x128xf32, #tpu.memory_space<vmem>>)
        "tpu.region"() ({
          %run_scoped3A = tpu.sem_alloc : memref<!tpu.dma_semaphore, #tpu.memory_space<semaphore_mem>>
          %dma_start3A_49 = arith.constant 0 : i32
          %dma_start3A_50 = arith.constant 0 : i32
          %dma_start3A_51 = tpu.memref_slice %arg18[%dma_start3A_49, %dma_start3A_50] : memref<10112x128xf32, #tpu.memory_space<vmem_shared>> -> memref<10112x128xf32, #tpu.memory_space<vmem_shared>>
          tpu.enqueue_indirect_dma source(%arg17 : memref<128x128xf32, #tpu.memory_space<vmem>>) target(%dma_start3A_51 : memref<10112x128xf32, #tpu.memory_space<vmem_shared>>) offsets(%arg16 : memref<128xi32, #tpu.memory_space<vmem>>) semaphore(%run_scoped3A : memref<!tpu.dma_semaphore, #tpu.memory_space<semaphore_mem>>) {add = true}
          %dma_wait3A_52 = arith.constant 0 : i32
          %dma_wait3A_53 = arith.constant 0 : i32
          %dma_wait3A_54 = tpu.memref_slice %arg18[%dma_wait3A_52, %dma_wait3A_53] : memref<10112x128xf32, #tpu.memory_space<vmem_shared>> -> memref<10112x128xf32, #tpu.memory_space<vmem_shared>>
          tpu.wait_indirect_dma semaphore(%run_scoped3A : memref<!tpu.dma_semaphore, #tpu.memory_space<semaphore_mem>>) src(%arg17 : memref<128x128xf32, #tpu.memory_space<vmem>>) dst(%dma_wait3A_54 : memref<10112x128xf32, #tpu.memory_space<vmem_shared>>)
          tpu.yield
        }) : () -> ()
      }
      %scan3A_16 = arith.constant 98 : i32
      %barrier3A_17 = arith.constant 0 : index
      tpu.barrier barrier_id(%barrier3A_17)
      %mul3A_18 = arith.constant 136 : i32
      %mul3A_19 = arith.muli %arg1, %mul3A_18 : i32
      %mul3A_20 = arith.constant 136 : i32
      %mul3A_21 = arith.muli %arg1, %mul3A_20 : i32
      "tpu.region"() ({
        %run_scoped3A = tpu.sem_alloc : memref<!tpu.dma_semaphore, #tpu.memory_space<semaphore_mem>>
        %dma_start3A = arith.constant 0 : i32
        %dma_start3A_42 = tpu.memref_slice %arg12[%mul3A_21, %dma_start3A] : memref<2176x128xf32, #tpu.memory_space<hbm>> -> memref<136x128xf32, #tpu.memory_space<hbm>>
        %dma_start3A_43 = arith.constant 0 : i32
        %dma_start3A_44 = tpu.memref_slice %arg18[%mul3A_19, %dma_start3A_43] : memref<10112x128xf32, #tpu.memory_space<vmem_shared>> -> memref<136x128xf32, #tpu.memory_space<vmem_shared>>
        tpu.enqueue_dma source(%dma_start3A_44 : memref<136x128xf32, #tpu.memory_space<vmem_shared>>) target(%dma_start3A_42 : memref<136x128xf32, #tpu.memory_space<hbm>>) target_semaphore(%run_scoped3A : memref<!tpu.dma_semaphore, #tpu.memory_space<semaphore_mem>>)
        %dma_wait3A = arith.constant 0 : i32
        %dma_wait3A_45 = tpu.memref_slice %arg12[%mul3A_21, %dma_wait3A] : memref<2176x128xf32, #tpu.memory_space<hbm>> -> memref<136x128xf32, #tpu.memory_space<hbm>>
        %dma_wait3A_46 = arith.constant 0 : i32
        %dma_wait3A_47 = tpu.memref_slice %arg18[%mul3A_19, %dma_wait3A_46] : memref<10112x128xf32, #tpu.memory_space<vmem_shared>> -> memref<136x128xf32, #tpu.memory_space<vmem_shared>>
        tpu.wait_dma2 semaphore(%run_scoped3A : memref<!tpu.dma_semaphore, #tpu.memory_space<semaphore_mem>>) src(%dma_wait3A_47 : memref<136x128xf32, #tpu.memory_space<vmem_shared>>) dst(%dma_wait3A_45 : memref<136x128xf32, #tpu.memory_space<hbm>>)
        tpu.yield
      }) : () -> ()
      %barrier3A_22 = arith.constant 0 : index
      tpu.barrier barrier_id(%barrier3A_22)
      %mul3A_23 = arith.constant 632 : i32
      %mul3A_24 = arith.muli %arg1, %mul3A_23 : i32
      "tpu.region"() ({
        %run_scoped3A = tpu.sem_alloc : memref<!tpu.dma_semaphore, #tpu.memory_space<semaphore_mem>>
        %dma_start3A = arith.constant 0 : i32
        %dma_start3A_42 = tpu.memref_slice %arg18[%mul3A_24, %dma_start3A] : memref<10112x128xf32, #tpu.memory_space<vmem_shared>> -> memref<632x128xf32, #tpu.memory_space<vmem_shared>>
        %dma_start3A_43 = arith.constant 0 : i32
        %dma_start3A_44 = arith.constant 0 : i32
        %dma_start3A_45 = tpu.memref_slice %arg10[%dma_start3A_43, %dma_start3A_44] : memref<632x128xf32, #tpu.memory_space<hbm>> -> memref<632x128xf32, #tpu.memory_space<hbm>>
        tpu.enqueue_dma source(%dma_start3A_45 : memref<632x128xf32, #tpu.memory_space<hbm>>) target(%dma_start3A_42 : memref<632x128xf32, #tpu.memory_space<vmem_shared>>) target_semaphore(%run_scoped3A : memref<!tpu.dma_semaphore, #tpu.memory_space<semaphore_mem>>)
        %dma_wait3A = arith.constant 0 : i32
        %dma_wait3A_46 = tpu.memref_slice %arg18[%mul3A_24, %dma_wait3A] : memref<10112x128xf32, #tpu.memory_space<vmem_shared>> -> memref<632x128xf32, #tpu.memory_space<vmem_shared>>
        %dma_wait3A_47 = arith.constant 0 : i32
        %dma_wait3A_48 = arith.constant 0 : i32
        %dma_wait3A_49 = tpu.memref_slice %arg10[%dma_wait3A_47, %dma_wait3A_48] : memref<632x128xf32, #tpu.memory_space<hbm>> -> memref<632x128xf32, #tpu.memory_space<hbm>>
        tpu.wait_dma2 semaphore(%run_scoped3A : memref<!tpu.dma_semaphore, #tpu.memory_space<semaphore_mem>>) src(%dma_wait3A_49 : memref<632x128xf32, #tpu.memory_space<hbm>>) dst(%dma_wait3A_46 : memref<632x128xf32, #tpu.memory_space<vmem_shared>>)
        tpu.yield
      }) : () -> ()
      %barrier3A_25 = arith.constant 0 : index
      tpu.barrier barrier_id(%barrier3A_25)
      %mul3A_26 = arith.constant 79 : i32
      %mul3A_27 = arith.muli %arg1, %mul3A_26 : i32
      %mul3A_28 = arith.constant 128 : i32
      %mul3A_29 = arith.muli %mul3A_27, %mul3A_28 : i32
      %scan3A_30 = arith.constant 0 : i32
      %scan3A_31 = arith.constant 0 : i32
      %scan3A_32 = arith.constant 79 : i32
      %scan3A_33 = arith.addi %scan3A_31, %scan3A_32 : i32
      %scan3A_34 = arith.constant 1 : i32
      scf.for %scan3A_42 = %scan3A_31 to %scan3A_33 step %scan3A_34  : i32 {
        %mul3A_43 = arith.constant 128 : i32
        %mul3A_44 = arith.muli %scan3A_42, %mul3A_43 : i32
        %add3A = arith.addi %mul3A_29, %mul3A_44 : i32
        "tpu.region"() ({
          %run_scoped3A = tpu.sem_alloc : memref<!tpu.dma_semaphore, #tpu.memory_space<semaphore_mem>>
          %dma_start3A_49 = tpu.memref_slice %arg8[%add3A] : memref<161792xi32, #tpu.memory_space<hbm>> -> memref<128xi32, #tpu.memory_space<hbm>>
          %dma_start3A_50 = tpu.memref_slice %arg8[%add3A] : memref<161792xi32, #tpu.memory_space<hbm>> -> memref<128xi32, #tpu.memory_space<hbm>>
          tpu.enqueue_dma source(%dma_start3A_50 : memref<128xi32, #tpu.memory_space<hbm>>) target(%arg15 : memref<128xi32, #tpu.memory_space<vmem>>) target_semaphore(%run_scoped3A : memref<!tpu.dma_semaphore, #tpu.memory_space<semaphore_mem>>)
          %dma_wait3A_51 = tpu.memref_slice %arg8[%add3A] : memref<161792xi32, #tpu.memory_space<hbm>> -> memref<128xi32, #tpu.memory_space<hbm>>
          %dma_wait3A_52 = tpu.memref_slice %arg8[%add3A] : memref<161792xi32, #tpu.memory_space<hbm>> -> memref<128xi32, #tpu.memory_space<hbm>>
          tpu.wait_dma2 semaphore(%run_scoped3A : memref<!tpu.dma_semaphore, #tpu.memory_space<semaphore_mem>>) src(%dma_wait3A_52 : memref<128xi32, #tpu.memory_space<hbm>>) dst(%arg15 : memref<128xi32, #tpu.memory_space<vmem>>)
          tpu.yield
        }) : () -> ()
        "tpu.region"() ({
          %run_scoped3A = tpu.sem_alloc : memref<!tpu.dma_semaphore, #tpu.memory_space<semaphore_mem>>
          %dma_start3A_49 = tpu.memref_slice %arg9[%add3A] : memref<161792xi32, #tpu.memory_space<hbm>> -> memref<128xi32, #tpu.memory_space<hbm>>
          %dma_start3A_50 = tpu.memref_slice %arg9[%add3A] : memref<161792xi32, #tpu.memory_space<hbm>> -> memref<128xi32, #tpu.memory_space<hbm>>
          tpu.enqueue_dma source(%dma_start3A_50 : memref<128xi32, #tpu.memory_space<hbm>>) target(%arg16 : memref<128xi32, #tpu.memory_space<vmem>>) target_semaphore(%run_scoped3A : memref<!tpu.dma_semaphore, #tpu.memory_space<semaphore_mem>>)
          %dma_wait3A_51 = tpu.memref_slice %arg9[%add3A] : memref<161792xi32, #tpu.memory_space<hbm>> -> memref<128xi32, #tpu.memory_space<hbm>>
          %dma_wait3A_52 = tpu.memref_slice %arg9[%add3A] : memref<161792xi32, #tpu.memory_space<hbm>> -> memref<128xi32, #tpu.memory_space<hbm>>
          tpu.wait_dma2 semaphore(%run_scoped3A : memref<!tpu.dma_semaphore, #tpu.memory_space<semaphore_mem>>) src(%dma_wait3A_52 : memref<128xi32, #tpu.memory_space<hbm>>) dst(%arg16 : memref<128xi32, #tpu.memory_space<vmem>>)
          tpu.yield
        }) : () -> ()
        %dma_start3A = arith.constant 0 : i32
        %dma_start3A_45 = arith.constant 0 : i32
        %dma_start3A_46 = tpu.memref_slice %arg5[%dma_start3A, %dma_start3A_45] : memref<10000x128xf32, #tpu.memory_space<hbm>> -> memref<10000x128xf32, #tpu.memory_space<hbm>>
        tpu.enqueue_indirect_dma source(%dma_start3A_46 : memref<10000x128xf32, #tpu.memory_space<hbm>>) target(%arg17 : memref<128x128xf32, #tpu.memory_space<vmem>>) offsets(%arg15 : memref<128xi32, #tpu.memory_space<vmem>>) semaphore(%arg19 : memref<!tpu.dma_semaphore, #tpu.memory_space<semaphore_mem>>)
        %dma_wait3A = arith.constant 0 : i32
        %dma_wait3A_47 = arith.constant 0 : i32
        %dma_wait3A_48 = tpu.memref_slice %arg5[%dma_wait3A, %dma_wait3A_47] : memref<10000x128xf32, #tpu.memory_space<hbm>> -> memref<10000x128xf32, #tpu.memory_space<hbm>>
        tpu.wait_indirect_dma semaphore(%arg19 : memref<!tpu.dma_semaphore, #tpu.memory_space<semaphore_mem>>) src(%dma_wait3A_48 : memref<10000x128xf32, #tpu.memory_space<hbm>>) dst(%arg17 : memref<128x128xf32, #tpu.memory_space<vmem>>)
        "tpu.region"() ({
          %run_scoped3A = tpu.sem_alloc : memref<!tpu.dma_semaphore, #tpu.memory_space<semaphore_mem>>
          %dma_start3A_49 = arith.constant 0 : i32
          %dma_start3A_50 = arith.constant 0 : i32
          %dma_start3A_51 = tpu.memref_slice %arg18[%dma_start3A_49, %dma_start3A_50] : memref<10112x128xf32, #tpu.memory_space<vmem_shared>> -> memref<10112x128xf32, #tpu.memory_space<vmem_shared>>
          tpu.enqueue_indirect_dma source(%arg17 : memref<128x128xf32, #tpu.memory_space<vmem>>) target(%dma_start3A_51 : memref<10112x128xf32, #tpu.memory_space<vmem_shared>>) offsets(%arg16 : memref<128xi32, #tpu.memory_space<vmem>>) semaphore(%run_scoped3A : memref<!tpu.dma_semaphore, #tpu.memory_space<semaphore_mem>>) {add = true}
          %dma_wait3A_52 = arith.constant 0 : i32
          %dma_wait3A_53 = arith.constant 0 : i32
          %dma_wait3A_54 = tpu.memref_slice %arg18[%dma_wait3A_52, %dma_wait3A_53] : memref<10112x128xf32, #tpu.memory_space<vmem_shared>> -> memref<10112x128xf32, #tpu.memory_space<vmem_shared>>
          tpu.wait_indirect_dma semaphore(%run_scoped3A : memref<!tpu.dma_semaphore, #tpu.memory_space<semaphore_mem>>) src(%arg17 : memref<128x128xf32, #tpu.memory_space<vmem>>) dst(%dma_wait3A_54 : memref<10112x128xf32, #tpu.memory_space<vmem_shared>>)
          tpu.yield
        }) : () -> ()
      }
      %scan3A_35 = arith.constant 79 : i32
      %barrier3A_36 = arith.constant 0 : index
      tpu.barrier barrier_id(%barrier3A_36)
      %mul3A_37 = arith.constant 632 : i32
      %mul3A_38 = arith.muli %arg1, %mul3A_37 : i32
      %mul3A_39 = arith.constant 632 : i32
      %mul3A_40 = arith.muli %arg1, %mul3A_39 : i32
      "tpu.region"() ({
        %run_scoped3A = tpu.sem_alloc : memref<!tpu.dma_semaphore, #tpu.memory_space<semaphore_mem>>
        %dma_start3A = arith.constant 0 : i32
        %dma_start3A_42 = tpu.memref_slice %arg14[%mul3A_40, %dma_start3A] : memref<10112x128xf32, #tpu.memory_space<hbm>> -> memref<632x128xf32, #tpu.memory_space<hbm>>
        %dma_start3A_43 = arith.constant 0 : i32
        %dma_start3A_44 = tpu.memref_slice %arg18[%mul3A_38, %dma_start3A_43] : memref<10112x128xf32, #tpu.memory_space<vmem_shared>> -> memref<632x128xf32, #tpu.memory_space<vmem_shared>>
        tpu.enqueue_dma source(%dma_start3A_44 : memref<632x128xf32, #tpu.memory_space<vmem_shared>>) target(%dma_start3A_42 : memref<632x128xf32, #tpu.memory_space<hbm>>) target_semaphore(%run_scoped3A : memref<!tpu.dma_semaphore, #tpu.memory_space<semaphore_mem>>)
        %dma_wait3A = arith.constant 0 : i32
        %dma_wait3A_45 = tpu.memref_slice %arg14[%mul3A_40, %dma_wait3A] : memref<10112x128xf32, #tpu.memory_space<hbm>> -> memref<632x128xf32, #tpu.memory_space<hbm>>
        %dma_wait3A_46 = arith.constant 0 : i32
        %dma_wait3A_47 = tpu.memref_slice %arg18[%mul3A_38, %dma_wait3A_46] : memref<10112x128xf32, #tpu.memory_space<vmem_shared>> -> memref<632x128xf32, #tpu.memory_space<vmem_shared>>
        tpu.wait_dma2 semaphore(%run_scoped3A : memref<!tpu.dma_semaphore, #tpu.memory_space<semaphore_mem>>) src(%dma_wait3A_47 : memref<632x128xf32, #tpu.memory_space<vmem_shared>>) dst(%dma_wait3A_45 : memref<632x128xf32, #tpu.memory_space<hbm>>)
        tpu.yield
      }) : () -> ()
      %barrier3A_41 = arith.constant 0 : index
      tpu.barrier barrier_id(%barrier3A_41)
    } else {
    }
    return
  }
}

module attributes {stable_mosaic.version = 14 : i64} {
  func.func @_prep_s_body(%arg0: memref<2048x3xf32, #tpu.memory_space<vmem>>, %arg1: memref<3x256xf32, #tpu.memory_space<vmem>>, %arg2: memref<1x256xf32, #tpu.memory_space<vmem>>, %arg3: memref<2176x128xf32, #tpu.memory_space<vmem>>, %arg4: memref<10112x128xf32, #tpu.memory_space<vmem>>, %arg5: memref<2048x256xf32, #tpu.memory_space<vmem>>, %arg6: memref<2048x1xf32, #tpu.memory_space<vmem>>, %arg7: memref<10000x1xf32, #tpu.memory_space<vmem>>) attributes {dimension_semantics = [], scalar_prefetch = 0 : i64, scratch_operands = 0 : i64, tpu.core_type = #tpu.core_type<tc>} {
    %get3A = arith.constant 0 : index
    %get3A_0 = arith.constant 0 : index
    %get3A_1 = vector.load %arg0[%get3A, %get3A_0] : memref<2048x3xf32, #tpu.memory_space<vmem>>, vector<2048x3xf32>
    %get3A_2 = arith.constant 0 : index
    %get3A_3 = arith.constant 0 : index
    %get3A_4 = vector.load %arg1[%get3A_2, %get3A_3] : memref<3x256xf32, #tpu.memory_space<vmem>>, vector<3x256xf32>
    %slice3A = vector.extract_strided_slice %get3A_1 {offsets = [0, 0], sizes = [2048, 1], strides = [1, 1]} : vector<2048x3xf32> to vector<2048x1xf32>
    %slice3A_5 = vector.extract_strided_slice %get3A_4 {offsets = [0, 0], sizes = [1, 256], strides = [1, 1]} : vector<3x256xf32> to vector<1x256xf32>
    %mul3A = vector.broadcast %slice3A : vector<2048x1xf32> to vector<2048x256xf32>
    %mul3A_6 = vector.broadcast %slice3A_5 : vector<1x256xf32> to vector<2048x256xf32>
    %mul3A_7 = arith.mulf %mul3A, %mul3A_6 : vector<2048x256xf32>
    %slice3A_8 = vector.extract_strided_slice %get3A_1 {offsets = [0, 1], sizes = [2048, 1], strides = [1, 1]} : vector<2048x3xf32> to vector<2048x1xf32>
    %slice3A_9 = vector.extract_strided_slice %get3A_4 {offsets = [1, 0], sizes = [1, 256], strides = [1, 1]} : vector<3x256xf32> to vector<1x256xf32>
    %mul3A_10 = vector.broadcast %slice3A_8 : vector<2048x1xf32> to vector<2048x256xf32>
    %mul3A_11 = vector.broadcast %slice3A_9 : vector<1x256xf32> to vector<2048x256xf32>
    %mul3A_12 = arith.mulf %mul3A_10, %mul3A_11 : vector<2048x256xf32>
    %add3A = arith.addf %mul3A_7, %mul3A_12 : vector<2048x256xf32>
    %slice3A_13 = vector.extract_strided_slice %get3A_1 {offsets = [0, 2], sizes = [2048, 1], strides = [1, 1]} : vector<2048x3xf32> to vector<2048x1xf32>
    %slice3A_14 = vector.extract_strided_slice %get3A_4 {offsets = [2, 0], sizes = [1, 256], strides = [1, 1]} : vector<3x256xf32> to vector<1x256xf32>
    %mul3A_15 = vector.broadcast %slice3A_13 : vector<2048x1xf32> to vector<2048x256xf32>
    %mul3A_16 = vector.broadcast %slice3A_14 : vector<1x256xf32> to vector<2048x256xf32>
    %mul3A_17 = arith.mulf %mul3A_15, %mul3A_16 : vector<2048x256xf32>
    %add3A_18 = arith.addf %add3A, %mul3A_17 : vector<2048x256xf32>
    %get3A_19 = arith.constant 0 : index
    %get3A_20 = arith.constant 0 : index
    %get3A_21 = vector.load %arg2[%get3A_19, %get3A_20] : memref<1x256xf32, #tpu.memory_space<vmem>>, vector<1x256xf32>
    %add3A_22 = vector.broadcast %get3A_21 : vector<1x256xf32> to vector<2048x256xf32>
    %add3A_23 = arith.addf %add3A_18, %add3A_22 : vector<2048x256xf32>
    %swap3A = arith.constant 0 : index
    %swap3A_24 = arith.constant 0 : index
    %swap3A_25 = vector.load %arg5[%swap3A, %swap3A_24] : memref<2048x256xf32, #tpu.memory_space<vmem>>, vector<2048x256xf32>
    tpu.vector_store %arg5[%swap3A, %swap3A_24], %add3A_23 {strides = array<i32>} : memref<2048x256xf32, #tpu.memory_space<vmem>>, vector<2048x256xf32>,
    %get3A_26 = arith.constant 0 : index
    %get3A_27 = arith.constant 0 : index
    %get3A_28 = vector.load %arg3[%get3A_26, %get3A_27] : memref<2176x128xf32, #tpu.memory_space<vmem>>, vector<2048x1xf32>
    %max3A = arith.constant 1.000000e+00 : f32
    %max3A_29 = vector.broadcast %max3A : f32 to vector<2048x1xf32>
    %max3A_30 = arith.maximumf %get3A_28, %max3A_29 : vector<2048x1xf32>
    %div3A = arith.constant 1.000000e+00 : f32
    %div3A_31 = vector.broadcast %div3A : f32 to vector<2048x1xf32>
    %div3A_32 = arith.divf %div3A_31, %max3A_30 : vector<2048x1xf32>
    %swap3A_33 = arith.constant 0 : index
    %swap3A_34 = arith.constant 0 : index
    %swap3A_35 = vector.load %arg6[%swap3A_33, %swap3A_34] : memref<2048x1xf32, #tpu.memory_space<vmem>>, vector<2048x1xf32>
    tpu.vector_store %arg6[%swap3A_33, %swap3A_34], %div3A_32 {strides = array<i32>} : memref<2048x1xf32, #tpu.memory_space<vmem>>, vector<2048x1xf32>,
    %get3A_36 = arith.constant 0 : index
    %get3A_37 = arith.constant 0 : index
    %get3A_38 = vector.load %arg4[%get3A_36, %get3A_37] : memref<10112x128xf32, #tpu.memory_space<vmem>>, vector<10000x1xf32>
    %add3A_39 = arith.constant 1.000000e+00 : f32
    %add3A_40 = vector.broadcast %add3A_39 : f32 to vector<10000x1xf32>
    %add3A_41 = arith.addf %get3A_38, %add3A_40 : vector<10000x1xf32>
    %rsqrt3A = math.rsqrt %add3A_41 : vector<10000x1xf32>
    %swap3A_42 = arith.constant 0 : index
    %swap3A_43 = arith.constant 0 : index
    %swap3A_44 = vector.load %arg7[%swap3A_42, %swap3A_43] : memref<10000x1xf32, #tpu.memory_space<vmem>>, vector<10000x1xf32>
    tpu.vector_store %arg7[%swap3A_42, %swap3A_43], %rsqrt3A {strides = array<i32>} : memref<10000x1xf32, #tpu.memory_space<vmem>>, vector<10000x1xf32>,
    return
  }
}

module attributes {stable_mosaic.version = 14 : i64} {
  func.func @_prep_r_body(%arg0: i32, %arg1: memref<2000x256xf32, #tpu.memory_space<vmem>>, %arg2: memref<256x256xf32, #tpu.memory_space<vmem>>, %arg3: memref<1x256xf32, #tpu.memory_space<vmem>>, %arg4: memref<2000x1xf32, #tpu.memory_space<vmem>>, %arg5: memref<2000x128xf32, #tpu.memory_space<vmem>>, %arg6: memref<2000x128xf32, #tpu.memory_space<vmem>>, %arg7: memref<2000x128xf32, #tpu.memory_space<vmem>>, %arg8: memref<2000x128xf32, #tpu.memory_space<vmem>>) attributes {dimension_semantics = [#tpu.dimension_semantics<arbitrary>], iteration_bounds = array<i64: 5>, scalar_prefetch = 0 : i64, scratch_operands = 0 : i64, tpu.core_type = #tpu.core_type<tc>, window_params = [{transform_indices = @transform_0, window_bounds = array<i64: 2000, 256>}, {pipeline_mode = #tpu.pipeline_mode<synchronous>, transform_indices = @transform_1, window_bounds = array<i64: 256, 256>}, {pipeline_mode = #tpu.pipeline_mode<synchronous>, transform_indices = @transform_2, window_bounds = array<i64: 1, 256>}, {transform_indices = @transform_3, window_bounds = array<i64: 2000, 1>}, {transform_indices = @transform_4, window_bounds = array<i64: 2000, 128>}, {transform_indices = @transform_5, window_bounds = array<i64: 2000, 128>}, {transform_indices = @transform_6, window_bounds = array<i64: 2000, 128>}, {transform_indices = @transform_7, window_bounds = array<i64: 2000, 128>}]} {
    %get3A = arith.constant 0 : index
    %get3A_0 = arith.constant 0 : index
    %get3A_1 = vector.load %arg1[%get3A, %get3A_0] : memref<2000x256xf32, #tpu.memory_space<vmem>>, vector<2000x256xf32>
    %get3A_2 = arith.constant 0 : index
    %get3A_3 = arith.constant 0 : index
    %get3A_4 = vector.load %arg2[%get3A_2, %get3A_3] : memref<256x256xf32, #tpu.memory_space<vmem>>, vector<256x256xf32>
    %dot_general3A = arith.constant dense<0.000000e+00> : vector<2000x256xf32>
    %dot_general3A_5 = tpu.matmul %get3A_1, %get3A_4, %dot_general3A {dimension_numbers = #tpu.dot_dimension_numbers<[1], [0], [0], [1], [0, 0, 1, 1], [], []>, precision = #tpu.contract_precision<fp32>, transpose_lhs_hint = false} : vector<2000x256xf32>, vector<256x256xf32>, vector<2000x256xf32> -> vector<2000x256xf32>
    %get3A_6 = arith.constant 0 : index
    %get3A_7 = arith.constant 0 : index
    %get3A_8 = vector.load %arg3[%get3A_6, %get3A_7] : memref<1x256xf32, #tpu.memory_space<vmem>>, vector<1x256xf32>
    %add3A = vector.broadcast %get3A_8 : vector<1x256xf32> to vector<2000x256xf32>
    %add3A_9 = arith.addf %dot_general3A_5, %add3A : vector<2000x256xf32>
    %get3A_10 = arith.constant 0 : index
    %get3A_11 = arith.constant 0 : index
    %get3A_12 = vector.load %arg4[%get3A_10, %get3A_11] : memref<2000x1xf32, #tpu.memory_space<vmem>>, vector<2000x1xf32>
    %mul3A = vector.broadcast %get3A_12 : vector<2000x1xf32> to vector<2000x256xf32>
    %mul3A_13 = arith.mulf %mul3A, %add3A_9 : vector<2000x256xf32>
    %slice3A = vector.extract_strided_slice %add3A_9 {offsets = [0, 0], sizes = [2000, 128], strides = [1, 1]} : vector<2000x256xf32> to vector<2000x128xf32>
    %swap3A = arith.constant 0 : index
    %swap3A_14 = arith.constant 0 : index
    %swap3A_15 = vector.load %arg5[%swap3A, %swap3A_14] : memref<2000x128xf32, #tpu.memory_space<vmem>>, vector<2000x128xf32>
    tpu.vector_store %arg5[%swap3A, %swap3A_14], %slice3A {strides = array<i32>} : memref<2000x128xf32, #tpu.memory_space<vmem>>, vector<2000x128xf32>,
    %slice3A_16 = vector.extract_strided_slice %add3A_9 {offsets = [0, 128], sizes = [2000, 128], strides = [1, 1]} : vector<2000x256xf32> to vector<2000x128xf32>
    %swap3A_17 = arith.constant 0 : index
    %swap3A_18 = arith.constant 0 : index
    %swap3A_19 = vector.load %arg6[%swap3A_17, %swap3A_18] : memref<2000x128xf32, #tpu.memory_space<vmem>>, vector<2000x128xf32>
    tpu.vector_store %arg6[%swap3A_17, %swap3A_18], %slice3A_16 {strides = array<i32>} : memref<2000x128xf32, #tpu.memory_space<vmem>>, vector<2000x128xf32>,
    %slice3A_20 = vector.extract_strided_slice %mul3A_13 {offsets = [0, 0], sizes = [2000, 128], strides = [1, 1]} : vector<2000x256xf32> to vector<2000x128xf32>
    %swap3A_21 = arith.constant 0 : index
    %swap3A_22 = arith.constant 0 : index
    %swap3A_23 = vector.load %arg7[%swap3A_21, %swap3A_22] : memref<2000x128xf32, #tpu.memory_space<vmem>>, vector<2000x128xf32>
    tpu.vector_store %arg7[%swap3A_21, %swap3A_22], %slice3A_20 {strides = array<i32>} : memref<2000x128xf32, #tpu.memory_space<vmem>>, vector<2000x128xf32>,
    %slice3A_24 = vector.extract_strided_slice %mul3A_13 {offsets = [0, 128], sizes = [2000, 128], strides = [1, 1]} : vector<2000x256xf32> to vector<2000x128xf32>
    %swap3A_25 = arith.constant 0 : index
    %swap3A_26 = arith.constant 0 : index
    %swap3A_27 = vector.load %arg8[%swap3A_25, %swap3A_26] : memref<2000x128xf32, #tpu.memory_space<vmem>>, vector<2000x128xf32>
    tpu.vector_store %arg8[%swap3A_25, %swap3A_26], %slice3A_24 {strides = array<i32>} : memref<2000x128xf32, #tpu.memory_space<vmem>>, vector<2000x128xf32>,
    return
  }
  func.func @transform_0(%arg0: i32) -> (i32, i32) {
    %c0_i32 = arith.constant 0 : i32
    %c0_i32_0 = arith.constant 0 : i32
    return %arg0, %c0_i32 : i32, i32
  }
  func.func @transform_1(%arg0: i32) -> (i32, i32) {
    %c0_i32 = arith.constant 0 : i32
    %c0_i32_0 = arith.constant 0 : i32
    %c0_i32_1 = arith.constant 0 : i32
    return %c0_i32, %c0_i32_0 : i32, i32
  }
  func.func @transform_2(%arg0: i32) -> (i32, i32) {
    %c0_i32 = arith.constant 0 : i32
    %c0_i32_0 = arith.constant 0 : i32
    %c0_i32_1 = arith.constant 0 : i32
    return %c0_i32, %c0_i32_0 : i32, i32
  }
  func.func @transform_3(%arg0: i32) -> (i32, i32) {
    %c0_i32 = arith.constant 0 : i32
    %c0_i32_0 = arith.constant 0 : i32
    return %arg0, %c0_i32 : i32, i32
  }
  func.func @transform_4(%arg0: i32) -> (i32, i32) {
    %c0_i32 = arith.constant 0 : i32
    %c0_i32_0 = arith.constant 0 : i32
    return %arg0, %c0_i32 : i32, i32
  }
  func.func @transform_5(%arg0: i32) -> (i32, i32) {
    %c0_i32 = arith.constant 0 : i32
    %c0_i32_0 = arith.constant 0 : i32
    return %arg0, %c0_i32 : i32, i32
  }
  func.func @transform_6(%arg0: i32) -> (i32, i32) {
    %c0_i32 = arith.constant 0 : i32
    %c0_i32_0 = arith.constant 0 : i32
    return %arg0, %c0_i32 : i32, i32
  }
  func.func @transform_7(%arg0: i32) -> (i32, i32) {
    %c0_i32 = arith.constant 0 : i32
    %c0_i32_0 = arith.constant 0 : i32
    return %arg0, %c0_i32 : i32, i32
  }
}

module attributes {stable_mosaic.version = 14 : i64} {
  func.func @_r_phase_a_body(%arg0: i32, %arg1: memref<2000x128xf32, #tpu.memory_space<vmem>>, %arg2: memref<2000x128xf32, #tpu.memory_space<vmem>>, %arg3: memref<2000x128xf32, #tpu.memory_space<vmem>>, %arg4: memref<2000x128xf32, #tpu.memory_space<vmem>>, %arg5: memref<2000x1xf32, #tpu.memory_space<vmem>>, %arg6: memref<256x256xf32, #tpu.memory_space<vmem>>, %arg7: memref<1x256xf32, #tpu.memory_space<vmem>>, %arg8: memref<2000x256xf32, #tpu.memory_space<vmem>>, %arg9: memref<8x256xf32, #tpu.memory_space<vmem>>, %arg10: memref<8x256xf32, #tpu.memory_space<vmem>>) attributes {dimension_semantics = [#tpu.dimension_semantics<arbitrary>], iteration_bounds = array<i64: 5>, scalar_prefetch = 0 : i64, scratch_operands = 1 : i64, tpu.core_type = #tpu.core_type<tc>, window_params = [{transform_indices = @transform_0, window_bounds = array<i64: 2000, 128>}, {transform_indices = @transform_1, window_bounds = array<i64: 2000, 128>}, {transform_indices = @transform_2, window_bounds = array<i64: 2000, 128>}, {transform_indices = @transform_3, window_bounds = array<i64: 2000, 128>}, {transform_indices = @transform_4, window_bounds = array<i64: 2000, 1>}, {pipeline_mode = #tpu.pipeline_mode<synchronous>, transform_indices = @transform_5, window_bounds = array<i64: 256, 256>}, {pipeline_mode = #tpu.pipeline_mode<synchronous>, transform_indices = @transform_6, window_bounds = array<i64: 1, 256>}, {transform_indices = @transform_7, window_bounds = array<i64: 2000, 256>}, {pipeline_mode = #tpu.pipeline_mode<synchronous>, transform_indices = @transform_8, window_bounds = array<i64: 8, 256>}]} {
    %eq3A = arith.constant 0 : i32
    %eq3A_0 = arith.cmpi eq, %arg0, %eq3A : i32
    %convert_element_type3A = arith.extui %eq3A_0 : i1 to i32
    %cond3A = arith.constant 0 : i32
    %cond3A_1 = arith.cmpi ne, %convert_element_type3A, %cond3A : i32
    scf.if %cond3A_1 {
      %broadcast_in_dim3A_54 = arith.constant 0.000000e+00 : f32
      %broadcast_in_dim3A_55 = vector.broadcast %broadcast_in_dim3A_54 : f32 to vector<8x256xf32>
      %swap3A_56 = arith.constant 0 : index
      %swap3A_57 = arith.constant 0 : index
      %swap3A_58 = vector.load %arg10[%swap3A_56, %swap3A_57] : memref<8x256xf32, #tpu.memory_space<vmem>>, vector<8x256xf32>
      tpu.vector_store %arg10[%swap3A_56, %swap3A_57], %broadcast_in_dim3A_55 {strides = array<i32>} : memref<8x256xf32, #tpu.memory_space<vmem>>, vector<8x256xf32>,
    } else {
    }
    %get3A = arith.constant 0 : index
    %get3A_2 = arith.constant 0 : index
    %get3A_3 = vector.load %arg3[%get3A, %get3A_2] : memref<2000x128xf32, #tpu.memory_space<vmem>>, vector<2000x128xf32>
    %get3A_4 = arith.constant 0 : index
    %get3A_5 = arith.constant 0 : index
    %get3A_6 = vector.load %arg4[%get3A_4, %get3A_5] : memref<2000x128xf32, #tpu.memory_space<vmem>>, vector<2000x128xf32>
    %concatenate3A = tpu.concatenate %get3A_3, %get3A_6 in 1 : vector<2000x128xf32>, vector<2000x128xf32> -> vector<2000x256xf32>
    %get3A_7 = arith.constant 0 : index
    %get3A_8 = arith.constant 0 : index
    %get3A_9 = vector.load %arg1[%get3A_7, %get3A_8] : memref<2000x128xf32, #tpu.memory_space<vmem>>, vector<2000x128xf32>
    %get3A_10 = arith.constant 0 : index
    %get3A_11 = arith.constant 0 : index
    %get3A_12 = vector.load %arg2[%get3A_10, %get3A_11] : memref<2000x128xf32, #tpu.memory_space<vmem>>, vector<2000x128xf32>
    %concatenate3A_13 = tpu.concatenate %get3A_9, %get3A_12 in 1 : vector<2000x128xf32>, vector<2000x128xf32> -> vector<2000x256xf32>
    %get3A_14 = arith.constant 0 : index
    %get3A_15 = arith.constant 0 : index
    %get3A_16 = vector.load %arg5[%get3A_14, %get3A_15] : memref<2000x1xf32, #tpu.memory_space<vmem>>, vector<2000x1xf32>
    %add3A = arith.addf %concatenate3A_13, %concatenate3A : vector<2000x256xf32>
    %mul3A = vector.broadcast %get3A_16 : vector<2000x1xf32> to vector<2000x256xf32>
    %mul3A_17 = arith.mulf %mul3A, %add3A : vector<2000x256xf32>
    %get3A_18 = arith.constant 0 : index
    %get3A_19 = arith.constant 0 : index
    %get3A_20 = vector.load %arg6[%get3A_18, %get3A_19] : memref<256x256xf32, #tpu.memory_space<vmem>>, vector<256x256xf32>
    %dot_general3A = arith.constant dense<0.000000e+00> : vector<2000x256xf32>
    %dot_general3A_21 = tpu.matmul %mul3A_17, %get3A_20, %dot_general3A {dimension_numbers = #tpu.dot_dimension_numbers<[1], [0], [0], [1], [0, 0, 1, 1], [], []>, precision = #tpu.contract_precision<fp32>, transpose_lhs_hint = false} : vector<2000x256xf32>, vector<256x256xf32>, vector<2000x256xf32> -> vector<2000x256xf32>
    %get3A_22 = arith.constant 0 : index
    %get3A_23 = arith.constant 0 : index
    %get3A_24 = vector.load %arg7[%get3A_22, %get3A_23] : memref<1x256xf32, #tpu.memory_space<vmem>>, vector<1x256xf32>
    %add3A_25 = vector.broadcast %get3A_24 : vector<1x256xf32> to vector<2000x256xf32>
    %add3A_26 = arith.addf %dot_general3A_21, %add3A_25 : vector<2000x256xf32>
    %swap3A = arith.constant 0 : index
    %swap3A_27 = arith.constant 0 : index
    %swap3A_28 = vector.load %arg8[%swap3A, %swap3A_27] : memref<2000x256xf32, #tpu.memory_space<vmem>>, vector<2000x256xf32>
    tpu.vector_store %arg8[%swap3A, %swap3A_27], %add3A_26 {strides = array<i32>} : memref<2000x256xf32, #tpu.memory_space<vmem>>, vector<2000x256xf32>,
    %reduce_sum3A = arith.constant dense<0.000000e+00> : vector<256xf32>
    %reduce_sum3A_29 = vector.multi_reduction <add>, %add3A_26, %reduce_sum3A [0] : vector<2000x256xf32> to vector<256xf32>
    %broadcast_in_dim3A = vector.shape_cast %reduce_sum3A_29 : vector<256xf32> to vector<1x256xf32>
    %mul3A_30 = arith.mulf %add3A_26, %add3A_26 : vector<2000x256xf32>
    %reduce_sum3A_31 = arith.constant dense<0.000000e+00> : vector<256xf32>
    %reduce_sum3A_32 = vector.multi_reduction <add>, %mul3A_30, %reduce_sum3A_31 [0] : vector<2000x256xf32> to vector<256xf32>
    %broadcast_in_dim3A_33 = vector.shape_cast %reduce_sum3A_32 : vector<256xf32> to vector<1x256xf32>
    %get3A_34 = arith.constant 0 : index
    %get3A_35 = arith.constant 0 : index
    %get3A_36 = vector.load %arg10[%get3A_34, %get3A_35] : memref<8x256xf32, #tpu.memory_space<vmem>>, vector<1x256xf32>
    %add3A_37 = arith.addf %get3A_36, %broadcast_in_dim3A : vector<1x256xf32>
    %swap3A_38 = arith.constant 0 : index
    %swap3A_39 = arith.constant 0 : index
    %swap3A_40 = vector.load %arg10[%swap3A_38, %swap3A_39] : memref<8x256xf32, #tpu.memory_space<vmem>>, vector<1x256xf32>
    tpu.vector_store %arg10[%swap3A_38, %swap3A_39], %add3A_37 {strides = array<i32>} : memref<8x256xf32, #tpu.memory_space<vmem>>, vector<1x256xf32>,
    %get3A_41 = arith.constant 1 : index
    %get3A_42 = arith.constant 0 : index
    %get3A_43 = vector.load %arg10[%get3A_41, %get3A_42] : memref<8x256xf32, #tpu.memory_space<vmem>>, vector<1x256xf32>
    %add3A_44 = arith.addf %get3A_43, %broadcast_in_dim3A_33 : vector<1x256xf32>
    %swap3A_45 = arith.constant 1 : index
    %swap3A_46 = arith.constant 0 : index
    %swap3A_47 = vector.load %arg10[%swap3A_45, %swap3A_46] : memref<8x256xf32, #tpu.memory_space<vmem>>, vector<1x256xf32>
    tpu.vector_store %arg10[%swap3A_45, %swap3A_46], %add3A_44 {strides = array<i32>} : memref<8x256xf32, #tpu.memory_space<vmem>>, vector<1x256xf32>,
    %get3A_48 = arith.constant 0 : index
    %get3A_49 = arith.constant 0 : index
    %get3A_50 = vector.load %arg10[%get3A_48, %get3A_49] : memref<8x256xf32, #tpu.memory_space<vmem>>, vector<8x256xf32>
    %swap3A_51 = arith.constant 0 : index
    %swap3A_52 = arith.constant 0 : index
    %swap3A_53 = vector.load %arg9[%swap3A_51, %swap3A_52] : memref<8x256xf32, #tpu.memory_space<vmem>>, vector<8x256xf32>
    tpu.vector_store %arg9[%swap3A_51, %swap3A_52], %get3A_50 {strides = array<i32>} : memref<8x256xf32, #tpu.memory_space<vmem>>, vector<8x256xf32>,
    return
  }
  func.func @transform_0(%arg0: i32) -> (i32, i32) {
    %c0_i32 = arith.constant 0 : i32
    %c0_i32_0 = arith.constant 0 : i32
    return %arg0, %c0_i32 : i32, i32
  }
  func.func @transform_1(%arg0: i32) -> (i32, i32) {
    %c0_i32 = arith.constant 0 : i32
    %c0_i32_0 = arith.constant 0 : i32
    return %arg0, %c0_i32 : i32, i32
  }
  func.func @transform_2(%arg0: i32) -> (i32, i32) {
    %c0_i32 = arith.constant 0 : i32
    %c0_i32_0 = arith.constant 0 : i32
    return %arg0, %c0_i32 : i32, i32
  }
  func.func @transform_3(%arg0: i32) -> (i32, i32) {
    %c0_i32 = arith.constant 0 : i32
    %c0_i32_0 = arith.constant 0 : i32
    return %arg0, %c0_i32 : i32, i32
  }
  func.func @transform_4(%arg0: i32) -> (i32, i32) {
    %c0_i32 = arith.constant 0 : i32
    %c0_i32_0 = arith.constant 0 : i32
    return %arg0, %c0_i32 : i32, i32
  }
  func.func @transform_5(%arg0: i32) -> (i32, i32) {
    %c0_i32 = arith.constant 0 : i32
    %c0_i32_0 = arith.constant 0 : i32
    %c0_i32_1 = arith.constant 0 : i32
    return %c0_i32, %c0_i32_0 : i32, i32
  }
  func.func @transform_6(%arg0: i32) -> (i32, i32) {
    %c0_i32 = arith.constant 0 : i32
    %c0_i32_0 = arith.constant 0 : i32
    %c0_i32_1 = arith.constant 0 : i32
    return %c0_i32, %c0_i32_0 : i32, i32
  }
  func.func @transform_7(%arg0: i32) -> (i32, i32) {
    %c0_i32 = arith.constant 0 : i32
    %c0_i32_0 = arith.constant 0 : i32
    return %arg0, %c0_i32 : i32, i32
  }
  func.func @transform_8(%arg0: i32) -> (i32, i32) {
    %c0_i32 = arith.constant 0 : i32
    %c0_i32_0 = arith.constant 0 : i32
    %c0_i32_1 = arith.constant 0 : i32
    return %c0_i32, %c0_i32_0 : i32, i32
  }
}

module attributes {stable_mosaic.version = 14 : i64} {
  func.func @_r_phase_b_body(%arg0: i32, %arg1: memref<2000x256xf32, #tpu.memory_space<vmem>>, %arg2: memref<8x256xf32, #tpu.memory_space<vmem>>, %arg3: memref<2000x1xf32, #tpu.memory_space<vmem>>, %arg4: memref<1x256xf32, #tpu.memory_space<vmem>>, %arg5: memref<1x256xf32, #tpu.memory_space<vmem>>, %arg6: memref<2000x128xf32, #tpu.memory_space<vmem>>, %arg7: memref<2000x128xf32, #tpu.memory_space<vmem>>, %arg8: memref<2000x128xf32, #tpu.memory_space<vmem>>, %arg9: memref<2000x128xf32, #tpu.memory_space<vmem>>) attributes {dimension_semantics = [#tpu.dimension_semantics<arbitrary>], iteration_bounds = array<i64: 5>, scalar_prefetch = 0 : i64, scratch_operands = 0 : i64, tpu.core_type = #tpu.core_type<tc>, window_params = [{transform_indices = @transform_0, window_bounds = array<i64: 2000, 256>}, {pipeline_mode = #tpu.pipeline_mode<synchronous>, transform_indices = @transform_1, window_bounds = array<i64: 8, 256>}, {transform_indices = @transform_2, window_bounds = array<i64: 2000, 1>}, {pipeline_mode = #tpu.pipeline_mode<synchronous>, transform_indices = @transform_3, window_bounds = array<i64: 1, 256>}, {pipeline_mode = #tpu.pipeline_mode<synchronous>, transform_indices = @transform_4, window_bounds = array<i64: 1, 256>}, {transform_indices = @transform_5, window_bounds = array<i64: 2000, 128>}, {transform_indices = @transform_6, window_bounds = array<i64: 2000, 128>}, {transform_indices = @transform_7, window_bounds = array<i64: 2000, 128>}, {transform_indices = @transform_8, window_bounds = array<i64: 2000, 128>}]} {
    %get3A = arith.constant 0 : index
    %get3A_0 = arith.constant 0 : index
    %get3A_1 = vector.load %arg1[%get3A, %get3A_0] : memref<2000x256xf32, #tpu.memory_space<vmem>>, vector<2000x256xf32>
    %get3A_2 = arith.constant 0 : index
    %get3A_3 = arith.constant 0 : index
    %get3A_4 = vector.load %arg2[%get3A_2, %get3A_3] : memref<8x256xf32, #tpu.memory_space<vmem>>, vector<8x256xf32>
    %get3A_5 = arith.constant 0 : index
    %get3A_6 = arith.constant 0 : index
    %get3A_7 = vector.load %arg4[%get3A_5, %get3A_6] : memref<1x256xf32, #tpu.memory_space<vmem>>, vector<1x256xf32>
    %get3A_8 = arith.constant 0 : index
    %get3A_9 = arith.constant 0 : index
    %get3A_10 = vector.load %arg5[%get3A_8, %get3A_9] : memref<1x256xf32, #tpu.memory_space<vmem>>, vector<1x256xf32>
    %slice3A = vector.extract_strided_slice %get3A_4 {offsets = [0, 0], sizes = [1, 256], strides = [1, 1]} : vector<8x256xf32> to vector<1x256xf32>
    %div3A = arith.constant 1.000000e+04 : f32
    %div3A_11 = vector.broadcast %div3A : f32 to vector<1x256xf32>
    %div3A_12 = arith.divf %slice3A, %div3A_11 : vector<1x256xf32>
    %slice3A_13 = vector.extract_strided_slice %get3A_4 {offsets = [1, 0], sizes = [1, 256], strides = [1, 1]} : vector<8x256xf32> to vector<1x256xf32>
    %div3A_14 = arith.constant 1.000000e+04 : f32
    %div3A_15 = vector.broadcast %div3A_14 : f32 to vector<1x256xf32>
    %div3A_16 = arith.divf %slice3A_13, %div3A_15 : vector<1x256xf32>
    %mul3A = arith.mulf %div3A_12, %div3A_12 : vector<1x256xf32>
    %sub3A = arith.subf %div3A_16, %mul3A : vector<1x256xf32>
    %sub3A_17 = vector.broadcast %div3A_12 : vector<1x256xf32> to vector<2000x256xf32>
    %sub3A_18 = arith.subf %get3A_1, %sub3A_17 : vector<2000x256xf32>
    %add3A = arith.constant 9.99999974E-6 : f32
    %add3A_19 = vector.broadcast %add3A : f32 to vector<1x256xf32>
    %add3A_20 = arith.addf %sub3A, %add3A_19 : vector<1x256xf32>
    %rsqrt3A = math.rsqrt %add3A_20 : vector<1x256xf32>
    %mul3A_21 = vector.broadcast %rsqrt3A : vector<1x256xf32> to vector<2000x256xf32>
    %mul3A_22 = arith.mulf %sub3A_18, %mul3A_21 : vector<2000x256xf32>
    %mul3A_23 = vector.broadcast %get3A_7 : vector<1x256xf32> to vector<2000x256xf32>
    %mul3A_24 = arith.mulf %mul3A_22, %mul3A_23 : vector<2000x256xf32>
    %add3A_25 = vector.broadcast %get3A_10 : vector<1x256xf32> to vector<2000x256xf32>
    %add3A_26 = arith.addf %mul3A_24, %add3A_25 : vector<2000x256xf32>
    %max3A = arith.constant 0.000000e+00 : f32
    %max3A_27 = vector.broadcast %max3A : f32 to vector<2000x256xf32>
    %max3A_28 = arith.maximumf %add3A_26, %max3A_27 : vector<2000x256xf32>
    %get3A_29 = arith.constant 0 : index
    %get3A_30 = arith.constant 0 : index
    %get3A_31 = vector.load %arg3[%get3A_29, %get3A_30] : memref<2000x1xf32, #tpu.memory_space<vmem>>, vector<2000x1xf32>
    %mul3A_32 = vector.broadcast %get3A_31 : vector<2000x1xf32> to vector<2000x256xf32>
    %mul3A_33 = arith.mulf %mul3A_32, %max3A_28 : vector<2000x256xf32>
    %slice3A_34 = vector.extract_strided_slice %max3A_28 {offsets = [0, 0], sizes = [2000, 128], strides = [1, 1]} : vector<2000x256xf32> to vector<2000x128xf32>
    %swap3A = arith.constant 0 : index
    %swap3A_35 = arith.constant 0 : index
    %swap3A_36 = vector.load %arg6[%swap3A, %swap3A_35] : memref<2000x128xf32, #tpu.memory_space<vmem>>, vector<2000x128xf32>
    tpu.vector_store %arg6[%swap3A, %swap3A_35], %slice3A_34 {strides = array<i32>} : memref<2000x128xf32, #tpu.memory_space<vmem>>, vector<2000x128xf32>,
    %slice3A_37 = vector.extract_strided_slice %max3A_28 {offsets = [0, 128], sizes = [2000, 128], strides = [1, 1]} : vector<2000x256xf32> to vector<2000x128xf32>
    %swap3A_38 = arith.constant 0 : index
    %swap3A_39 = arith.constant 0 : index
    %swap3A_40 = vector.load %arg7[%swap3A_38, %swap3A_39] : memref<2000x128xf32, #tpu.memory_space<vmem>>, vector<2000x128xf32>
    tpu.vector_store %arg7[%swap3A_38, %swap3A_39], %slice3A_37 {strides = array<i32>} : memref<2000x128xf32, #tpu.memory_space<vmem>>, vector<2000x128xf32>,
    %slice3A_41 = vector.extract_strided_slice %mul3A_33 {offsets = [0, 0], sizes = [2000, 128], strides = [1, 1]} : vector<2000x256xf32> to vector<2000x128xf32>
    %swap3A_42 = arith.constant 0 : index
    %swap3A_43 = arith.constant 0 : index
    %swap3A_44 = vector.load %arg8[%swap3A_42, %swap3A_43] : memref<2000x128xf32, #tpu.memory_space<vmem>>, vector<2000x128xf32>
    tpu.vector_store %arg8[%swap3A_42, %swap3A_43], %slice3A_41 {strides = array<i32>} : memref<2000x128xf32, #tpu.memory_space<vmem>>, vector<2000x128xf32>,
    %slice3A_45 = vector.extract_strided_slice %mul3A_33 {offsets = [0, 128], sizes = [2000, 128], strides = [1, 1]} : vector<2000x256xf32> to vector<2000x128xf32>
    %swap3A_46 = arith.constant 0 : index
    %swap3A_47 = arith.constant 0 : index
    %swap3A_48 = vector.load %arg9[%swap3A_46, %swap3A_47] : memref<2000x128xf32, #tpu.memory_space<vmem>>, vector<2000x128xf32>
    tpu.vector_store %arg9[%swap3A_46, %swap3A_47], %slice3A_45 {strides = array<i32>} : memref<2000x128xf32, #tpu.memory_space<vmem>>, vector<2000x128xf32>,
    return
  }
  func.func @transform_0(%arg0: i32) -> (i32, i32) {
    %c0_i32 = arith.constant 0 : i32
    %c0_i32_0 = arith.constant 0 : i32
    return %arg0, %c0_i32 : i32, i32
  }
  func.func @transform_1(%arg0: i32) -> (i32, i32) {
    %c0_i32 = arith.constant 0 : i32
    %c0_i32_0 = arith.constant 0 : i32
    %c0_i32_1 = arith.constant 0 : i32
    return %c0_i32, %c0_i32_0 : i32, i32
  }
  func.func @transform_2(%arg0: i32) -> (i32, i32) {
    %c0_i32 = arith.constant 0 : i32
    %c0_i32_0 = arith.constant 0 : i32
    return %arg0, %c0_i32 : i32, i32
  }
  func.func @transform_3(%arg0: i32) -> (i32, i32) {
    %c0_i32 = arith.constant 0 : i32
    %c0_i32_0 = arith.constant 0 : i32
    %c0_i32_1 = arith.constant 0 : i32
    return %c0_i32, %c0_i32_0 : i32, i32
  }
  func.func @transform_4(%arg0: i32) -> (i32, i32) {
    %c0_i32 = arith.constant 0 : i32
    %c0_i32_0 = arith.constant 0 : i32
    %c0_i32_1 = arith.constant 0 : i32
    return %c0_i32, %c0_i32_0 : i32, i32
  }
  func.func @transform_5(%arg0: i32) -> (i32, i32) {
    %c0_i32 = arith.constant 0 : i32
    %c0_i32_0 = arith.constant 0 : i32
    return %arg0, %c0_i32 : i32, i32
  }
  func.func @transform_6(%arg0: i32) -> (i32, i32) {
    %c0_i32 = arith.constant 0 : i32
    %c0_i32_0 = arith.constant 0 : i32
    return %arg0, %c0_i32 : i32, i32
  }
  func.func @transform_7(%arg0: i32) -> (i32, i32) {
    %c0_i32 = arith.constant 0 : i32
    %c0_i32_0 = arith.constant 0 : i32
    return %arg0, %c0_i32 : i32, i32
  }
  func.func @transform_8(%arg0: i32) -> (i32, i32) {
    %c0_i32 = arith.constant 0 : i32
    %c0_i32_0 = arith.constant 0 : i32
    return %arg0, %c0_i32 : i32, i32
  }
}

module attributes {stable_mosaic.version = 14 : i64} {
  func.func @_comb_s_body(%arg0: memref<2176x128xf32, #tpu.memory_space<vmem>>, %arg1: memref<2176x128xf32, #tpu.memory_space<vmem>>, %arg2: memref<2048x256xf32, #tpu.memory_space<vmem>>, %arg3: memref<2048x1xf32, #tpu.memory_space<vmem>>, %arg4: memref<256x256xf32, #tpu.memory_space<vmem>>, %arg5: memref<256x256xf32, #tpu.memory_space<vmem>>, %arg6: memref<1x256xf32, #tpu.memory_space<vmem>>, %arg7: memref<1x256xf32, #tpu.memory_space<vmem>>, %arg8: memref<1x256xf32, #tpu.memory_space<vmem>>, %arg9: memref<2048x256xf32, #tpu.memory_space<vmem>>) attributes {dimension_semantics = [], scalar_prefetch = 0 : i64, scratch_operands = 0 : i64, tpu.core_type = #tpu.core_type<tc>} {
    %get3A = arith.constant 0 : index
    %get3A_0 = arith.constant 0 : index
    %get3A_1 = vector.load %arg0[%get3A, %get3A_0] : memref<2176x128xf32, #tpu.memory_space<vmem>>, vector<2048x128xf32>
    %get3A_2 = arith.constant 0 : index
    %get3A_3 = arith.constant 0 : index
    %get3A_4 = vector.load %arg1[%get3A_2, %get3A_3] : memref<2176x128xf32, #tpu.memory_space<vmem>>, vector<2048x128xf32>
    %concatenate3A = tpu.concatenate %get3A_1, %get3A_4 in 1 : vector<2048x128xf32>, vector<2048x128xf32> -> vector<2048x256xf32>
    %get3A_5 = arith.constant 0 : index
    %get3A_6 = arith.constant 0 : index
    %get3A_7 = vector.load %arg3[%get3A_5, %get3A_6] : memref<2048x1xf32, #tpu.memory_space<vmem>>, vector<2048x1xf32>
    %mul3A = vector.broadcast %get3A_7 : vector<2048x1xf32> to vector<2048x256xf32>
    %mul3A_8 = arith.mulf %concatenate3A, %mul3A : vector<2048x256xf32>
    %get3A_9 = arith.constant 0 : index
    %get3A_10 = arith.constant 0 : index
    %get3A_11 = vector.load %arg4[%get3A_9, %get3A_10] : memref<256x256xf32, #tpu.memory_space<vmem>>, vector<256x256xf32>
    %dot_general3A = arith.constant dense<0.000000e+00> : vector<2048x256xf32>
    %dot_general3A_12 = tpu.matmul %mul3A_8, %get3A_11, %dot_general3A {dimension_numbers = #tpu.dot_dimension_numbers<[1], [0], [0], [1], [0, 0, 1, 1], [], []>, precision = #tpu.contract_precision<fp32>, transpose_lhs_hint = false} : vector<2048x256xf32>, vector<256x256xf32>, vector<2048x256xf32> -> vector<2048x256xf32>
    %get3A_13 = arith.constant 0 : index
    %get3A_14 = arith.constant 0 : index
    %get3A_15 = vector.load %arg2[%get3A_13, %get3A_14] : memref<2048x256xf32, #tpu.memory_space<vmem>>, vector<2048x256xf32>
    %get3A_16 = arith.constant 0 : index
    %get3A_17 = arith.constant 0 : index
    %get3A_18 = vector.load %arg5[%get3A_16, %get3A_17] : memref<256x256xf32, #tpu.memory_space<vmem>>, vector<256x256xf32>
    %dot_general3A_19 = arith.constant dense<0.000000e+00> : vector<2048x256xf32>
    %dot_general3A_20 = tpu.matmul %get3A_15, %get3A_18, %dot_general3A_19 {dimension_numbers = #tpu.dot_dimension_numbers<[1], [0], [0], [1], [0, 0, 1, 1], [], []>, precision = #tpu.contract_precision<fp32>, transpose_lhs_hint = false} : vector<2048x256xf32>, vector<256x256xf32>, vector<2048x256xf32> -> vector<2048x256xf32>
    %add3A = arith.addf %dot_general3A_12, %dot_general3A_20 : vector<2048x256xf32>
    %get3A_21 = arith.constant 0 : index
    %get3A_22 = arith.constant 0 : index
    %get3A_23 = vector.load %arg6[%get3A_21, %get3A_22] : memref<1x256xf32, #tpu.memory_space<vmem>>, vector<1x256xf32>
    %add3A_24 = vector.broadcast %get3A_23 : vector<1x256xf32> to vector<2048x256xf32>
    %add3A_25 = arith.addf %add3A, %add3A_24 : vector<2048x256xf32>
    %reduce_sum3A = arith.constant dense<0.000000e+00> : vector<256xf32>
    %reduce_sum3A_26 = vector.multi_reduction <add>, %add3A_25, %reduce_sum3A [0] : vector<2048x256xf32> to vector<256xf32>
    %broadcast_in_dim3A = vector.shape_cast %reduce_sum3A_26 : vector<256xf32> to vector<1x256xf32>
    %div3A = arith.constant 2.048000e+03 : f32
    %div3A_27 = vector.broadcast %div3A : f32 to vector<1x256xf32>
    %div3A_28 = arith.divf %broadcast_in_dim3A, %div3A_27 : vector<1x256xf32>
    %sub3A = vector.broadcast %div3A_28 : vector<1x256xf32> to vector<2048x256xf32>
    %sub3A_29 = arith.subf %add3A_25, %sub3A : vector<2048x256xf32>
    %sub3A_30 = vector.broadcast %div3A_28 : vector<1x256xf32> to vector<2048x256xf32>
    %sub3A_31 = arith.subf %add3A_25, %sub3A_30 : vector<2048x256xf32>
    %mul3A_32 = arith.mulf %sub3A_29, %sub3A_31 : vector<2048x256xf32>
    %reduce_sum3A_33 = arith.constant dense<0.000000e+00> : vector<256xf32>
    %reduce_sum3A_34 = vector.multi_reduction <add>, %mul3A_32, %reduce_sum3A_33 [0] : vector<2048x256xf32> to vector<256xf32>
    %broadcast_in_dim3A_35 = vector.shape_cast %reduce_sum3A_34 : vector<256xf32> to vector<1x256xf32>
    %div3A_36 = arith.constant 2.048000e+03 : f32
    %div3A_37 = vector.broadcast %div3A_36 : f32 to vector<1x256xf32>
    %div3A_38 = arith.divf %broadcast_in_dim3A_35, %div3A_37 : vector<1x256xf32>
    %sub3A_39 = vector.broadcast %div3A_28 : vector<1x256xf32> to vector<2048x256xf32>
    %sub3A_40 = arith.subf %add3A_25, %sub3A_39 : vector<2048x256xf32>
    %add3A_41 = arith.constant 9.99999974E-6 : f32
    %add3A_42 = vector.broadcast %add3A_41 : f32 to vector<1x256xf32>
    %add3A_43 = arith.addf %div3A_38, %add3A_42 : vector<1x256xf32>
    %rsqrt3A = math.rsqrt %add3A_43 : vector<1x256xf32>
    %mul3A_44 = vector.broadcast %rsqrt3A : vector<1x256xf32> to vector<2048x256xf32>
    %mul3A_45 = arith.mulf %sub3A_40, %mul3A_44 : vector<2048x256xf32>
    %get3A_46 = arith.constant 0 : index
    %get3A_47 = arith.constant 0 : index
    %get3A_48 = vector.load %arg7[%get3A_46, %get3A_47] : memref<1x256xf32, #tpu.memory_space<vmem>>, vector<1x256xf32>
    %mul3A_49 = vector.broadcast %get3A_48 : vector<1x256xf32> to vector<2048x256xf32>
    %mul3A_50 = arith.mulf %mul3A_45, %mul3A_49 : vector<2048x256xf32>
    %get3A_51 = arith.constant 0 : index
    %get3A_52 = arith.constant 0 : index
    %get3A_53 = vector.load %arg8[%get3A_51, %get3A_52] : memref<1x256xf32, #tpu.memory_space<vmem>>, vector<1x256xf32>
    %add3A_54 = vector.broadcast %get3A_53 : vector<1x256xf32> to vector<2048x256xf32>
    %add3A_55 = arith.addf %mul3A_50, %add3A_54 : vector<2048x256xf32>
    %max3A = arith.constant 0.000000e+00 : f32
    %max3A_56 = vector.broadcast %max3A : f32 to vector<2048x256xf32>
    %max3A_57 = arith.maximumf %add3A_55, %max3A_56 : vector<2048x256xf32>
    %swap3A = arith.constant 0 : index
    %swap3A_58 = arith.constant 0 : index
    %swap3A_59 = vector.load %arg9[%swap3A, %swap3A_58] : memref<2048x256xf32, #tpu.memory_space<vmem>>, vector<2048x256xf32>
    tpu.vector_store %arg9[%swap3A, %swap3A_58], %max3A_57 {strides = array<i32>} : memref<2048x256xf32, #tpu.memory_space<vmem>>, vector<2048x256xf32>,
    return
  }
}

module attributes {stable_mosaic.version = 14 : i64} {
  func.func @_r_phase_b_last_body(%arg0: i32, %arg1: memref<2000x256xf32, #tpu.memory_space<vmem>>, %arg2: memref<8x256xf32, #tpu.memory_space<vmem>>, %arg3: memref<1x256xf32, #tpu.memory_space<vmem>>, %arg4: memref<1x256xf32, #tpu.memory_space<vmem>>, %arg5: memref<256x64xf32, #tpu.memory_space<vmem>>, %arg6: memref<1x64xf32, #tpu.memory_space<vmem>>, %arg7: memref<2000x64xf32, #tpu.memory_space<vmem>>) attributes {dimension_semantics = [#tpu.dimension_semantics<arbitrary>], iteration_bounds = array<i64: 5>, scalar_prefetch = 0 : i64, scratch_operands = 0 : i64, tpu.core_type = #tpu.core_type<tc>, window_params = [{transform_indices = @transform_0, window_bounds = array<i64: 2000, 256>}, {pipeline_mode = #tpu.pipeline_mode<synchronous>, transform_indices = @transform_1, window_bounds = array<i64: 8, 256>}, {pipeline_mode = #tpu.pipeline_mode<synchronous>, transform_indices = @transform_2, window_bounds = array<i64: 1, 256>}, {pipeline_mode = #tpu.pipeline_mode<synchronous>, transform_indices = @transform_3, window_bounds = array<i64: 1, 256>}, {pipeline_mode = #tpu.pipeline_mode<synchronous>, transform_indices = @transform_4, window_bounds = array<i64: 256, 64>}, {pipeline_mode = #tpu.pipeline_mode<synchronous>, transform_indices = @transform_5, window_bounds = array<i64: 1, 64>}, {transform_indices = @transform_6, window_bounds = array<i64: 2000, 64>}]} {
    %get3A = arith.constant 0 : index
    %get3A_0 = arith.constant 0 : index
    %get3A_1 = vector.load %arg1[%get3A, %get3A_0] : memref<2000x256xf32, #tpu.memory_space<vmem>>, vector<2000x256xf32>
    %get3A_2 = arith.constant 0 : index
    %get3A_3 = arith.constant 0 : index
    %get3A_4 = vector.load %arg2[%get3A_2, %get3A_3] : memref<8x256xf32, #tpu.memory_space<vmem>>, vector<8x256xf32>
    %get3A_5 = arith.constant 0 : index
    %get3A_6 = arith.constant 0 : index
    %get3A_7 = vector.load %arg3[%get3A_5, %get3A_6] : memref<1x256xf32, #tpu.memory_space<vmem>>, vector<1x256xf32>
    %get3A_8 = arith.constant 0 : index
    %get3A_9 = arith.constant 0 : index
    %get3A_10 = vector.load %arg4[%get3A_8, %get3A_9] : memref<1x256xf32, #tpu.memory_space<vmem>>, vector<1x256xf32>
    %slice3A = vector.extract_strided_slice %get3A_4 {offsets = [0, 0], sizes = [1, 256], strides = [1, 1]} : vector<8x256xf32> to vector<1x256xf32>
    %div3A = arith.constant 1.000000e+04 : f32
    %div3A_11 = vector.broadcast %div3A : f32 to vector<1x256xf32>
    %div3A_12 = arith.divf %slice3A, %div3A_11 : vector<1x256xf32>
    %slice3A_13 = vector.extract_strided_slice %get3A_4 {offsets = [1, 0], sizes = [1, 256], strides = [1, 1]} : vector<8x256xf32> to vector<1x256xf32>
    %div3A_14 = arith.constant 1.000000e+04 : f32
    %div3A_15 = vector.broadcast %div3A_14 : f32 to vector<1x256xf32>
    %div3A_16 = arith.divf %slice3A_13, %div3A_15 : vector<1x256xf32>
    %mul3A = arith.mulf %div3A_12, %div3A_12 : vector<1x256xf32>
    %sub3A = arith.subf %div3A_16, %mul3A : vector<1x256xf32>
    %sub3A_17 = vector.broadcast %div3A_12 : vector<1x256xf32> to vector<2000x256xf32>
    %sub3A_18 = arith.subf %get3A_1, %sub3A_17 : vector<2000x256xf32>
    %add3A = arith.constant 9.99999974E-6 : f32
    %add3A_19 = vector.broadcast %add3A : f32 to vector<1x256xf32>
    %add3A_20 = arith.addf %sub3A, %add3A_19 : vector<1x256xf32>
    %rsqrt3A = math.rsqrt %add3A_20 : vector<1x256xf32>
    %mul3A_21 = vector.broadcast %rsqrt3A : vector<1x256xf32> to vector<2000x256xf32>
    %mul3A_22 = arith.mulf %sub3A_18, %mul3A_21 : vector<2000x256xf32>
    %mul3A_23 = vector.broadcast %get3A_7 : vector<1x256xf32> to vector<2000x256xf32>
    %mul3A_24 = arith.mulf %mul3A_22, %mul3A_23 : vector<2000x256xf32>
    %add3A_25 = vector.broadcast %get3A_10 : vector<1x256xf32> to vector<2000x256xf32>
    %add3A_26 = arith.addf %mul3A_24, %add3A_25 : vector<2000x256xf32>
    %max3A = arith.constant 0.000000e+00 : f32
    %max3A_27 = vector.broadcast %max3A : f32 to vector<2000x256xf32>
    %max3A_28 = arith.maximumf %add3A_26, %max3A_27 : vector<2000x256xf32>
    %get3A_29 = arith.constant 0 : index
    %get3A_30 = arith.constant 0 : index
    %get3A_31 = vector.load %arg5[%get3A_29, %get3A_30] : memref<256x64xf32, #tpu.memory_space<vmem>>, vector<256x64xf32>
    %dot_general3A = arith.constant dense<0.000000e+00> : vector<2000x64xf32>
    %dot_general3A_32 = tpu.matmul %max3A_28, %get3A_31, %dot_general3A {dimension_numbers = #tpu.dot_dimension_numbers<[1], [0], [0], [1], [0, 0, 1, 1], [], []>, precision = #tpu.contract_precision<fp32>, transpose_lhs_hint = false} : vector<2000x256xf32>, vector<256x64xf32>, vector<2000x64xf32> -> vector<2000x64xf32>
    %get3A_33 = arith.constant 0 : index
    %get3A_34 = arith.constant 0 : index
    %get3A_35 = vector.load %arg6[%get3A_33, %get3A_34] : memref<1x64xf32, #tpu.memory_space<vmem>>, vector<1x64xf32>
    %add3A_36 = vector.broadcast %get3A_35 : vector<1x64xf32> to vector<2000x64xf32>
    %add3A_37 = arith.addf %dot_general3A_32, %add3A_36 : vector<2000x64xf32>
    %swap3A = arith.constant 0 : index
    %swap3A_38 = arith.constant 0 : index
    %swap3A_39 = vector.load %arg7[%swap3A, %swap3A_38] : memref<2000x64xf32, #tpu.memory_space<vmem>>, vector<2000x64xf32>
    tpu.vector_store %arg7[%swap3A, %swap3A_38], %add3A_37 {strides = array<i32>} : memref<2000x64xf32, #tpu.memory_space<vmem>>, vector<2000x64xf32>,
    return
  }
  func.func @transform_0(%arg0: i32) -> (i32, i32) {
    %c0_i32 = arith.constant 0 : i32
    %c0_i32_0 = arith.constant 0 : i32
    return %arg0, %c0_i32 : i32, i32
  }
  func.func @transform_1(%arg0: i32) -> (i32, i32) {
    %c0_i32 = arith.constant 0 : i32
    %c0_i32_0 = arith.constant 0 : i32
    %c0_i32_1 = arith.constant 0 : i32
    return %c0_i32, %c0_i32_0 : i32, i32
  }
  func.func @transform_2(%arg0: i32) -> (i32, i32) {
    %c0_i32 = arith.constant 0 : i32
    %c0_i32_0 = arith.constant 0 : i32
    %c0_i32_1 = arith.constant 0 : i32
    return %c0_i32, %c0_i32_0 : i32, i32
  }
  func.func @transform_3(%arg0: i32) -> (i32, i32) {
    %c0_i32 = arith.constant 0 : i32
    %c0_i32_0 = arith.constant 0 : i32
    %c0_i32_1 = arith.constant 0 : i32
    return %c0_i32, %c0_i32_0 : i32, i32
  }
  func.func @transform_4(%arg0: i32) -> (i32, i32) {
    %c0_i32 = arith.constant 0 : i32
    %c0_i32_0 = arith.constant 0 : i32
    %c0_i32_1 = arith.constant 0 : i32
    return %c0_i32, %c0_i32_0 : i32, i32
  }
  func.func @transform_5(%arg0: i32) -> (i32, i32) {
    %c0_i32 = arith.constant 0 : i32
    %c0_i32_0 = arith.constant 0 : i32
    %c0_i32_1 = arith.constant 0 : i32
    return %c0_i32, %c0_i32_0 : i32, i32
  }
  func.func @transform_6(%arg0: i32) -> (i32, i32) {
    %c0_i32 = arith.constant 0 : i32
    %c0_i32_0 = arith.constant 0 : i32
    return %arg0, %c0_i32 : i32, i32
  }
}

module attributes {stable_mosaic.version = 14 : i64} {
  func.func @_comb_s_last_body(%arg0: memref<2176x128xf32, #tpu.memory_space<vmem>>, %arg1: memref<2176x128xf32, #tpu.memory_space<vmem>>, %arg2: memref<2048x256xf32, #tpu.memory_space<vmem>>, %arg3: memref<2048x1xf32, #tpu.memory_space<vmem>>, %arg4: memref<256x256xf32, #tpu.memory_space<vmem>>, %arg5: memref<256x256xf32, #tpu.memory_space<vmem>>, %arg6: memref<1x256xf32, #tpu.memory_space<vmem>>, %arg7: memref<1x256xf32, #tpu.memory_space<vmem>>, %arg8: memref<1x256xf32, #tpu.memory_space<vmem>>, %arg9: memref<256x64xf32, #tpu.memory_space<vmem>>, %arg10: memref<1x64xf32, #tpu.memory_space<vmem>>, %arg11: memref<2048x64xf32, #tpu.memory_space<vmem>>) attributes {dimension_semantics = [], scalar_prefetch = 0 : i64, scratch_operands = 0 : i64, tpu.core_type = #tpu.core_type<tc>} {
    %get3A = arith.constant 0 : index
    %get3A_0 = arith.constant 0 : index
    %get3A_1 = vector.load %arg0[%get3A, %get3A_0] : memref<2176x128xf32, #tpu.memory_space<vmem>>, vector<2048x128xf32>
    %get3A_2 = arith.constant 0 : index
    %get3A_3 = arith.constant 0 : index
    %get3A_4 = vector.load %arg1[%get3A_2, %get3A_3] : memref<2176x128xf32, #tpu.memory_space<vmem>>, vector<2048x128xf32>
    %concatenate3A = tpu.concatenate %get3A_1, %get3A_4 in 1 : vector<2048x128xf32>, vector<2048x128xf32> -> vector<2048x256xf32>
    %get3A_5 = arith.constant 0 : index
    %get3A_6 = arith.constant 0 : index
    %get3A_7 = vector.load %arg3[%get3A_5, %get3A_6] : memref<2048x1xf32, #tpu.memory_space<vmem>>, vector<2048x1xf32>
    %mul3A = vector.broadcast %get3A_7 : vector<2048x1xf32> to vector<2048x256xf32>
    %mul3A_8 = arith.mulf %concatenate3A, %mul3A : vector<2048x256xf32>
    %get3A_9 = arith.constant 0 : index
    %get3A_10 = arith.constant 0 : index
    %get3A_11 = vector.load %arg4[%get3A_9, %get3A_10] : memref<256x256xf32, #tpu.memory_space<vmem>>, vector<256x256xf32>
    %dot_general3A = arith.constant dense<0.000000e+00> : vector<2048x256xf32>
    %dot_general3A_12 = tpu.matmul %mul3A_8, %get3A_11, %dot_general3A {dimension_numbers = #tpu.dot_dimension_numbers<[1], [0], [0], [1], [0, 0, 1, 1], [], []>, precision = #tpu.contract_precision<fp32>, transpose_lhs_hint = false} : vector<2048x256xf32>, vector<256x256xf32>, vector<2048x256xf32> -> vector<2048x256xf32>
    %get3A_13 = arith.constant 0 : index
    %get3A_14 = arith.constant 0 : index
    %get3A_15 = vector.load %arg2[%get3A_13, %get3A_14] : memref<2048x256xf32, #tpu.memory_space<vmem>>, vector<2048x256xf32>
    %get3A_16 = arith.constant 0 : index
    %get3A_17 = arith.constant 0 : index
    %get3A_18 = vector.load %arg5[%get3A_16, %get3A_17] : memref<256x256xf32, #tpu.memory_space<vmem>>, vector<256x256xf32>
    %dot_general3A_19 = arith.constant dense<0.000000e+00> : vector<2048x256xf32>
    %dot_general3A_20 = tpu.matmul %get3A_15, %get3A_18, %dot_general3A_19 {dimension_numbers = #tpu.dot_dimension_numbers<[1], [0], [0], [1], [0, 0, 1, 1], [], []>, precision = #tpu.contract_precision<fp32>, transpose_lhs_hint = false} : vector<2048x256xf32>, vector<256x256xf32>, vector<2048x256xf32> -> vector<2048x256xf32>
    %add3A = arith.addf %dot_general3A_12, %dot_general3A_20 : vector<2048x256xf32>
    %get3A_21 = arith.constant 0 : index
    %get3A_22 = arith.constant 0 : index
    %get3A_23 = vector.load %arg6[%get3A_21, %get3A_22] : memref<1x256xf32, #tpu.memory_space<vmem>>, vector<1x256xf32>
    %add3A_24 = vector.broadcast %get3A_23 : vector<1x256xf32> to vector<2048x256xf32>
    %add3A_25 = arith.addf %add3A, %add3A_24 : vector<2048x256xf32>
    %reduce_sum3A = arith.constant dense<0.000000e+00> : vector<256xf32>
    %reduce_sum3A_26 = vector.multi_reduction <add>, %add3A_25, %reduce_sum3A [0] : vector<2048x256xf32> to vector<256xf32>
    %broadcast_in_dim3A = vector.shape_cast %reduce_sum3A_26 : vector<256xf32> to vector<1x256xf32>
    %div3A = arith.constant 2.048000e+03 : f32
    %div3A_27 = vector.broadcast %div3A : f32 to vector<1x256xf32>
    %div3A_28 = arith.divf %broadcast_in_dim3A, %div3A_27 : vector<1x256xf32>
    %sub3A = vector.broadcast %div3A_28 : vector<1x256xf32> to vector<2048x256xf32>
    %sub3A_29 = arith.subf %add3A_25, %sub3A : vector<2048x256xf32>
    %sub3A_30 = vector.broadcast %div3A_28 : vector<1x256xf32> to vector<2048x256xf32>
    %sub3A_31 = arith.subf %add3A_25, %sub3A_30 : vector<2048x256xf32>
    %mul3A_32 = arith.mulf %sub3A_29, %sub3A_31 : vector<2048x256xf32>
    %reduce_sum3A_33 = arith.constant dense<0.000000e+00> : vector<256xf32>
    %reduce_sum3A_34 = vector.multi_reduction <add>, %mul3A_32, %reduce_sum3A_33 [0] : vector<2048x256xf32> to vector<256xf32>
    %broadcast_in_dim3A_35 = vector.shape_cast %reduce_sum3A_34 : vector<256xf32> to vector<1x256xf32>
    %div3A_36 = arith.constant 2.048000e+03 : f32
    %div3A_37 = vector.broadcast %div3A_36 : f32 to vector<1x256xf32>
    %div3A_38 = arith.divf %broadcast_in_dim3A_35, %div3A_37 : vector<1x256xf32>
    %sub3A_39 = vector.broadcast %div3A_28 : vector<1x256xf32> to vector<2048x256xf32>
    %sub3A_40 = arith.subf %add3A_25, %sub3A_39 : vector<2048x256xf32>
    %add3A_41 = arith.constant 9.99999974E-6 : f32
    %add3A_42 = vector.broadcast %add3A_41 : f32 to vector<1x256xf32>
    %add3A_43 = arith.addf %div3A_38, %add3A_42 : vector<1x256xf32>
    %rsqrt3A = math.rsqrt %add3A_43 : vector<1x256xf32>
    %mul3A_44 = vector.broadcast %rsqrt3A : vector<1x256xf32> to vector<2048x256xf32>
    %mul3A_45 = arith.mulf %sub3A_40, %mul3A_44 : vector<2048x256xf32>
    %get3A_46 = arith.constant 0 : index
    %get3A_47 = arith.constant 0 : index
    %get3A_48 = vector.load %arg7[%get3A_46, %get3A_47] : memref<1x256xf32, #tpu.memory_space<vmem>>, vector<1x256xf32>
    %mul3A_49 = vector.broadcast %get3A_48 : vector<1x256xf32> to vector<2048x256xf32>
    %mul3A_50 = arith.mulf %mul3A_45, %mul3A_49 : vector<2048x256xf32>
    %get3A_51 = arith.constant 0 : index
    %get3A_52 = arith.constant 0 : index
    %get3A_53 = vector.load %arg8[%get3A_51, %get3A_52] : memref<1x256xf32, #tpu.memory_space<vmem>>, vector<1x256xf32>
    %add3A_54 = vector.broadcast %get3A_53 : vector<1x256xf32> to vector<2048x256xf32>
    %add3A_55 = arith.addf %mul3A_50, %add3A_54 : vector<2048x256xf32>
    %max3A = arith.constant 0.000000e+00 : f32
    %max3A_56 = vector.broadcast %max3A : f32 to vector<2048x256xf32>
    %max3A_57 = arith.maximumf %add3A_55, %max3A_56 : vector<2048x256xf32>
    %get3A_58 = arith.constant 0 : index
    %get3A_59 = arith.constant 0 : index
    %get3A_60 = vector.load %arg9[%get3A_58, %get3A_59] : memref<256x64xf32, #tpu.memory_space<vmem>>, vector<256x64xf32>
    %dot_general3A_61 = arith.constant dense<0.000000e+00> : vector<2048x64xf32>
    %dot_general3A_62 = tpu.matmul %max3A_57, %get3A_60, %dot_general3A_61 {dimension_numbers = #tpu.dot_dimension_numbers<[1], [0], [0], [1], [0, 0, 1, 1], [], []>, precision = #tpu.contract_precision<fp32>, transpose_lhs_hint = false} : vector<2048x256xf32>, vector<256x64xf32>, vector<2048x64xf32> -> vector<2048x64xf32>
    %get3A_63 = arith.constant 0 : index
    %get3A_64 = arith.constant 0 : index
    %get3A_65 = vector.load %arg10[%get3A_63, %get3A_64] : memref<1x64xf32, #tpu.memory_space<vmem>>, vector<1x64xf32>
    %add3A_66 = vector.broadcast %get3A_65 : vector<1x64xf32> to vector<2048x64xf32>
    %add3A_67 = arith.addf %dot_general3A_62, %add3A_66 : vector<2048x64xf32>
    %swap3A = arith.constant 0 : index
    %swap3A_68 = arith.constant 0 : index
    %swap3A_69 = vector.load %arg11[%swap3A, %swap3A_68] : memref<2048x64xf32, #tpu.memory_space<vmem>>, vector<2048x64xf32>
    tpu.vector_store %arg11[%swap3A, %swap3A_68], %add3A_67 {strides = array<i32>} : memref<2048x64xf32, #tpu.memory_space<vmem>>, vector<2048x64xf32>,
    return
  }
}

</mosaic_0001>

<sc_bundles>
// kernel: kernel.13.cloned.1.call-start
scs
__scs_entry_jumppad:
0x0: {  	(pc) =	sbr.rel $0x88, $3  }
0x1: {  	(tag) =	ssettag $0x0;
	lr =	simm.s32 $0x1  }
0x2: {  	[smem:$0x3F8E] =	sst lr;
	_ =	strace $0xD0000000  }
0x3: {  	_ = 	snop  }
0x4: {  	_ = 	snop  }
0x5: {  	_ = 	snop  }
0x6: {  	_ = 	snop  }
0x7: {  	_ = 	snop  }
__scs_overlays_trampoline_lowered:
0x8: {  	[smem:$0x3F9D] =	sst s0  }
0x9: {  	[smem:$0x3F9E] =	sst s1  }
0xa: {  	[smem:$0x3F9F] =	sst s2  }
0xb: {  	[smem:$0x3FA0] =	sst s3  }
0xc: {  	[smem:$0x3FA1] =	sst s4  }
0xd: {  	[smem:$0x3FA2] =	sst s5  }
0xe: {  	[smem:$0x3FA3] =	sst s6  }
0xf: {  	[smem:$0x3FA4] =	sst s7  }
0x10: {  	[smem:$0x3FA5] =	sst s8  }
0x11: {  	[smem:$0x3FA6] =	sst s9;
	s0 =	simm.s32 @!p0 $0x0  }
0x12: {  	s1 =	sld [smem:$0x3F8C];
	s0 =	simm.s32 @p0 $0x1  }
0x13: {  	[smem:$0x3FA7] =	sst s0;
	s0 =	simm.s32 @!p1 $0x0  }
0x14: {  	s2 =	sld [smem:$0x3F8B];
	s0 =	simm.s32 @p1 $0x1  }
0x15: {  	[smem:$0x3FA8] =	sst s0;
	s0 =	simm.s32 @!p2 $0x0  }
0x16: {  	s3 =	sld [smem:$0x3FDB];
	s0 =	simm.s32 @p2 $0x1  }
0x17: {  	s4 =	simm.s32 $0x1BF5;
	[smem:$0x3FAA] =	sst s0  }
0x18: {  	s0 =	sld [smem:$0x3F8D];
	_ =	swait.ge [sflag:s4], $0x0  }
0x19: {  	s7 =	sld [smem:$0x3F8E]  }
0x1a: {  	s8 =	sadd.s32 $0xFFFFE003, lr  }
0x1b: {  	s9 =	sadd.s32 $0xFFFFFEF7, lr;
	s5 =	simm.s32 $0xFFFFFFFF;
	p2 =	slt.u32 s8, $0xFFFFF086  }
0x1c: {  	p1 =	slt.u32 s9, $0xF7A;
	s5 =	simm.s32 @!p2 $0x0  }
0x1d: {  	s5 =	simm.s32 @p1 $0x1;
	p0 =	seq.s32 s7, s2  }
0x1e: {  	s7 =	smul.u32 @!p0 $0xF7A, s2;
	p2 =	seq.s32 @!p0 s5, $0x0  }
0x1f: {  	s9 =	smul.u32 $0xF7A, s1;
	s8 =	simm.s32 @!p0 $0x1BF5;
	p2 =	por !p2, p0  }
0x20: {  	[sflag:s8] =	ssyncset.s32 @!p0 $0xFFFFF086;
	s6 =	sadd.s32 @!p0 s3, s7;
	s7 =	simm.s32 @!p0 $0x108  }
0x21: {  	s3 =	sadd.s32 s3, s9;
	s6 =	sadd.s32 @!p0 $0x88, s6;
	s7 =	simm.s32 @p2 $0x1082  }
0x22: {  	[simem:s7], [sflag:s8] =	dma.local @!p0 [hbm:s6], $0xF7A  }
0x23: {  	s9 =	sor.u32 $0xD0000000, s2;
	s6 =	simm.s32 $0x108;
	_ =	swait.ge @!p0 [sflag:s8], $0x0  }
0x24: {  	s3 =	sadd.s32 $0x88, s3;
	s6 =	simm.s32 @!p1 $0x1082;
	[sflag:s4] =	ssyncset.s32 $0xFFFFF086  }
0x25: {  	[simem:s6], [sflag:s4] =	dma.local [hbm:s3], $0xF7A  }
0x26: {  	[smem:$0x3F8E] =	sst s1;
	(tag) =	ssettag s2;
	_ =	strace s9  }
0x27: {  	s1 =	sld [smem:$0x3F9E]  }
0x28: {  	s2 =	sld [smem:$0x3F9F]  }
0x29: {  	s4 =	sld [smem:$0x3FA1]  }
0x2a: {  	p0 =	seq.s32 s5, $0x0;
	s5 =	sld [smem:$0x3FA2]  }
0x2b: {  	s6 =	sld [smem:$0x3FA3]  }
0x2c: {  	s7 =	sld [smem:$0x3FA4]  }
0x2d: {  	s3 =	simm.s32 $0x108;
	s8 =	sld [smem:$0x3FA5]  }
0x2e: {  	s3 =	simm.s32 @!p0 $0x1082;
	s9 =	sld [smem:$0x3FA6]  }
0x2f: {  	lr =	sadd.s32 s0, s3;
	s0 =	sld [smem:$0x3F9D]  }
0x30: {  	s3 =	sld [smem:$0x3FA0]  }
0x31: {  	[smem:$0x3FA9] =	sst s10  }
0x32: {  	s10 =	sld [smem:$0x3FA7];
	_ =	sdelay $0x3  }
0x33: {  	p0 =	seq.s32 s10, $0x1;
	s10 =	sld [smem:$0x3FA9];
	_ =	sdelay $0x3  }
0x34: {  	[smem:$0x3FA9] =	sst s10  }
0x35: {  	s10 =	sld [smem:$0x3FA8];
	_ =	sdelay $0x3  }
0x36: {  	p1 =	seq.s32 s10, $0x1;
	s10 =	sld [smem:$0x3FA9];
	_ =	sdelay $0x3  }
0x37: {  	[smem:$0x3FA9] =	sst s10  }
0x38: {  	s10 =	sld [smem:$0x3FAA]  }
0x39: {  	_ = 	snop;
	(pc) =	sbr.ind lr, $3  }
0x3a: {  	_ = 	snop  }
0x3b: {  	_ = 	snop  }
0x3c: {  	p2 =	seq.s32 s10, $0x1;
	s10 =	sld [smem:$0x3FA9]  }
0x3d: {  	_ =	shalt  }
0x3e: {  	_ =	shalt  }
0x3f: {  	_ =	shalt  }
0x40: {  	_ =	shalt  }
0x41: {  	_ =	shalt  }
0x42: {  	_ =	shalt  }
0x43: {  	_ =	shalt  }
0x44: {  	_ =	shalt  }
0x45: {  	_ =	shalt  }
0x46: {  	_ =	shalt  }
0x47: {  	_ =	shalt  }
0x48: {  	_ =	shalt  }
0x49: {  	_ =	shalt  }
0x4a: {  	_ =	shalt  }
0x4b: {  	_ =	shalt  }
0x4c: {  	_ =	shalt  }
0x4d: {  	_ =	shalt  }
0x4e: {  	_ =	shalt  }
0x4f: {  	_ =	shalt  }
0x50: {  	_ =	shalt  }
0x51: {  	_ =	shalt  }
0x52: {  	_ =	shalt  }
0x53: {  	_ =	shalt  }
0x54: {  	_ =	shalt  }
0x55: {  	_ =	shalt  }
0x56: {  	_ =	shalt  }
0x57: {  	_ =	shalt  }
0x58: {  	_ =	shalt  }
0x59: {  	_ =	shalt  }
0x5a: {  	_ =	shalt  }
0x5b: {  	_ =	shalt  }
0x5c: {  	_ =	shalt  }
0x5d: {  	_ =	shalt  }
0x5e: {  	_ =	shalt  }
0x5f: {  	_ =	shalt  }
0x60: {  	_ =	shalt  }
0x61: {  	_ =	shalt  }
0x62: {  	_ =	shalt  }
0x63: {  	_ =	shalt  }
0x64: {  	_ =	shalt  }
0x65: {  	_ =	shalt  }
0x66: {  	_ =	shalt  }
0x67: {  	_ =	shalt  }
0x68: {  	_ =	shalt  }
0x69: {  	_ =	shalt  }
0x6a: {  	_ =	shalt  }
0x6b: {  	_ =	shalt  }
0x6c: {  	_ =	shalt  }
0x6d: {  	_ =	shalt  }
0x6e: {  	_ =	shalt  }
0x6f: {  	_ =	shalt  }
0x70: {  	_ =	shalt  }
0x71: {  	_ =	shalt  }
0x72: {  	_ =	shalt  }
0x73: {  	_ =	shalt  }
0x74: {  	_ =	shalt  }
0x75: {  	_ =	shalt  }
0x76: {  	_ =	shalt  }
0x77: {  	_ =	shalt  }
0x78: {  	_ =	shalt  }
0x79: {  	_ =	shalt  }
0x7a: {  	_ =	shalt  }
0x7b: {  	_ =	shalt  }
0x7c: {  	_ =	shalt  }
0x7d: {  	_ =	shalt  }
0x7e: {  	_ =	shalt  }
0x7f: {  	_ =	shalt  }
0x80: {  	_ =	shalt  }
0x81: {  	_ =	shalt  }
0x82: {  	_ =	shalt  }
0x83: {  	_ =	shalt  }
0x84: {  	_ =	shalt  }
0x85: {  	_ =	shalt  }
0x86: {  	_ =	shalt  }
0x87: {  	_ =	shalt  }
.Lfunc_end0:
.L_simem_size_0:
called_computation_lowered:
.L_overlay_start_0:
0x88: {  	s2 =	sld [smem:$0x3FD9]  }
0x89: {  	s3 =	sld [smem:$0x3FFE];
	_ =	sdelay $0x1  }
0x8a: {  	s1 =	srdreg.scid  }
0x8b: {  	s0 =	sand.u32 $0x1, s1  }
0x8c: {  	s14 =	sshll.u32 s0, $0xA;
	s2 =	sadd.s32 s3, s2  }
0x8d: {  	s2 =	sadd.s32 s2, s14  }
0x8e: {  	[smem:$0x3FB5] =	sst s2  }
0x8f: {  	_ = 	snop  }
0x90: {  	s2 =	sld [smem:$0x3FD0];
	_ =	sdelay $0x2  }
0x91: {  	s15 =	simm.s32 $0xA;
	s4 =	simm.s32 $0x10  }
0x92: {  	[smem:s4], [sflag:s15] =	dma.local [hbm:s2], $0x1  }
0x93: {  	_ =	swait.eq [sflag:s15], $0x1  }
0x94: {  	[sflag:s15] =	ssyncset.done $0x0  }
0x95: {  	s16 =	sld [smem:$0x10];
	[sflag:s15] =	ssyncadd.s32 $0xFFFFFFFF  }
0x96: {  	s17 =	sld [smem:$0x11];
	(tm) =	ssettm $0x1  }
0x97: {  	s18 =	sld [smem:$0x3FFB];
	_ =	sdelay $0x3  }
0x98: {  	_ =	strace s18  }
0x99: {  	s4 =	sld [smem:$0x3FFC];
	_ =	sdelay $0x3  }
0x9a: {  	_ =	strace s4  }
0x9b: {  	s4 =	sld [smem:$0x3FFD];
	_ =	sdelay $0x3  }
0x9c: {  	_ =	strace s4  }
0x9d: {  	_ =	strace $0x8FFFFFFF  }
0x9e: {  	s19 =	sld [smem:$0x3FDB];
	_ =	sdelay $0x1  }
0x9f: {  	s5 =	simm.s32 $_scs_section_size  }
0xa0: {  	s6 =	simm.s32 $_size__tile_overlayer_lowered;
	s7 =	simm.s32 $_tile_overlayer_lowered  }
0xa1: {  	s22 =	simm.s32 $0x1BFF;
	s21 =	sshll.u32 s7, $0x1;
	s4 =	sadd.s32 s5, s19  }
0xa2: {  	s8 =	simm.s32 $0x0;
	s20 =	sshll.u32 s6, $0x1;
	s6 =	sadd.s32 s21, s4  }
0xa3: {  	[timem:s8], [sflag:s22] =	dma.local [hbm:s6], s20  }
0xa4: {  	_ =	swait.ge [sflag:s22], s20  }
0xa5: {  	s5 =	ssub.s32 $0x0, s20;
	[sflag:s22] =	ssyncset.done $0x0  }
0xa6: {  	[sflag:s22] =	ssyncadd.s32 s5;
	_ =	sdelay $0x1  }
0xa7: {  	s23 =	simm.s32 $0x1B8B  }
0xa8: {  	_ =	swait.ge [sflag:s23], $0x1  }
0xa9: {  	[sflag:s23] =	ssyncset.done $0x0  }
0xaa: {  	s25 =	simm.s32 $0x1B8E;
	s24 =	sld [smem:$0x3FFE];
	[sflag:s23] =	ssyncadd.s32 $0xFFFFFFFF  }
0xab: {  	s26 =	simm.s32 $execute0_lowered;
	[smem:$0x3FD2] =	sst s25  }
0xac: {  	s6 =	sshll.u32 s26, $0x1;
	_ =	strace $0x80000046;
	[dreg:$0x1] =	wrdreg $0xFFFFFFFF  }
0xad: {  	s28 =	simm.s32 $_size_execute0_lowered;
	s4 =	sadd.s32 s4, s6;
	[dreg:$0x0] =	wrdreg $0x0  }
0xae: {  	s6 =	sshll.u32 s28, $0x1;
	[dreg:$0x2] =	wrdreg s4  }
0xaf: {  	[dreg:$0x3] =	wrdreg s6  }
0xb0: {  	[dreg:$0x4] =	wrdreg $0xC0  }
0xb1: {  	_ =	task [dreg:s8], $0x5FFFF  }
0xb2: {  	[dreg:$0x1] =	wrdreg $0xFFFFFFFF  }
0xb3: {  	[dreg:$0x0] =	wrdreg $0x60  }
0xb4: {  	[dreg:$0x2] =	wrdreg s24  }
0xb5: {  	[dreg:$0x3] =	wrdreg s16  }
0xb6: {  	[dreg:$0x4] =	wrdreg s17  }
0xb7: {  	[dreg:$0x5] =	wrdreg $0x40800  }
0xb8: {  	[dreg:$0x6] =	wrdreg $0x9  }
0xb9: {  	_ =	task.clear_ibuf [dreg:s8], $0x7FFFF;
	_ =	strace $0x90000046  }
0xba: {  	s29 =	simm.s32 $0x9;
	_ =	strace $0x80000048  }
0xbb: {  	_ =	swait.ge [sflag:s29], $0x1  }
0xbc: {  	[sflag:s29] =	ssyncadd.s32 $0xFFFFFFFF  }
0xbd: {  	_ =	strace $0x90000048  }
0xbe: {  	_ =	sfence  }
0xbf: {  	s30 =	sld [smem:$0x0];
	_ =	sdelay $0x2  }
0xc0: {  	s31 =	sshll.u32 s1, $0xD;
	s1 =	sshrl.u32 s1, $0x2  }
0xc1: {  	s3 =	sand.u32 $0x4000, s31;
	s1 =	sadd.s32 s1, s30  }
0xc2: {  	s0 =	sor.u32 s3, s0;
	s1 =	sshll.u32 s1, $0x11  }
0xc3: {  	s0 =	sor.u32 s1, s0  }
0xc4: {  	s0 =	sadd.s32 $0x8F2B, s0  }
0xc5: {  	[sflag:s0] =	ssyncadd.remote.s32 $0x1  }
0xc6: {  	_ =	sfence.sel $0xFFFF  }
0xc7: {  	[dreg:$0x0] =	wrdreg $0xFFFFFFFF;
	(pc) =	sbr.abs _section_cstart, $3  }
0xc8: {  	[dreg:$0x1] =	wrdreg $0xFFFFFFFF  }
0xc9: {  	_ =	task.clear_ibuf [dreg:s8], $0x2FFFF;
	_ =	strace $0x9FFFFFFF  }
0xca: {  	(tm) =	ssettm $0x7FFFFFFF  }
0xcb: {  	_ =	shalt  }
tec
execute0_lowered:
.L_overlay_start_1:
0x0: {  	(tag) =	ssettag $0x1  }
0x1: {  	s6 =	rddreg [dreg:$0x0]  }
0x2: {  	s1 =	rddreg [dreg:$0x1];
	s2 =	stileid.u32  }
0x3: {  	s7 =	rddreg [dreg:$0x2];
	s5 =	smul.u32 $0x620, s2  }
0x4: {  	s3 =	rddreg [dreg:$0x3];
	s8 =	smul.u32 $0x4F0, s2  }
0x5: {  	s0 =	rddreg [dreg:$0x4];
	s10 =	smul.u32 $0x2780, s2  }
0x6: {  	s4 =	simm.s32 $0x0;
	s24 =	srdreg.scid;
	s12 =	smul.u32 $0x11000, s2  }
0x7: {  	[smem:$0x7FF] =	sst s4;
	s25 =	sand.u32 $0x1, s24;
	s14 =	smul.u32 $0x880, s2  }
0x8: {  	s15 =	smul.u32 $0x4F000, s2;
	s31 =	sshll.u32 s2, $0x6;
	_ =	strace $0x80000047  }
0x9: {  	s13 =	ssub.s32 $0x2, s25;
	p0 =	seq.s32 s25, $0x1;
	s9 =	sadd.s32 s5, s6  }
0xa: {  	s11 =	sadd.s32 s8, s6;
	s5 =	sadd.s32 $0x14200, s6;
	s10 =	sadd.s32 s10, s6  }
0xb: {  	s26 =	sshrl.u32 s13, $0x1;
	s28 =	sshrl.u32 s12, $0x2;
	s6 =	sadd.s32 s7, s14  }
.Ltmp0:
0xc: {  	s29 =	sshrl.u32 s15, $0x2;
	s12 =	simm.s32 $0x1;
	(pc) =	sbr.rel .LBB2_1-.Ltmp0, $4  }
0xd: {  	s13 =	ssub.s32 s13, s26;
	s16 =	sadd.s32 s28, s3;
	s30 =	sadd.s32 s29, s3  }
0xe: {  	s7 =	sadd.s32 $0x14A00, s10;
	s9 =	sadd.s32 $0xE000, s9;
	s10 =	sadd.s32 $0x9000, s11  }
0xf: {  	s11 =	simm.s32 $0x80;
	s8 =	smax.u32 s13, $0x1;
	s13 =	sor.u32 $0x1C01, s31  }
0x10: {  	s14 =	sshrl.u32 s30, $0x3;
	s15 =	sshrl.u32 s16, $0x3;
	s16 =	simm.s32 $0x0  }
.LBB2_7:
0x11: {  	s17 =	sadd.s32 s17, s10;
	[sflag:s12] =	ssyncadd.s32 $0xFFFFC000  }
0x12: {  	[tilespmem:s4], [sflag:$0x1] =	stream.linear.gather [hbm4b:s17+s4], $0x80, $0x38;
	[tilespmem:$0x17C80] =	vst v63  }
0x13: {  	_ =	swait.ge [sflag:s12], $0x80  }
0x14: {  	[sflag:s12] =	ssyncset.done $0x0  }
0x15: {  	[sflag:s12] =	ssyncadd.s32 $0xFFFFFF80  }
0x16: {  	[spmem:s3] =	stream.indirect.scatter.add.f32 [tilespmem:s11], [sflag:$0x1], $0x80, s4, s11, $0xb8;
	[tilespmem:$0x17C80] =	vst v63  }
0x17: {  	_ =	swait.ge [sflag:s12], $0x4000  }
0x18: {  	[sflag:s12] =	ssyncset.done $0x0  }
0x19: {  	[sflag:s12] =	ssyncadd.s32 $0xFFFFC000  }
0x1a: {  	[bflag:$0x0] =	sbarrier.arrive $0xFFFF  }
0x1b: {  	[hbm:s7], [sflag:s13] =	dma.local [spmem:s14], $0x2780  }
0x1c: {  	_ =	swait.ge [sflag:s12], $0x2780  }
0x1d: {  	[sflag:s12] =	ssyncset.done $0x0  }
0x1e: {  	[sflag:s12] =	ssyncadd.s32 $0xFFFFD880  }
.LBB2_8:
0x1f: {  	s16 =	sadd.s32 $0x1, s16  }
0x20: {  	p1 =	sne.s32 s16, s8  }
.Ltmp1:
0x21: {  	_ = 	snop;
	(pc) =	sbr.rel @!p1 .LBB2_9-.Ltmp1, $1  }
0x22: {  	_ =	sdelay $0x3  }
.LBB2_1:
.Ltmp2:
0x23: {  	(pc) =	sbr.rel @!p0 .LBB2_2-.Ltmp2, $4  }
0x24: {  	[tilespmem:s11], [sflag:$0x1] =	stream.linear.gather [hbm4b:s5+s4], $0x4000, $0x38;
	[tilespmem:$0x17C80] =	vst v63  }
0x25: {  	_ =	swait.ge [sflag:s12], $0x4000  }
0x26: {  	[sflag:s12] =	ssyncset.done $0x0  }
0x27: {  	[sflag:s12] =	ssyncadd.s32 $0xFFFFC000  }
0x28: {  	[spmem:s14], [sflag:s13] =	dma.local [hbm:s1], $0x2780  }
0x29: {  	_ =	swait.ge [sflag:s12], $0x2780  }
0x2a: {  	[sflag:s12] =	ssyncset.done $0x0  }
0x2b: {  	[sflag:s12] =	ssyncadd.s32 $0xFFFFD880  }
0x2c: {  	s17 =	sadd.s32 $0x0, s10;
	[bflag:$0x0] =	sbarrier.arrive $0xFFFF  }
0x2d: {  	[tilespmem:s4], [sflag:$0x1] =	stream.linear.gather [hbm4b:s17+s4], $0x80, $0x38;
	[tilespmem:$0x17C80] =	vst v63  }
0x2e: {  	_ =	swait.ge [sflag:s12], $0x80  }
0x2f: {  	[sflag:s12] =	ssyncset.done $0x0  }
0x30: {  	[sflag:s12] =	ssyncadd.s32 $0xFFFFFF80  }
0x31: {  	[spmem:s3] =	stream.indirect.scatter.add.f32 [tilespmem:s11], [sflag:$0x1], $0x80, s4, s11, $0xb8;
	[tilespmem:$0x17C80] =	vst v63  }
0x32: {  	_ =	swait.ge [sflag:s12], $0x4000  }
0x33: {  	s18 =	simm.s32 $0x20;
	s17 =	simm.s32 $0x10;
	[sflag:s12] =	ssyncset.done $0x0  }
.LBB2_6:
0x34: {  	s19 =	sadd.s32 s17, s10  }
0x35: {  	[sflag:s12] =	ssyncadd.s32 $0xFFFFC000;
	s17 =	smov.u32 s18;
	s20 =	sadd.s32 $0x10, s18  }
0x36: {  	[tilespmem:s4], [sflag:$0x1] =	stream.linear.gather [hbm4b:s19+s4], $0x80, $0x38;
	[tilespmem:$0x17C80] =	vst v63  }
0x37: {  	p1 =	sne.s32 s18, $0x4E0;
	_ =	swait.ge [sflag:s12], $0x80  }
.Ltmp3:
0x38: {  	[sflag:s12] =	ssyncset.done $0x0;
	(pc) =	sbr.rel @p1 .LBB2_6-.Ltmp3, $4  }
0x39: {  	[sflag:s12] =	ssyncadd.s32 $0xFFFFFF80  }
0x3a: {  	[spmem:s3] =	stream.indirect.scatter.add.f32 [tilespmem:s11], [sflag:$0x1], $0x80, s4, s11, $0xb8;
	[tilespmem:$0x17C80] =	vst v63  }
0x3b: {  	_ =	swait.ge [sflag:s12], $0x4000  }
0x3c: {  	s18 =	smov.u32 s20;
	[sflag:s12] =	ssyncset.done $0x0  }
.Ltmp4:
0x3d: {  	_ = 	snop;
	(pc) =	sbr.rel .LBB2_7-.Ltmp4, $1  }
0x3e: {  	_ =	sdelay $0x3  }
.LBB2_2:
0x3f: {  	[spmem:s15], [sflag:s13] =	dma.local [hbm:s1], $0x880  }
0x40: {  	_ =	swait.ge [sflag:s12], $0x880  }
0x41: {  	[sflag:s12] =	ssyncset.done $0x0  }
0x42: {  	[sflag:s12] =	ssyncadd.s32 $0xFFFFF780  }
0x43: {  	s17 =	sadd.s32 $0x0, s9;
	[bflag:$0x0] =	sbarrier.arrive $0xFFFF  }
0x44: {  	[tilespmem:s4], [sflag:$0x1] =	stream.linear.gather [hbm4b:s17+s4], $0x80, $0x38;
	[tilespmem:$0x17C80] =	vst v63  }
0x45: {  	_ =	swait.ge [sflag:s12], $0x80  }
0x46: {  	[sflag:s12] =	ssyncset.done $0x0  }
0x47: {  	[sflag:s12] =	ssyncadd.s32 $0xFFFFFF80  }
0x48: {  	[spmem:s3] =	stream.indirect.scatter.add.f32 [tilespmem:s11], [sflag:$0x1], $0x80, s4, s11, $0xb8;
	[tilespmem:$0x17C80] =	vst v63  }
0x49: {  	_ =	swait.ge [sflag:s12], $0x4000  }
0x4a: {  	s18 =	simm.s32 $0x20;
	s17 =	simm.s32 $0x10;
	[sflag:s12] =	ssyncset.done $0x0  }
.LBB2_3:
0x4b: {  	s19 =	sadd.s32 s17, s9  }
0x4c: {  	[sflag:s12] =	ssyncadd.s32 $0xFFFFC000;
	s17 =	smov.u32 s18;
	s20 =	sadd.s32 $0x10, s18  }
0x4d: {  	[tilespmem:s4], [sflag:$0x1] =	stream.linear.gather [hbm4b:s19+s4], $0x80, $0x38;
	[tilespmem:$0x17C80] =	vst v63  }
0x4e: {  	p1 =	sne.s32 s18, $0x610;
	_ =	swait.ge [sflag:s12], $0x80  }
.Ltmp5:
0x4f: {  	[sflag:s12] =	ssyncset.done $0x0;
	(pc) =	sbr.rel @p1 .LBB2_3-.Ltmp5, $4  }
0x50: {  	[sflag:s12] =	ssyncadd.s32 $0xFFFFFF80  }
0x51: {  	[spmem:s3] =	stream.indirect.scatter.add.f32 [tilespmem:s11], [sflag:$0x1], $0x80, s4, s11, $0xb8;
	[tilespmem:$0x17C80] =	vst v63  }
0x52: {  	_ =	swait.ge [sflag:s12], $0x4000  }
0x53: {  	s18 =	smov.u32 s20;
	[sflag:s12] =	ssyncset.done $0x0  }
0x54: {  	s17 =	sadd.s32 s17, s9;
	[sflag:s12] =	ssyncadd.s32 $0xFFFFC000  }
0x55: {  	[tilespmem:s4], [sflag:$0x1] =	stream.linear.gather [hbm4b:s17+s4], $0x80, $0x38;
	[tilespmem:$0x17C80] =	vst v63  }
0x56: {  	_ =	swait.ge [sflag:s12], $0x80  }
0x57: {  	[sflag:s12] =	ssyncset.done $0x0  }
0x58: {  	[sflag:s12] =	ssyncadd.s32 $0xFFFFFF80  }
0x59: {  	[spmem:s3] =	stream.indirect.scatter.add.f32 [tilespmem:s11], [sflag:$0x1], $0x80, s4, s11, $0xb8;
	[tilespmem:$0x17C80] =	vst v63  }
0x5a: {  	_ =	swait.ge [sflag:s12], $0x4000  }
0x5b: {  	[sflag:s12] =	ssyncset.done $0x0  }
0x5c: {  	[sflag:s12] =	ssyncadd.s32 $0xFFFFC000  }
.Ltmp6:
0x5d: {  	[bflag:$0x0] =	sbarrier.arrive $0xFFFF;
	(pc) =	sbr.rel .LBB2_8-.Ltmp6, $4  }
0x5e: {  	[hbm:s6], [sflag:s13] =	dma.local [spmem:s15], $0x880  }
0x5f: {  	_ =	swait.ge [sflag:s12], $0x880  }
0x60: {  	[sflag:s12] =	ssyncset.done $0x0  }
0x61: {  	[sflag:s12] =	ssyncadd.s32 $0xFFFFF780  }
.LBB2_9:
0x62: {  	_ =	sfence.sel $0x180000  }
0x63: {  	[bflag:$0x0] =	sbarrier.arrive $0xFFFF  }
0x64: {  	p0 =	sne.s32 s2, $0x0;
	_ =	strace $0x90000047  }
0x65: {  	s0 =	sadd.s32 @!p0 $0x100000, s0;
	[bflag:$0x2] =	sbarrier.arrive $0xFFFF  }
0x66: {  	[sflag:s0] =	ssyncadd.tile.s32 @!p0 $0x1;
	_ =	shalt  }
.Lfunc_end2:
_tile_overlayer_lowered:
.L_overlay_start_2:
0x67: {  	(tag) =	ssettag $0x2  }
0x68: {  	s0 =	rddreg [dreg:$0x0];
	s2 =	stileid.u32  }
0x69: {  	s1 =	rddreg [dreg:$0x1];
	p0 =	sne.s32 s2, $0x0  }
0x6a: {  	s3 =	rddreg [dreg:$0x2];
	[bflag:$0x3] =	sbarrier.arrive $0xFFFF;
	s2 =	simm.s32 @!p0 $0x1C01  }
0x6b: {  	[timem:s3], [sflag:s2] =	dma.local @!p0 [hbm:s0], s1  }
0x6c: {  	s0 =	simm.s32 @!p0 $0x1  }
0x6d: {  	_ =	swait.ge @!p0 [sflag:s0], s1  }
0x6e: {  	s1 =	ssub.s32 @!p0 $0x0, s1;
	[sflag:s0] =	ssyncset.done @!p0 $0x0  }
0x6f: {  	[sflag:s0] =	ssyncadd.s32 @!p0 s1  }
0x70: {  	[bflag:$0x3] =	sbarrier.arrive $0xFFFF  }
0x71: {  	_ =	shalt  }

// kernel: kernel.16.cloned.1.call-start
scs
__scs_entry_jumppad:
0x0: {  	(pc) =	sbr.rel $0x88, $3  }
0x1: {  	(tag) =	ssettag $0x0;
	lr =	simm.s32 $0x1  }
0x2: {  	[smem:$0x3F8E] =	sst lr;
	_ =	strace $0xD0000000  }
0x3: {  	_ = 	snop  }
0x4: {  	_ = 	snop  }
0x5: {  	_ = 	snop  }
0x6: {  	_ = 	snop  }
0x7: {  	_ = 	snop  }
__scs_overlays_trampoline_lowered:
0x8: {  	[smem:$0x3F9D] =	sst s0  }
0x9: {  	[smem:$0x3F9E] =	sst s1  }
0xa: {  	[smem:$0x3F9F] =	sst s2  }
0xb: {  	[smem:$0x3FA0] =	sst s3  }
0xc: {  	[smem:$0x3FA1] =	sst s4  }
0xd: {  	[smem:$0x3FA2] =	sst s5  }
0xe: {  	[smem:$0x3FA3] =	sst s6  }
0xf: {  	[smem:$0x3FA4] =	sst s7  }
0x10: {  	[smem:$0x3FA5] =	sst s8  }
0x11: {  	[smem:$0x3FA6] =	sst s9;
	s0 =	simm.s32 @!p0 $0x0  }
0x12: {  	s1 =	sld [smem:$0x3F8C];
	s0 =	simm.s32 @p0 $0x1  }
0x13: {  	[smem:$0x3FA7] =	sst s0;
	s0 =	simm.s32 @!p1 $0x0  }
0x14: {  	s2 =	sld [smem:$0x3F8B];
	s0 =	simm.s32 @p1 $0x1  }
0x15: {  	[smem:$0x3FA8] =	sst s0;
	s0 =	simm.s32 @!p2 $0x0  }
0x16: {  	s3 =	sld [smem:$0x3FDB];
	s0 =	simm.s32 @p2 $0x1  }
0x17: {  	s4 =	simm.s32 $0x1BF5;
	[smem:$0x3FAA] =	sst s0  }
0x18: {  	s0 =	sld [smem:$0x3F8D];
	_ =	swait.ge [sflag:s4], $0x0  }
0x19: {  	s7 =	sld [smem:$0x3F8E]  }
0x1a: {  	s8 =	sadd.s32 $0xFFFFE003, lr  }
0x1b: {  	s9 =	sadd.s32 $0xFFFFFEF7, lr;
	s5 =	simm.s32 $0xFFFFFFFF;
	p2 =	slt.u32 s8, $0xFFFFF086  }
0x1c: {  	p1 =	slt.u32 s9, $0xF7A;
	s5 =	simm.s32 @!p2 $0x0  }
0x1d: {  	s5 =	simm.s32 @p1 $0x1;
	p0 =	seq.s32 s7, s2  }
0x1e: {  	s7 =	smul.u32 @!p0 $0xF7A, s2;
	p2 =	seq.s32 @!p0 s5, $0x0  }
0x1f: {  	s9 =	smul.u32 $0xF7A, s1;
	s8 =	simm.s32 @!p0 $0x1BF5;
	p2 =	por !p2, p0  }
0x20: {  	[sflag:s8] =	ssyncset.s32 @!p0 $0xFFFFF086;
	s6 =	sadd.s32 @!p0 s3, s7;
	s7 =	simm.s32 @!p0 $0x108  }
0x21: {  	s3 =	sadd.s32 s3, s9;
	s6 =	sadd.s32 @!p0 $0x88, s6;
	s7 =	simm.s32 @p2 $0x1082  }
0x22: {  	[simem:s7], [sflag:s8] =	dma.local @!p0 [hbm:s6], $0xF7A  }
0x23: {  	s9 =	sor.u32 $0xD0000000, s2;
	s6 =	simm.s32 $0x108;
	_ =	swait.ge @!p0 [sflag:s8], $0x0  }
0x24: {  	s3 =	sadd.s32 $0x88, s3;
	s6 =	simm.s32 @!p1 $0x1082;
	[sflag:s4] =	ssyncset.s32 $0xFFFFF086  }
0x25: {  	[simem:s6], [sflag:s4] =	dma.local [hbm:s3], $0xF7A  }
0x26: {  	[smem:$0x3F8E] =	sst s1;
	(tag) =	ssettag s2;
	_ =	strace s9  }
0x27: {  	s1 =	sld [smem:$0x3F9E]  }
0x28: {  	s2 =	sld [smem:$0x3F9F]  }
0x29: {  	s4 =	sld [smem:$0x3FA1]  }
0x2a: {  	p0 =	seq.s32 s5, $0x0;
	s5 =	sld [smem:$0x3FA2]  }
0x2b: {  	s6 =	sld [smem:$0x3FA3]  }
0x2c: {  	s7 =	sld [smem:$0x3FA4]  }
0x2d: {  	s3 =	simm.s32 $0x108;
	s8 =	sld [smem:$0x3FA5]  }
0x2e: {  	s3 =	simm.s32 @!p0 $0x1082;
	s9 =	sld [smem:$0x3FA6]  }
0x2f: {  	lr =	sadd.s32 s0, s3;
	s0 =	sld [smem:$0x3F9D]  }
0x30: {  	s3 =	sld [smem:$0x3FA0]  }
0x31: {  	[smem:$0x3FA9] =	sst s10  }
0x32: {  	s10 =	sld [smem:$0x3FA7];
	_ =	sdelay $0x3  }
0x33: {  	p0 =	seq.s32 s10, $0x1;
	s10 =	sld [smem:$0x3FA9];
	_ =	sdelay $0x3  }
0x34: {  	[smem:$0x3FA9] =	sst s10  }
0x35: {  	s10 =	sld [smem:$0x3FA8];
	_ =	sdelay $0x3  }
0x36: {  	p1 =	seq.s32 s10, $0x1;
	s10 =	sld [smem:$0x3FA9];
	_ =	sdelay $0x3  }
0x37: {  	[smem:$0x3FA9] =	sst s10  }
0x38: {  	s10 =	sld [smem:$0x3FAA]  }
0x39: {  	_ = 	snop;
	(pc) =	sbr.ind lr, $3  }
0x3a: {  	_ = 	snop  }
0x3b: {  	_ = 	snop  }
0x3c: {  	p2 =	seq.s32 s10, $0x1;
	s10 =	sld [smem:$0x3FA9]  }
0x3d: {  	_ =	shalt  }
0x3e: {  	_ =	shalt  }
0x3f: {  	_ =	shalt  }
0x40: {  	_ =	shalt  }
0x41: {  	_ =	shalt  }
0x42: {  	_ =	shalt  }
0x43: {  	_ =	shalt  }
0x44: {  	_ =	shalt  }
0x45: {  	_ =	shalt  }
0x46: {  	_ =	shalt  }
0x47: {  	_ =	shalt  }
0x48: {  	_ =	shalt  }
0x49: {  	_ =	shalt  }
0x4a: {  	_ =	shalt  }
0x4b: {  	_ =	shalt  }
0x4c: {  	_ =	shalt  }
0x4d: {  	_ =	shalt  }
0x4e: {  	_ =	shalt  }
0x4f: {  	_ =	shalt  }
0x50: {  	_ =	shalt  }
0x51: {  	_ =	shalt  }
0x52: {  	_ =	shalt  }
0x53: {  	_ =	shalt  }
0x54: {  	_ =	shalt  }
0x55: {  	_ =	shalt  }
0x56: {  	_ =	shalt  }
0x57: {  	_ =	shalt  }
0x58: {  	_ =	shalt  }
0x59: {  	_ =	shalt  }
0x5a: {  	_ =	shalt  }
0x5b: {  	_ =	shalt  }
0x5c: {  	_ =	shalt  }
0x5d: {  	_ =	shalt  }
0x5e: {  	_ =	shalt  }
0x5f: {  	_ =	shalt  }
0x60: {  	_ =	shalt  }
0x61: {  	_ =	shalt  }
0x62: {  	_ =	shalt  }
0x63: {  	_ =	shalt  }
0x64: {  	_ =	shalt  }
0x65: {  	_ =	shalt  }
0x66: {  	_ =	shalt  }
0x67: {  	_ =	shalt  }
0x68: {  	_ =	shalt  }
0x69: {  	_ =	shalt  }
0x6a: {  	_ =	shalt  }
0x6b: {  	_ =	shalt  }
0x6c: {  	_ =	shalt  }
0x6d: {  	_ =	shalt  }
0x6e: {  	_ =	shalt  }
0x6f: {  	_ =	shalt  }
0x70: {  	_ =	shalt  }
0x71: {  	_ =	shalt  }
0x72: {  	_ =	shalt  }
0x73: {  	_ =	shalt  }
0x74: {  	_ =	shalt  }
0x75: {  	_ =	shalt  }
0x76: {  	_ =	shalt  }
0x77: {  	_ =	shalt  }
0x78: {  	_ =	shalt  }
0x79: {  	_ =	shalt  }
0x7a: {  	_ =	shalt  }
0x7b: {  	_ =	shalt  }
0x7c: {  	_ =	shalt  }
0x7d: {  	_ =	shalt  }
0x7e: {  	_ =	shalt  }
0x7f: {  	_ =	shalt  }
0x80: {  	_ =	shalt  }
0x81: {  	_ =	shalt  }
0x82: {  	_ =	shalt  }
0x83: {  	_ =	shalt  }
0x84: {  	_ =	shalt  }
0x85: {  	_ =	shalt  }
0x86: {  	_ =	shalt  }
0x87: {  	_ =	shalt  }
.Lfunc_end0:
.L_simem_size_0:
called_computation.1_lowered:
.L_overlay_start_0:
0x88: {  	s2 =	sld [smem:$0x3FD9]  }
0x89: {  	s3 =	sld [smem:$0x3FFE];
	_ =	sdelay $0x1  }
0x8a: {  	s1 =	srdreg.scid  }
0x8b: {  	s0 =	sand.u32 $0x1, s1  }
0x8c: {  	s14 =	sshll.u32 s0, $0xA;
	s2 =	sadd.s32 s3, s2  }
0x8d: {  	s2 =	sadd.s32 s2, s14  }
0x8e: {  	[smem:$0x3FB5] =	sst s2  }
0x8f: {  	_ = 	snop  }
0x90: {  	s2 =	sld [smem:$0x3FD0];
	_ =	sdelay $0x2  }
0x91: {  	s15 =	simm.s32 $0xA;
	s4 =	simm.s32 $0x10  }
0x92: {  	[smem:s4], [sflag:s15] =	dma.local [hbm:s2], $0x1  }
0x93: {  	_ =	swait.eq [sflag:s15], $0x1  }
0x94: {  	[sflag:s15] =	ssyncset.done $0x0  }
0x95: {  	[sflag:s15] =	ssyncadd.s32 $0xFFFFFFFF  }
0x96: {  	s16 =	sld [smem:$0x10];
	(tm) =	ssettm $0x1  }
0x97: {  	s17 =	sld [smem:$0x3FFB];
	_ =	sdelay $0x3  }
0x98: {  	_ =	strace s17  }
0x99: {  	s3 =	sld [smem:$0x3FFC];
	_ =	sdelay $0x3  }
0x9a: {  	_ =	strace s3  }
0x9b: {  	s3 =	sld [smem:$0x3FFD];
	_ =	sdelay $0x3  }
0x9c: {  	_ =	strace s3  }
0x9d: {  	_ =	strace $0x8FFFFFFF  }
0x9e: {  	s18 =	sld [smem:$0x3FDB];
	_ =	sdelay $0x1  }
0x9f: {  	s19 =	simm.s32 $_scs_section_size  }
0xa0: {  	s5 =	simm.s32 $_size__tile_overlayer_lowered;
	s6 =	simm.s32 $_tile_overlayer_lowered  }
0xa1: {  	s22 =	simm.s32 $0x1BFF;
	s21 =	sshll.u32 s6, $0x1;
	s3 =	sadd.s32 s19, s18  }
0xa2: {  	s7 =	simm.s32 $0x0;
	s20 =	sshll.u32 s5, $0x1;
	s5 =	sadd.s32 s21, s3  }
0xa3: {  	[timem:s7], [sflag:s22] =	dma.local [hbm:s5], s20  }
0xa4: {  	_ =	swait.ge [sflag:s22], s20  }
0xa5: {  	s4 =	ssub.s32 $0x0, s20;
	[sflag:s22] =	ssyncset.done $0x0  }
0xa6: {  	[sflag:s22] =	ssyncadd.s32 s4;
	_ =	sdelay $0x1  }
0xa7: {  	s23 =	simm.s32 $0x1B8B  }
0xa8: {  	_ =	swait.ge [sflag:s23], $0x1  }
0xa9: {  	[sflag:s23] =	ssyncset.done $0x0  }
0xaa: {  	s25 =	simm.s32 $0x1B8E;
	s24 =	sld [smem:$0x3FFE];
	[sflag:s23] =	ssyncadd.s32 $0xFFFFFFFF  }
0xab: {  	s26 =	simm.s32 $execute0_lowered;
	[smem:$0x3FD2] =	sst s25  }
0xac: {  	s5 =	sshll.u32 s26, $0x1;
	_ =	strace $0x80000049;
	[dreg:$0x1] =	wrdreg $0xFFFFFFFF  }
0xad: {  	s28 =	simm.s32 $_size_execute0_lowered;
	s3 =	sadd.s32 s3, s5;
	[dreg:$0x0] =	wrdreg $0x0  }
0xae: {  	s5 =	sshll.u32 s28, $0x1;
	[dreg:$0x2] =	wrdreg s3  }
0xaf: {  	[dreg:$0x3] =	wrdreg s5  }
0xb0: {  	[dreg:$0x4] =	wrdreg $0xC0  }
0xb1: {  	_ =	task [dreg:s7], $0x5FFFF  }
0xb2: {  	[dreg:$0x1] =	wrdreg $0xFFFFFFFF  }
0xb3: {  	[dreg:$0x0] =	wrdreg $0x60  }
0xb4: {  	[dreg:$0x2] =	wrdreg s24  }
0xb5: {  	[dreg:$0x3] =	wrdreg s16  }
0xb6: {  	[dreg:$0x4] =	wrdreg $0x41000  }
0xb7: {  	[dreg:$0x5] =	wrdreg $0x9  }
0xb8: {  	_ =	task.clear_ibuf [dreg:s7], $0x6FFFF;
	_ =	strace $0x90000049  }
0xb9: {  	s29 =	simm.s32 $0x9;
	_ =	strace $0x8000004B  }
0xba: {  	_ =	swait.ge [sflag:s29], $0x1  }
0xbb: {  	[sflag:s29] =	ssyncadd.s32 $0xFFFFFFFF  }
0xbc: {  	_ =	strace $0x9000004B  }
0xbd: {  	_ =	sfence  }
0xbe: {  	s30 =	sld [smem:$0x0];
	_ =	sdelay $0x2  }
0xbf: {  	s31 =	sshll.u32 s1, $0xD;
	s1 =	sshrl.u32 s1, $0x2  }
0xc0: {  	s3 =	sand.u32 $0x4000, s31;
	s1 =	sadd.s32 s1, s30  }
0xc1: {  	s0 =	sor.u32 s3, s0;
	s1 =	sshll.u32 s1, $0x11  }
0xc2: {  	s0 =	sor.u32 s1, s0  }
0xc3: {  	s0 =	sadd.s32 $0x8F2B, s0  }
0xc4: {  	[sflag:s0] =	ssyncadd.remote.s32 $0x1  }
0xc5: {  	_ =	sfence.sel $0xFFFF  }
0xc6: {  	[dreg:$0x0] =	wrdreg $0xFFFFFFFF;
	(pc) =	sbr.abs _section_cstart, $3  }
0xc7: {  	[dreg:$0x1] =	wrdreg $0xFFFFFFFF  }
0xc8: {  	_ =	task.clear_ibuf [dreg:s7], $0x2FFFF;
	_ =	strace $0x9FFFFFFF  }
0xc9: {  	(tm) =	ssettm $0x7FFFFFFF  }
tec
execute0_lowered:
.L_overlay_start_1:
0x0: {  	(tag) =	ssettag $0x1  }
0x1: {  	s10 =	rddreg [dreg:$0x0]  }
0x2: {  	s1 =	rddreg [dreg:$0x1]  }
0x3: {  	s2 =	rddreg [dreg:$0x2]  }
0x4: {  	s4 =	simm.s32 $0x0;
	s3 =	stileid.u32;
	s12 =	srdreg.scid  }
0x5: {  	s22 =	simm.s32 $0x2;
	s23 =	simm.s32 $0x80;
	s9 =	smul.u32 $0x620, s3  }
0x6: {  	s24 =	simm.s32 $0x100;
	s25 =	simm.s32 $0x1;
	s11 =	smul.u32 $0x4F0, s3  }
0x7: {  	[smem:$0x7FF] =	sst s4;
	s5 =	sadd.s32 $0x9D800, s10;
	s26 =	smul.u32 $0x880, s3  }
0x8: {  	s6 =	sadd.s32 $0xC4A00, s10;
	s7 =	sadd.s32 $0x4F400, s10;
	s13 =	smul.u32 $0x11000, s3  }
0x9: {  	s8 =	sadd.s32 $0x76600, s10;
	s12 =	sand.u32 $0x1, s12;
	s16 =	smul.u32 $0x4F000, s3  }
0xa: {  	s31 =	sshll.u32 s3, $0x6;
	_ =	strace $0x8000004A;
	s28 =	ssub.s32 $0x2, s12  }
0xb: {  	p0 =	seq.s32 s12, $0x1;
	s18 =	sadd.s32 s9, s10;
	s20 =	sadd.s32 s11, s10  }
0xc: {  	s14 =	sadd.s32 s26, s10;
	s15 =	sshrl.u32 s28, $0x1;
	s9 =	sadd.s32 $0xEBC00, s10  }
0xd: {  	s10 =	sadd.s32 $0x113400, s10;
	s29 =	sshrl.u32 s13, $0x2;
	s13 =	smul.u32 $0x2780, s3  }
.Ltmp0:
0xe: {  	s30 =	sshrl.u32 s16, $0x2;
	s16 =	sor.u32 $0x1C02, s31;
	(pc) =	sbr.rel .LBB2_1-.Ltmp0, $4  }
0xf: {  	s26 =	simm.s32 $0x0;
	s15 =	ssub.s32 s28, s15;
	s21 =	sadd.s32 s29, s2  }
0x10: {  	s11 =	sadd.s32 $0x13AC00, s14;
	s12 =	sadd.s32 s30, s2;
	s14 =	sadd.s32 $0x143400, s14  }
0x11: {  	s17 =	sadd.s32 $0xE000, s18;
	s18 =	sadd.s32 $0x41200, s18;
	s19 =	sadd.s32 $0x9000, s20  }
0x12: {  	s20 =	sadd.s32 $0x3C200, s20;
	s15 =	smax.u32 s15, $0x1;
	s21 =	sshrl.u32 s21, $0x3  }
.LBB2_11:
0x13: {  	s0 =	sadd.s32 s28, s20;
	[sflag:s22] =	ssyncadd.s32 $0xFFFFC000  }
0x14: {  	[tilespmem:s4], [sflag:$0x2] =	stream.linear.gather [hbm4b:s0+s4], $0x80, $0x38;
	[tilespmem:$0x17D00] =	vst v63  }
0x15: {  	_ =	swait.ge [sflag:s22], $0x80  }
0x16: {  	[sflag:s22] =	ssyncset.done $0x0  }
0x17: {  	s31 =	sadd.s32 s28, s19;
	[sflag:s22] =	ssyncadd.s32 $0xFFFFFF80  }
0x18: {  	[tilespmem:s23], [sflag:$0x2] =	stream.linear.gather [hbm4b:s31+s4], $0x80, $0x38;
	[tilespmem:$0x17D00] =	vst v63  }
0x19: {  	_ =	swait.ge [sflag:s22], $0x80  }
0x1a: {  	[sflag:s22] =	ssyncset.done $0x0  }
0x1b: {  	[sflag:s22] =	ssyncadd.s32 $0xFFFFFF80  }
0x1c: {  	[tilespmem:s24], [sflag:$0x1] =	stream.indirect.gather [hbm4b:s8+s23], $0x80, s4, s23, $0xb8;
	[tilespmem:$0x17D00] =	vst v63  }
0x1d: {  	_ =	swait.ge [sflag:s25], $0x4000  }
0x1e: {  	[sflag:s25] =	ssyncset.done $0x0  }
0x1f: {  	[sflag:s25] =	ssyncadd.s32 $0xFFFFC000  }
0x20: {  	[spmem:s2] =	stream.indirect.scatter.add.f32 [tilespmem:s24], [sflag:$0x2], $0x80, s23, s23, $0xb8;
	[tilespmem:$0x17D00] =	vst v63  }
0x21: {  	_ =	swait.ge [sflag:s22], $0x4000  }
0x22: {  	[sflag:s22] =	ssyncset.done $0x0  }
0x23: {  	s28 =	smov.u32 s10;
	[sflag:s22] =	ssyncadd.s32 $0xFFFFC000  }
.LBB2_12:
0x24: {  	s0 =	sadd.s32 s28, s13  }
0x25: {  	[bflag:$0x0] =	sbarrier.arrive $0xFFFF;
	s31 =	sshrl.u32 s12, $0x3;
	s26 =	sadd.s32 $0x1, s26  }
0x26: {  	[hbm:s0], [sflag:s16] =	dma.local [spmem:s31], $0x2780  }
0x27: {  	p1 =	sne.s32 s26, s15  }
.Ltmp1:
0x28: {  	_ =	swait.ge [sflag:s22], $0x2780;
	(pc) =	sbr.rel @!p1 .LBB2_13-.Ltmp1, $3  }
0x29: {  	[sflag:s22] =	ssyncset.done $0x0  }
0x2a: {  	[sflag:s22] =	ssyncadd.s32 $0xFFFFD880  }
0x2b: {  	[bflag:$0x0] =	sbarrier.arrive $0xFFFF;
	_ =	sdelay $0x1  }
.LBB2_1:
0x2c: {  	[spmem:s21], [sflag:s16] =	dma.local [hbm:s1], $0x880  }
.Ltmp2:
0x2d: {  	_ =	swait.ge [sflag:s22], $0x880;
	(pc) =	sbr.rel @!p0 .LBB2_2-.Ltmp2, $3  }
0x2e: {  	[sflag:s22] =	ssyncset.done $0x0  }
0x2f: {  	[sflag:s22] =	ssyncadd.s32 $0xFFFFF780  }
0x30: {  	[bflag:$0x0] =	sbarrier.arrive $0xFFFF;
	_ =	sdelay $0x1  }
0x31: {  	s0 =	sadd.s32 $0x0, s18  }
0x32: {  	[tilespmem:s4], [sflag:$0x2] =	stream.linear.gather [hbm4b:s0+s4], $0x80, $0x38;
	[tilespmem:$0x17D00] =	vst v63  }
0x33: {  	_ =	swait.ge [sflag:s22], $0x80  }
0x34: {  	[sflag:s22] =	ssyncset.done $0x0  }
0x35: {  	s31 =	sadd.s32 $0x0, s17;
	[sflag:s22] =	ssyncadd.s32 $0xFFFFFF80  }
0x36: {  	[tilespmem:s23], [sflag:$0x2] =	stream.linear.gather [hbm4b:s31+s4], $0x80, $0x38;
	[tilespmem:$0x17D00] =	vst v63  }
0x37: {  	_ =	swait.ge [sflag:s22], $0x80  }
0x38: {  	[sflag:s22] =	ssyncset.done $0x0  }
0x39: {  	[sflag:s22] =	ssyncadd.s32 $0xFFFFFF80  }
0x3a: {  	[tilespmem:s24], [sflag:$0x1] =	stream.indirect.gather [hbm4b:s6+s23], $0x80, s4, s23, $0xb8;
	[tilespmem:$0x17D00] =	vst v63  }
0x3b: {  	_ =	swait.ge [sflag:s25], $0x4000  }
0x3c: {  	[sflag:s25] =	ssyncset.done $0x0  }
0x3d: {  	[sflag:s25] =	ssyncadd.s32 $0xFFFFC000  }
0x3e: {  	[spmem:s2] =	stream.indirect.scatter.add.f32 [tilespmem:s24], [sflag:$0x2], $0x80, s23, s23, $0xb8;
	[tilespmem:$0x17D00] =	vst v63  }
0x3f: {  	_ =	swait.ge [sflag:s22], $0x4000  }
0x40: {  	s28 =	simm.s32 $0x10;
	s29 =	simm.s32 $0x20;
	[sflag:s22] =	ssyncset.done $0x0  }
.LBB2_8:
0x41: {  	s0 =	sadd.s32 s28, s18  }
0x42: {  	[sflag:s22] =	ssyncadd.s32 $0xFFFFC000;
	s30 =	smov.u32 s29;
	s31 =	sadd.s32 $0x10, s29  }
0x43: {  	[tilespmem:s4], [sflag:$0x2] =	stream.linear.gather [hbm4b:s0+s4], $0x80, $0x38;
	[tilespmem:$0x17D00] =	vst v63  }
0x44: {  	p1 =	sne.s32 s29, $0x610;
	_ =	swait.ge [sflag:s22], $0x80  }
0x45: {  	[sflag:s22] =	ssyncset.done $0x0  }
0x46: {  	s0 =	sadd.s32 s28, s17;
	s28 =	smov.u32 s30;
	[sflag:s22] =	ssyncadd.s32 $0xFFFFFF80  }
0x47: {  	[tilespmem:s23], [sflag:$0x2] =	stream.linear.gather [hbm4b:s0+s4], $0x80, $0x38;
	[tilespmem:$0x17D00] =	vst v63  }
0x48: {  	_ =	swait.ge [sflag:s22], $0x80  }
0x49: {  	[sflag:s22] =	ssyncset.done $0x0  }
0x4a: {  	[sflag:s22] =	ssyncadd.s32 $0xFFFFFF80  }
0x4b: {  	[tilespmem:s24], [sflag:$0x1] =	stream.indirect.gather [hbm4b:s6+s23], $0x80, s4, s23, $0xb8;
	[tilespmem:$0x17D00] =	vst v63  }
0x4c: {  	_ =	swait.ge [sflag:s25], $0x4000  }
.Ltmp3:
0x4d: {  	[sflag:s25] =	ssyncset.done $0x0;
	(pc) =	sbr.rel @p1 .LBB2_8-.Ltmp3, $4  }
0x4e: {  	[sflag:s25] =	ssyncadd.s32 $0xFFFFC000  }
0x4f: {  	[spmem:s2] =	stream.indirect.scatter.add.f32 [tilespmem:s24], [sflag:$0x2], $0x80, s23, s23, $0xb8;
	[tilespmem:$0x17D00] =	vst v63  }
0x50: {  	_ =	swait.ge [sflag:s22], $0x4000  }
0x51: {  	s29 =	smov.u32 s31;
	[sflag:s22] =	ssyncset.done $0x0  }
0x52: {  	s0 =	sadd.s32 s28, s18;
	[sflag:s22] =	ssyncadd.s32 $0xFFFFC000  }
0x53: {  	[tilespmem:s4], [sflag:$0x2] =	stream.linear.gather [hbm4b:s0+s4], $0x80, $0x38;
	[tilespmem:$0x17D00] =	vst v63  }
0x54: {  	_ =	swait.ge [sflag:s22], $0x80  }
0x55: {  	[sflag:s22] =	ssyncset.done $0x0  }
0x56: {  	s30 =	sadd.s32 s28, s17;
	[sflag:s22] =	ssyncadd.s32 $0xFFFFFF80  }
0x57: {  	[tilespmem:s23], [sflag:$0x2] =	stream.linear.gather [hbm4b:s30+s4], $0x80, $0x38;
	[tilespmem:$0x17D00] =	vst v63  }
0x58: {  	_ =	swait.ge [sflag:s22], $0x80  }
0x59: {  	[sflag:s22] =	ssyncset.done $0x0  }
0x5a: {  	[sflag:s22] =	ssyncadd.s32 $0xFFFFFF80  }
0x5b: {  	[tilespmem:s24], [sflag:$0x1] =	stream.indirect.gather [hbm4b:s6+s23], $0x80, s4, s23, $0xb8;
	[tilespmem:$0x17D00] =	vst v63  }
0x5c: {  	_ =	swait.ge [sflag:s25], $0x4000  }
0x5d: {  	[sflag:s25] =	ssyncset.done $0x0  }
0x5e: {  	[sflag:s25] =	ssyncadd.s32 $0xFFFFC000  }
0x5f: {  	[spmem:s2] =	stream.indirect.scatter.add.f32 [tilespmem:s24], [sflag:$0x2], $0x80, s23, s23, $0xb8;
	[tilespmem:$0x17D00] =	vst v63  }
0x60: {  	_ =	swait.ge [sflag:s22], $0x4000  }
0x61: {  	[sflag:s22] =	ssyncset.done $0x0  }
0x62: {  	[sflag:s22] =	ssyncadd.s32 $0xFFFFC000  }
0x63: {  	[bflag:$0x0] =	sbarrier.arrive $0xFFFF  }
0x64: {  	[hbm:s14], [sflag:s16] =	dma.local [spmem:s21], $0x880  }
0x65: {  	_ =	swait.ge [sflag:s22], $0x880  }
0x66: {  	[sflag:s22] =	ssyncset.done $0x0  }
0x67: {  	[sflag:s22] =	ssyncadd.s32 $0xFFFFF780  }
0x68: {  	s31 =	sshrl.u32 s12, $0x3;
	[bflag:$0x0] =	sbarrier.arrive $0xFFFF  }
0x69: {  	[spmem:s31], [sflag:s16] =	dma.local [hbm:s1], $0x2780  }
0x6a: {  	_ =	swait.ge [sflag:s22], $0x2780  }
0x6b: {  	[sflag:s22] =	ssyncset.done $0x0  }
0x6c: {  	[sflag:s22] =	ssyncadd.s32 $0xFFFFD880  }
0x6d: {  	s30 =	sadd.s32 $0x0, s20;
	[bflag:$0x0] =	sbarrier.arrive $0xFFFF  }
0x6e: {  	[tilespmem:s4], [sflag:$0x2] =	stream.linear.gather [hbm4b:s30+s4], $0x80, $0x38;
	[tilespmem:$0x17D00] =	vst v63  }
0x6f: {  	_ =	swait.ge [sflag:s22], $0x80  }
0x70: {  	[sflag:s22] =	ssyncset.done $0x0  }
0x71: {  	s31 =	sadd.s32 $0x0, s19;
	[sflag:s22] =	ssyncadd.s32 $0xFFFFFF80  }
0x72: {  	[tilespmem:s23], [sflag:$0x2] =	stream.linear.gather [hbm4b:s31+s4], $0x80, $0x38;
	[tilespmem:$0x17D00] =	vst v63  }
0x73: {  	_ =	swait.ge [sflag:s22], $0x80  }
0x74: {  	[sflag:s22] =	ssyncset.done $0x0  }
0x75: {  	[sflag:s22] =	ssyncadd.s32 $0xFFFFFF80  }
0x76: {  	[tilespmem:s24], [sflag:$0x1] =	stream.indirect.gather [hbm4b:s8+s23], $0x80, s4, s23, $0xb8;
	[tilespmem:$0x17D00] =	vst v63  }
0x77: {  	_ =	swait.ge [sflag:s25], $0x4000  }
0x78: {  	[sflag:s25] =	ssyncset.done $0x0  }
0x79: {  	[sflag:s25] =	ssyncadd.s32 $0xFFFFC000  }
0x7a: {  	[spmem:s2] =	stream.indirect.scatter.add.f32 [tilespmem:s24], [sflag:$0x2], $0x80, s23, s23, $0xb8;
	[tilespmem:$0x17D00] =	vst v63  }
0x7b: {  	_ =	swait.ge [sflag:s22], $0x4000  }
0x7c: {  	s28 =	simm.s32 $0x10;
	s29 =	simm.s32 $0x20;
	[sflag:s22] =	ssyncset.done $0x0  }
.LBB2_10:
0x7d: {  	s0 =	sadd.s32 s28, s20  }
0x7e: {  	[sflag:s22] =	ssyncadd.s32 $0xFFFFC000;
	s30 =	smov.u32 s29;
	s31 =	sadd.s32 $0x10, s29  }
0x7f: {  	[tilespmem:s4], [sflag:$0x2] =	stream.linear.gather [hbm4b:s0+s4], $0x80, $0x38;
	[tilespmem:$0x17D00] =	vst v63  }
0x80: {  	p1 =	sne.s32 s29, $0x4E0;
	_ =	swait.ge [sflag:s22], $0x80  }
0x81: {  	[sflag:s22] =	ssyncset.done $0x0  }
0x82: {  	s0 =	sadd.s32 s28, s19;
	s28 =	smov.u32 s30;
	[sflag:s22] =	ssyncadd.s32 $0xFFFFFF80  }
0x83: {  	[tilespmem:s23], [sflag:$0x2] =	stream.linear.gather [hbm4b:s0+s4], $0x80, $0x38;
	[tilespmem:$0x17D00] =	vst v63  }
0x84: {  	_ =	swait.ge [sflag:s22], $0x80  }
0x85: {  	[sflag:s22] =	ssyncset.done $0x0  }
0x86: {  	[sflag:s22] =	ssyncadd.s32 $0xFFFFFF80  }
0x87: {  	[tilespmem:s24], [sflag:$0x1] =	stream.indirect.gather [hbm4b:s8+s23], $0x80, s4, s23, $0xb8;
	[tilespmem:$0x17D00] =	vst v63  }
0x88: {  	_ =	swait.ge [sflag:s25], $0x4000  }
.Ltmp4:
0x89: {  	[sflag:s25] =	ssyncset.done $0x0;
	(pc) =	sbr.rel @p1 .LBB2_10-.Ltmp4, $4  }
0x8a: {  	[sflag:s25] =	ssyncadd.s32 $0xFFFFC000  }
0x8b: {  	[spmem:s2] =	stream.indirect.scatter.add.f32 [tilespmem:s24], [sflag:$0x2], $0x80, s23, s23, $0xb8;
	[tilespmem:$0x17D00] =	vst v63  }
0x8c: {  	_ =	swait.ge [sflag:s22], $0x4000  }
0x8d: {  	s29 =	smov.u32 s31;
	[sflag:s22] =	ssyncset.done $0x0  }
.Ltmp5:
0x8e: {  	_ = 	snop;
	(pc) =	sbr.rel .LBB2_11-.Ltmp5, $1  }
0x8f: {  	_ =	sdelay $0x3  }
.LBB2_2:
0x90: {  	s28 =	sadd.s32 $0x0, s18  }
0x91: {  	[tilespmem:s4], [sflag:$0x2] =	stream.linear.gather [hbm4b:s28+s4], $0x80, $0x38;
	[tilespmem:$0x17D00] =	vst v63  }
0x92: {  	_ =	swait.ge [sflag:s22], $0x80  }
0x93: {  	[sflag:s22] =	ssyncset.done $0x0  }
0x94: {  	s28 =	sadd.s32 $0x0, s17;
	[sflag:s22] =	ssyncadd.s32 $0xFFFFFF80  }
0x95: {  	[tilespmem:s23], [sflag:$0x2] =	stream.linear.gather [hbm4b:s28+s4], $0x80, $0x38;
	[tilespmem:$0x17D00] =	vst v63  }
0x96: {  	_ =	swait.ge [sflag:s22], $0x80  }
0x97: {  	[sflag:s22] =	ssyncset.done $0x0  }
0x98: {  	[sflag:s22] =	ssyncadd.s32 $0xFFFFFF80  }
0x99: {  	[tilespmem:s24], [sflag:$0x1] =	stream.indirect.gather [hbm4b:s5+s23], $0x80, s4, s23, $0xb8;
	[tilespmem:$0x17D00] =	vst v63  }
0x9a: {  	_ =	swait.ge [sflag:s25], $0x4000  }
0x9b: {  	[sflag:s25] =	ssyncset.done $0x0  }
0x9c: {  	[sflag:s25] =	ssyncadd.s32 $0xFFFFC000  }
0x9d: {  	[spmem:s2] =	stream.indirect.scatter.add.f32 [tilespmem:s24], [sflag:$0x2], $0x80, s23, s23, $0xb8;
	[tilespmem:$0x17D00] =	vst v63  }
0x9e: {  	_ =	swait.ge [sflag:s22], $0x4000  }
0x9f: {  	s29 =	simm.s32 $0x20;
	s28 =	simm.s32 $0x10;
	[sflag:s22] =	ssyncset.done $0x0  }
.LBB2_3:
0xa0: {  	s30 =	sadd.s32 s28, s18  }
0xa1: {  	[sflag:s22] =	ssyncadd.s32 $0xFFFFC000;
	s31 =	smov.u32 s29;
	s0 =	sadd.s32 $0x10, s29  }
0xa2: {  	[tilespmem:s4], [sflag:$0x2] =	stream.linear.gather [hbm4b:s30+s4], $0x80, $0x38;
	[tilespmem:$0x17D00] =	vst v63  }
0xa3: {  	p1 =	sne.s32 s29, $0x610;
	_ =	swait.ge [sflag:s22], $0x80  }
0xa4: {  	[sflag:s22] =	ssyncset.done $0x0  }
0xa5: {  	s29 =	sadd.s32 s28, s17;
	s28 =	smov.u32 s31;
	[sflag:s22] =	ssyncadd.s32 $0xFFFFFF80  }
0xa6: {  	[tilespmem:s23], [sflag:$0x2] =	stream.linear.gather [hbm4b:s29+s4], $0x80, $0x38;
	[tilespmem:$0x17D00] =	vst v63  }
0xa7: {  	_ =	swait.ge [sflag:s22], $0x80  }
0xa8: {  	[sflag:s22] =	ssyncset.done $0x0  }
0xa9: {  	[sflag:s22] =	ssyncadd.s32 $0xFFFFFF80  }
0xaa: {  	[tilespmem:s24], [sflag:$0x1] =	stream.indirect.gather [hbm4b:s5+s23], $0x80, s4, s23, $0xb8;
	[tilespmem:$0x17D00] =	vst v63  }
0xab: {  	_ =	swait.ge [sflag:s25], $0x4000  }
.Ltmp6:
0xac: {  	[sflag:s25] =	ssyncset.done $0x0;
	(pc) =	sbr.rel @p1 .LBB2_3-.Ltmp6, $4  }
0xad: {  	[sflag:s25] =	ssyncadd.s32 $0xFFFFC000  }
0xae: {  	[spmem:s2] =	stream.indirect.scatter.add.f32 [tilespmem:s24], [sflag:$0x2], $0x80, s23, s23, $0xb8;
	[tilespmem:$0x17D00] =	vst v63  }
0xaf: {  	_ =	swait.ge [sflag:s22], $0x4000  }
0xb0: {  	s29 =	smov.u32 s0;
	[sflag:s22] =	ssyncset.done $0x0  }
0xb1: {  	s0 =	sadd.s32 s28, s18;
	[sflag:s22] =	ssyncadd.s32 $0xFFFFC000  }
0xb2: {  	[tilespmem:s4], [sflag:$0x2] =	stream.linear.gather [hbm4b:s0+s4], $0x80, $0x38;
	[tilespmem:$0x17D00] =	vst v63  }
0xb3: {  	_ =	swait.ge [sflag:s22], $0x80  }
0xb4: {  	[sflag:s22] =	ssyncset.done $0x0  }
0xb5: {  	s30 =	sadd.s32 s28, s17;
	[sflag:s22] =	ssyncadd.s32 $0xFFFFFF80  }
0xb6: {  	[tilespmem:s23], [sflag:$0x2] =	stream.linear.gather [hbm4b:s30+s4], $0x80, $0x38;
	[tilespmem:$0x17D00] =	vst v63  }
0xb7: {  	_ =	swait.ge [sflag:s22], $0x80  }
0xb8: {  	[sflag:s22] =	ssyncset.done $0x0  }
0xb9: {  	[sflag:s22] =	ssyncadd.s32 $0xFFFFFF80  }
0xba: {  	[tilespmem:s24], [sflag:$0x1] =	stream.indirect.gather [hbm4b:s5+s23], $0x80, s4, s23, $0xb8;
	[tilespmem:$0x17D00] =	vst v63  }
0xbb: {  	_ =	swait.ge [sflag:s25], $0x4000  }
0xbc: {  	[sflag:s25] =	ssyncset.done $0x0  }
0xbd: {  	[sflag:s25] =	ssyncadd.s32 $0xFFFFC000  }
0xbe: {  	[spmem:s2] =	stream.indirect.scatter.add.f32 [tilespmem:s24], [sflag:$0x2], $0x80, s23, s23, $0xb8;
	[tilespmem:$0x17D00] =	vst v63  }
0xbf: {  	_ =	swait.ge [sflag:s22], $0x4000  }
0xc0: {  	[sflag:s22] =	ssyncset.done $0x0  }
0xc1: {  	[sflag:s22] =	ssyncadd.s32 $0xFFFFC000  }
0xc2: {  	[bflag:$0x0] =	sbarrier.arrive $0xFFFF  }
0xc3: {  	[hbm:s11], [sflag:s16] =	dma.local [spmem:s21], $0x880  }
0xc4: {  	_ =	swait.ge [sflag:s22], $0x880  }
0xc5: {  	[sflag:s22] =	ssyncset.done $0x0  }
0xc6: {  	[sflag:s22] =	ssyncadd.s32 $0xFFFFF780  }
0xc7: {  	s31 =	sshrl.u32 s12, $0x3;
	[bflag:$0x0] =	sbarrier.arrive $0xFFFF  }
0xc8: {  	[spmem:s31], [sflag:s16] =	dma.local [hbm:s1], $0x2780  }
0xc9: {  	_ =	swait.ge [sflag:s22], $0x2780  }
0xca: {  	[sflag:s22] =	ssyncset.done $0x0  }
0xcb: {  	[sflag:s22] =	ssyncadd.s32 $0xFFFFD880  }
0xcc: {  	s30 =	sadd.s32 $0x0, s20;
	[bflag:$0x0] =	sbarrier.arrive $0xFFFF  }
0xcd: {  	[tilespmem:s4], [sflag:$0x2] =	stream.linear.gather [hbm4b:s30+s4], $0x80, $0x38;
	[tilespmem:$0x17D00] =	vst v63  }
0xce: {  	_ =	swait.ge [sflag:s22], $0x80  }
0xcf: {  	[sflag:s22] =	ssyncset.done $0x0  }
0xd0: {  	s31 =	sadd.s32 $0x0, s19;
	[sflag:s22] =	ssyncadd.s32 $0xFFFFFF80  }
0xd1: {  	[tilespmem:s23], [sflag:$0x2] =	stream.linear.gather [hbm4b:s31+s4], $0x80, $0x38;
	[tilespmem:$0x17D00] =	vst v63  }
0xd2: {  	_ =	swait.ge [sflag:s22], $0x80  }
0xd3: {  	[sflag:s22] =	ssyncset.done $0x0  }
0xd4: {  	[sflag:s22] =	ssyncadd.s32 $0xFFFFFF80  }
0xd5: {  	[tilespmem:s24], [sflag:$0x1] =	stream.indirect.gather [hbm4b:s7+s23], $0x80, s4, s23, $0xb8;
	[tilespmem:$0x17D00] =	vst v63  }
0xd6: {  	_ =	swait.ge [sflag:s25], $0x4000  }
0xd7: {  	[sflag:s25] =	ssyncset.done $0x0  }
0xd8: {  	[sflag:s25] =	ssyncadd.s32 $0xFFFFC000  }
0xd9: {  	[spmem:s2] =	stream.indirect.scatter.add.f32 [tilespmem:s24], [sflag:$0x2], $0x80, s23, s23, $0xb8;
	[tilespmem:$0x17D00] =	vst v63  }
0xda: {  	_ =	swait.ge [sflag:s22], $0x4000  }
0xdb: {  	s28 =	simm.s32 $0x10;
	s29 =	simm.s32 $0x20;
	[sflag:s22] =	ssyncset.done $0x0  }
.LBB2_5:
0xdc: {  	s0 =	sadd.s32 s28, s20  }
0xdd: {  	[sflag:s22] =	ssyncadd.s32 $0xFFFFC000;
	s30 =	smov.u32 s29;
	s31 =	sadd.s32 $0x10, s29  }
0xde: {  	[tilespmem:s4], [sflag:$0x2] =	stream.linear.gather [hbm4b:s0+s4], $0x80, $0x38;
	[tilespmem:$0x17D00] =	vst v63  }
0xdf: {  	p1 =	seq.s32 s29, $0x4E0;
	_ =	swait.ge [sflag:s22], $0x80  }
0xe0: {  	[sflag:s22] =	ssyncset.done $0x0  }
0xe1: {  	s0 =	sadd.s32 s28, s19;
	s28 =	smov.u32 s30;
	[sflag:s22] =	ssyncadd.s32 $0xFFFFFF80  }
0xe2: {  	[tilespmem:s23], [sflag:$0x2] =	stream.linear.gather [hbm4b:s0+s4], $0x80, $0x38;
	[tilespmem:$0x17D00] =	vst v63  }
0xe3: {  	_ =	swait.ge [sflag:s22], $0x80  }
0xe4: {  	[sflag:s22] =	ssyncset.done $0x0  }
0xe5: {  	[sflag:s22] =	ssyncadd.s32 $0xFFFFFF80  }
0xe6: {  	[tilespmem:s24], [sflag:$0x1] =	stream.indirect.gather [hbm4b:s7+s23], $0x80, s4, s23, $0xb8;
	[tilespmem:$0x17D00] =	vst v63  }
0xe7: {  	_ =	swait.ge [sflag:s25], $0x4000  }
.Ltmp7:
0xe8: {  	[sflag:s25] =	ssyncset.done $0x0;
	(pc) =	sbr.rel @!p1 .LBB2_5-.Ltmp7, $4  }
0xe9: {  	[sflag:s25] =	ssyncadd.s32 $0xFFFFC000  }
0xea: {  	[spmem:s2] =	stream.indirect.scatter.add.f32 [tilespmem:s24], [sflag:$0x2], $0x80, s23, s23, $0xb8;
	[tilespmem:$0x17D00] =	vst v63  }
0xeb: {  	_ =	swait.ge [sflag:s22], $0x4000  }
0xec: {  	s29 =	smov.u32 s31;
	[sflag:s22] =	ssyncset.done $0x0  }
0xed: {  	s0 =	sadd.s32 s28, s20;
	[sflag:s22] =	ssyncadd.s32 $0xFFFFC000  }
0xee: {  	[tilespmem:s4], [sflag:$0x2] =	stream.linear.gather [hbm4b:s0+s4], $0x80, $0x38;
	[tilespmem:$0x17D00] =	vst v63  }
0xef: {  	_ =	swait.ge [sflag:s22], $0x80  }
0xf0: {  	[sflag:s22] =	ssyncset.done $0x0  }
0xf1: {  	s31 =	sadd.s32 s28, s19;
	[sflag:s22] =	ssyncadd.s32 $0xFFFFFF80  }
0xf2: {  	[tilespmem:s23], [sflag:$0x2] =	stream.linear.gather [hbm4b:s31+s4], $0x80, $0x38;
	[tilespmem:$0x17D00] =	vst v63  }
0xf3: {  	_ =	swait.ge [sflag:s22], $0x80  }
0xf4: {  	[sflag:s22] =	ssyncset.done $0x0  }
0xf5: {  	[sflag:s22] =	ssyncadd.s32 $0xFFFFFF80  }
0xf6: {  	[tilespmem:s24], [sflag:$0x1] =	stream.indirect.gather [hbm4b:s7+s23], $0x80, s4, s23, $0xb8;
	[tilespmem:$0x17D00] =	vst v63  }
0xf7: {  	_ =	swait.ge [sflag:s25], $0x4000  }
0xf8: {  	[sflag:s25] =	ssyncset.done $0x0  }
.Ltmp8:
0xf9: {  	[sflag:s25] =	ssyncadd.s32 $0xFFFFC000;
	(pc) =	sbr.rel .LBB2_12-.Ltmp8, $4  }
0xfa: {  	[spmem:s2] =	stream.indirect.scatter.add.f32 [tilespmem:s24], [sflag:$0x2], $0x80, s23, s23, $0xb8;
	[tilespmem:$0x17D00] =	vst v63  }
0xfb: {  	_ =	swait.ge [sflag:s22], $0x4000  }
0xfc: {  	[sflag:s22] =	ssyncset.done $0x0  }
0xfd: {  	s28 =	smov.u32 s9;
	[sflag:s22] =	ssyncadd.s32 $0xFFFFC000  }
.LBB2_13:
0xfe: {  	_ =	sfence.sel $0x180000  }
0xff: {  	[bflag:$0x0] =	sbarrier.arrive $0xFFFF  }
0x100: {  	_ =	strace $0x9000004A  }
0x101: {  	[bflag:$0x2] =	sbarrier.arrive $0xFFFF  }
0x102: {  	p0 =	sne.s32 s3, $0x0;
	s0 =	rddreg [dreg:$0x3]  }
0x103: {  	s0 =	sadd.s32 @!p0 $0x100000, s0  }
0x104: {  	[sflag:s0] =	ssyncadd.tile.s32 @!p0 $0x1;
	_ =	shalt  }
.Lfunc_end2:
_tile_overlayer_lowered:
.L_overlay_start_2:
0x105: {  	(tag) =	ssettag $0x2  }
0x106: {  	s0 =	rddreg [dreg:$0x0];
	s2 =	stileid.u32  }
0x107: {  	s1 =	rddreg [dreg:$0x1];
	p0 =	sne.s32 s2, $0x0  }
0x108: {  	s3 =	rddreg [dreg:$0x2];
	[bflag:$0x3] =	sbarrier.arrive $0xFFFF;
	s2 =	simm.s32 @!p0 $0x1C02  }
0x109: {  	[timem:s3], [sflag:s2] =	dma.local @!p0 [hbm:s0], s1  }
0x10a: {  	s0 =	simm.s32 @!p0 $0x2  }
0x10b: {  	_ =	swait.ge @!p0 [sflag:s0], s1  }
0x10c: {  	s1 =	ssub.s32 @!p0 $0x0, s1;
	[sflag:s0] =	ssyncset.done @!p0 $0x0  }
0x10d: {  	[sflag:s0] =	ssyncadd.s32 @!p0 s1  }
0x10e: {  	[bflag:$0x3] =	sbarrier.arrive $0xFFFF  }
0x10f: {  	_ =	shalt  }

// kernel: kernel.19.cloned.1.call-start
scs
__scs_entry_jumppad:
0x0: {  	(pc) =	sbr.rel $0x88, $3  }
0x1: {  	(tag) =	ssettag $0x0;
	lr =	simm.s32 $0x1  }
0x2: {  	[smem:$0x3F8E] =	sst lr;
	_ =	strace $0xD0000000  }
0x3: {  	_ = 	snop  }
0x4: {  	_ = 	snop  }
0x5: {  	_ = 	snop  }
0x6: {  	_ = 	snop  }
0x7: {  	_ = 	snop  }
__scs_overlays_trampoline_lowered:
0x8: {  	[smem:$0x3F9D] =	sst s0  }
0x9: {  	[smem:$0x3F9E] =	sst s1  }
0xa: {  	[smem:$0x3F9F] =	sst s2  }
0xb: {  	[smem:$0x3FA0] =	sst s3  }
0xc: {  	[smem:$0x3FA1] =	sst s4  }
0xd: {  	[smem:$0x3FA2] =	sst s5  }
0xe: {  	[smem:$0x3FA3] =	sst s6  }
0xf: {  	[smem:$0x3FA4] =	sst s7  }
0x10: {  	[smem:$0x3FA5] =	sst s8  }
0x11: {  	[smem:$0x3FA6] =	sst s9;
	s0 =	simm.s32 @!p0 $0x0  }
0x12: {  	s1 =	sld [smem:$0x3F8C];
	s0 =	simm.s32 @p0 $0x1  }
0x13: {  	[smem:$0x3FA7] =	sst s0;
	s0 =	simm.s32 @!p1 $0x0  }
0x14: {  	s2 =	sld [smem:$0x3F8B];
	s0 =	simm.s32 @p1 $0x1  }
0x15: {  	[smem:$0x3FA8] =	sst s0;
	s0 =	simm.s32 @!p2 $0x0  }
0x16: {  	s3 =	sld [smem:$0x3FDB];
	s0 =	simm.s32 @p2 $0x1  }
0x17: {  	s4 =	simm.s32 $0x1BF5;
	[smem:$0x3FAA] =	sst s0  }
0x18: {  	s0 =	sld [smem:$0x3F8D];
	_ =	swait.ge [sflag:s4], $0x0  }
0x19: {  	s7 =	sld [smem:$0x3F8E]  }
0x1a: {  	s8 =	sadd.s32 $0xFFFFE003, lr  }
0x1b: {  	s9 =	sadd.s32 $0xFFFFFEF7, lr;
	s5 =	simm.s32 $0xFFFFFFFF;
	p2 =	slt.u32 s8, $0xFFFFF086  }
0x1c: {  	p1 =	slt.u32 s9, $0xF7A;
	s5 =	simm.s32 @!p2 $0x0  }
0x1d: {  	s5 =	simm.s32 @p1 $0x1;
	p0 =	seq.s32 s7, s2  }
0x1e: {  	s7 =	smul.u32 @!p0 $0xF7A, s2;
	p2 =	seq.s32 @!p0 s5, $0x0  }
0x1f: {  	s9 =	smul.u32 $0xF7A, s1;
	s8 =	simm.s32 @!p0 $0x1BF5;
	p2 =	por !p2, p0  }
0x20: {  	[sflag:s8] =	ssyncset.s32 @!p0 $0xFFFFF086;
	s6 =	sadd.s32 @!p0 s3, s7;
	s7 =	simm.s32 @!p0 $0x108  }
0x21: {  	s3 =	sadd.s32 s3, s9;
	s6 =	sadd.s32 @!p0 $0x88, s6;
	s7 =	simm.s32 @p2 $0x1082  }
0x22: {  	[simem:s7], [sflag:s8] =	dma.local @!p0 [hbm:s6], $0xF7A  }
0x23: {  	s9 =	sor.u32 $0xD0000000, s2;
	s6 =	simm.s32 $0x108;
	_ =	swait.ge @!p0 [sflag:s8], $0x0  }
0x24: {  	s3 =	sadd.s32 $0x88, s3;
	s6 =	simm.s32 @!p1 $0x1082;
	[sflag:s4] =	ssyncset.s32 $0xFFFFF086  }
0x25: {  	[simem:s6], [sflag:s4] =	dma.local [hbm:s3], $0xF7A  }
0x26: {  	[smem:$0x3F8E] =	sst s1;
	(tag) =	ssettag s2;
	_ =	strace s9  }
0x27: {  	s1 =	sld [smem:$0x3F9E]  }
0x28: {  	s2 =	sld [smem:$0x3F9F]  }
0x29: {  	s4 =	sld [smem:$0x3FA1]  }
0x2a: {  	p0 =	seq.s32 s5, $0x0;
	s5 =	sld [smem:$0x3FA2]  }
0x2b: {  	s6 =	sld [smem:$0x3FA3]  }
0x2c: {  	s7 =	sld [smem:$0x3FA4]  }
0x2d: {  	s3 =	simm.s32 $0x108;
	s8 =	sld [smem:$0x3FA5]  }
0x2e: {  	s3 =	simm.s32 @!p0 $0x1082;
	s9 =	sld [smem:$0x3FA6]  }
0x2f: {  	lr =	sadd.s32 s0, s3;
	s0 =	sld [smem:$0x3F9D]  }
0x30: {  	s3 =	sld [smem:$0x3FA0]  }
0x31: {  	[smem:$0x3FA9] =	sst s10  }
0x32: {  	s10 =	sld [smem:$0x3FA7];
	_ =	sdelay $0x3  }
0x33: {  	p0 =	seq.s32 s10, $0x1;
	s10 =	sld [smem:$0x3FA9];
	_ =	sdelay $0x3  }
0x34: {  	[smem:$0x3FA9] =	sst s10  }
0x35: {  	s10 =	sld [smem:$0x3FA8];
	_ =	sdelay $0x3  }
0x36: {  	p1 =	seq.s32 s10, $0x1;
	s10 =	sld [smem:$0x3FA9];
	_ =	sdelay $0x3  }
0x37: {  	[smem:$0x3FA9] =	sst s10  }
0x38: {  	s10 =	sld [smem:$0x3FAA]  }
0x39: {  	_ = 	snop;
	(pc) =	sbr.ind lr, $3  }
0x3a: {  	_ = 	snop  }
0x3b: {  	_ = 	snop  }
0x3c: {  	p2 =	seq.s32 s10, $0x1;
	s10 =	sld [smem:$0x3FA9]  }
0x3d: {  	_ =	shalt  }
0x3e: {  	_ =	shalt  }
0x3f: {  	_ =	shalt  }
0x40: {  	_ =	shalt  }
0x41: {  	_ =	shalt  }
0x42: {  	_ =	shalt  }
0x43: {  	_ =	shalt  }
0x44: {  	_ =	shalt  }
0x45: {  	_ =	shalt  }
0x46: {  	_ =	shalt  }
0x47: {  	_ =	shalt  }
0x48: {  	_ =	shalt  }
0x49: {  	_ =	shalt  }
0x4a: {  	_ =	shalt  }
0x4b: {  	_ =	shalt  }
0x4c: {  	_ =	shalt  }
0x4d: {  	_ =	shalt  }
0x4e: {  	_ =	shalt  }
0x4f: {  	_ =	shalt  }
0x50: {  	_ =	shalt  }
0x51: {  	_ =	shalt  }
0x52: {  	_ =	shalt  }
0x53: {  	_ =	shalt  }
0x54: {  	_ =	shalt  }
0x55: {  	_ =	shalt  }
0x56: {  	_ =	shalt  }
0x57: {  	_ =	shalt  }
0x58: {  	_ =	shalt  }
0x59: {  	_ =	shalt  }
0x5a: {  	_ =	shalt  }
0x5b: {  	_ =	shalt  }
0x5c: {  	_ =	shalt  }
0x5d: {  	_ =	shalt  }
0x5e: {  	_ =	shalt  }
0x5f: {  	_ =	shalt  }
0x60: {  	_ =	shalt  }
0x61: {  	_ =	shalt  }
0x62: {  	_ =	shalt  }
0x63: {  	_ =	shalt  }
0x64: {  	_ =	shalt  }
0x65: {  	_ =	shalt  }
0x66: {  	_ =	shalt  }
0x67: {  	_ =	shalt  }
0x68: {  	_ =	shalt  }
0x69: {  	_ =	shalt  }
0x6a: {  	_ =	shalt  }
0x6b: {  	_ =	shalt  }
0x6c: {  	_ =	shalt  }
0x6d: {  	_ =	shalt  }
0x6e: {  	_ =	shalt  }
0x6f: {  	_ =	shalt  }
0x70: {  	_ =	shalt  }
0x71: {  	_ =	shalt  }
0x72: {  	_ =	shalt  }
0x73: {  	_ =	shalt  }
0x74: {  	_ =	shalt  }
0x75: {  	_ =	shalt  }
0x76: {  	_ =	shalt  }
0x77: {  	_ =	shalt  }
0x78: {  	_ =	shalt  }
0x79: {  	_ =	shalt  }
0x7a: {  	_ =	shalt  }
0x7b: {  	_ =	shalt  }
0x7c: {  	_ =	shalt  }
0x7d: {  	_ =	shalt  }
0x7e: {  	_ =	shalt  }
0x7f: {  	_ =	shalt  }
0x80: {  	_ =	shalt  }
0x81: {  	_ =	shalt  }
0x82: {  	_ =	shalt  }
0x83: {  	_ =	shalt  }
0x84: {  	_ =	shalt  }
0x85: {  	_ =	shalt  }
0x86: {  	_ =	shalt  }
0x87: {  	_ =	shalt  }
.Lfunc_end0:
.L_simem_size_0:
called_computation.2_lowered:
.L_overlay_start_0:
0x88: {  	s2 =	sld [smem:$0x3FD9]  }
0x89: {  	s3 =	sld [smem:$0x3FFE];
	_ =	sdelay $0x1  }
0x8a: {  	s1 =	srdreg.scid  }
0x8b: {  	s0 =	sand.u32 $0x1, s1  }
0x8c: {  	s14 =	sshll.u32 s0, $0xA;
	s2 =	sadd.s32 s3, s2  }
0x8d: {  	s2 =	sadd.s32 s2, s14  }
0x8e: {  	[smem:$0x3FB5] =	sst s2  }
0x8f: {  	_ = 	snop  }
0x90: {  	s2 =	sld [smem:$0x3FD0];
	_ =	sdelay $0x2  }
0x91: {  	s15 =	simm.s32 $0xA;
	s4 =	simm.s32 $0x10  }
0x92: {  	[smem:s4], [sflag:s15] =	dma.local [hbm:s2], $0x1  }
0x93: {  	_ =	swait.eq [sflag:s15], $0x1  }
0x94: {  	[sflag:s15] =	ssyncset.done $0x0  }
0x95: {  	[sflag:s15] =	ssyncadd.s32 $0xFFFFFFFF  }
0x96: {  	s16 =	sld [smem:$0x10];
	(tm) =	ssettm $0x1  }
0x97: {  	s17 =	sld [smem:$0x3FFB];
	_ =	sdelay $0x3  }
0x98: {  	_ =	strace s17  }
0x99: {  	s3 =	sld [smem:$0x3FFC];
	_ =	sdelay $0x3  }
0x9a: {  	_ =	strace s3  }
0x9b: {  	s3 =	sld [smem:$0x3FFD];
	_ =	sdelay $0x3  }
0x9c: {  	_ =	strace s3  }
0x9d: {  	_ =	strace $0x8FFFFFFF  }
0x9e: {  	s18 =	sld [smem:$0x3FDB];
	_ =	sdelay $0x1  }
0x9f: {  	s19 =	simm.s32 $_scs_section_size  }
0xa0: {  	s5 =	simm.s32 $_size__tile_overlayer_lowered;
	s6 =	simm.s32 $_tile_overlayer_lowered  }
0xa1: {  	s22 =	simm.s32 $0x1BFF;
	s21 =	sshll.u32 s6, $0x1;
	s3 =	sadd.s32 s19, s18  }
0xa2: {  	s7 =	simm.s32 $0x0;
	s20 =	sshll.u32 s5, $0x1;
	s5 =	sadd.s32 s21, s3  }
0xa3: {  	[timem:s7], [sflag:s22] =	dma.local [hbm:s5], s20  }
0xa4: {  	_ =	swait.ge [sflag:s22], s20  }
0xa5: {  	s4 =	ssub.s32 $0x0, s20;
	[sflag:s22] =	ssyncset.done $0x0  }
0xa6: {  	[sflag:s22] =	ssyncadd.s32 s4;
	_ =	sdelay $0x1  }
0xa7: {  	s23 =	simm.s32 $0x1B8B  }
0xa8: {  	_ =	swait.ge [sflag:s23], $0x1  }
0xa9: {  	[sflag:s23] =	ssyncset.done $0x0  }
0xaa: {  	s25 =	simm.s32 $0x1B8E;
	s24 =	sld [smem:$0x3FFE];
	[sflag:s23] =	ssyncadd.s32 $0xFFFFFFFF  }
0xab: {  	s26 =	simm.s32 $execute0_lowered;
	[smem:$0x3FD2] =	sst s25  }
0xac: {  	s5 =	sshll.u32 s26, $0x1;
	_ =	strace $0x8000004C;
	[dreg:$0x1] =	wrdreg $0xFFFFFFFF  }
0xad: {  	s28 =	simm.s32 $_size_execute0_lowered;
	s3 =	sadd.s32 s3, s5;
	[dreg:$0x0] =	wrdreg $0x0  }
0xae: {  	s5 =	sshll.u32 s28, $0x1;
	[dreg:$0x2] =	wrdreg s3  }
0xaf: {  	[dreg:$0x3] =	wrdreg s5  }
0xb0: {  	[dreg:$0x4] =	wrdreg $0xC0  }
0xb1: {  	_ =	task [dreg:s7], $0x5FFFF  }
0xb2: {  	[dreg:$0x1] =	wrdreg $0xFFFFFFFF  }
0xb3: {  	[dreg:$0x0] =	wrdreg $0x60  }
0xb4: {  	[dreg:$0x2] =	wrdreg s24  }
0xb5: {  	[dreg:$0x3] =	wrdreg s16  }
0xb6: {  	[dreg:$0x4] =	wrdreg $0x41000  }
0xb7: {  	[dreg:$0x5] =	wrdreg $0x9  }
0xb8: {  	_ =	task.clear_ibuf [dreg:s7], $0x6FFFF;
	_ =	strace $0x9000004C  }
0xb9: {  	s29 =	simm.s32 $0x9;
	_ =	strace $0x8000004E  }
0xba: {  	_ =	swait.ge [sflag:s29], $0x1  }
0xbb: {  	[sflag:s29] =	ssyncadd.s32 $0xFFFFFFFF  }
0xbc: {  	_ =	strace $0x9000004E  }
0xbd: {  	_ =	sfence  }
0xbe: {  	s30 =	sld [smem:$0x0];
	_ =	sdelay $0x2  }
0xbf: {  	s31 =	sshll.u32 s1, $0xD;
	s1 =	sshrl.u32 s1, $0x2  }
0xc0: {  	s3 =	sand.u32 $0x4000, s31;
	s1 =	sadd.s32 s1, s30  }
0xc1: {  	s0 =	sor.u32 s3, s0;
	s1 =	sshll.u32 s1, $0x11  }
0xc2: {  	s0 =	sor.u32 s1, s0  }
0xc3: {  	s0 =	sadd.s32 $0x8F2B, s0  }
0xc4: {  	[sflag:s0] =	ssyncadd.remote.s32 $0x1  }
0xc5: {  	_ =	sfence.sel $0xFFFF  }
0xc6: {  	[dreg:$0x0] =	wrdreg $0xFFFFFFFF;
	(pc) =	sbr.abs _section_cstart, $3  }
0xc7: {  	[dreg:$0x1] =	wrdreg $0xFFFFFFFF  }
0xc8: {  	_ =	task.clear_ibuf [dreg:s7], $0x2FFFF;
	_ =	strace $0x9FFFFFFF  }
0xc9: {  	(tm) =	ssettm $0x7FFFFFFF  }
tec
execute0_lowered:
.L_overlay_start_1:
0x0: {  	(tag) =	ssettag $0x1  }
0x1: {  	s10 =	rddreg [dreg:$0x0]  }
0x2: {  	s1 =	rddreg [dreg:$0x1]  }
0x3: {  	s2 =	rddreg [dreg:$0x2]  }
0x4: {  	s4 =	simm.s32 $0x0;
	s3 =	stileid.u32;
	s12 =	srdreg.scid  }
0x5: {  	s22 =	simm.s32 $0x2;
	s23 =	simm.s32 $0x80;
	s9 =	smul.u32 $0x620, s3  }
0x6: {  	s24 =	simm.s32 $0x100;
	s25 =	simm.s32 $0x1;
	s11 =	smul.u32 $0x4F0, s3  }
0x7: {  	[smem:$0x7FF] =	sst s4;
	s5 =	sadd.s32 $0x9D800, s10;
	s26 =	smul.u32 $0x880, s3  }
0x8: {  	s6 =	sadd.s32 $0xC4A00, s10;
	s7 =	sadd.s32 $0x4F400, s10;
	s13 =	smul.u32 $0x11000, s3  }
0x9: {  	s8 =	sadd.s32 $0x76600, s10;
	s12 =	sand.u32 $0x1, s12;
	s16 =	smul.u32 $0x4F000, s3  }
0xa: {  	s31 =	sshll.u32 s3, $0x6;
	_ =	strace $0x8000004D;
	s28 =	ssub.s32 $0x2, s12  }
0xb: {  	p0 =	seq.s32 s12, $0x1;
	s18 =	sadd.s32 s9, s10;
	s20 =	sadd.s32 s11, s10  }
0xc: {  	s14 =	sadd.s32 s26, s10;
	s15 =	sshrl.u32 s28, $0x1;
	s9 =	sadd.s32 $0xEBC00, s10  }
0xd: {  	s10 =	sadd.s32 $0x113400, s10;
	s29 =	sshrl.u32 s13, $0x2;
	s13 =	smul.u32 $0x2780, s3  }
.Ltmp0:
0xe: {  	s30 =	sshrl.u32 s16, $0x2;
	s16 =	sor.u32 $0x1C02, s31;
	(pc) =	sbr.rel .LBB2_1-.Ltmp0, $4  }
0xf: {  	s26 =	simm.s32 $0x0;
	s15 =	ssub.s32 s28, s15;
	s21 =	sadd.s32 s29, s2  }
0x10: {  	s11 =	sadd.s32 $0x14BC00, s14;
	s12 =	sadd.s32 s30, s2;
	s14 =	sadd.s32 $0x154400, s14  }
0x11: {  	s17 =	sadd.s32 $0xE000, s18;
	s18 =	sadd.s32 $0x41200, s18;
	s19 =	sadd.s32 $0x9000, s20  }
0x12: {  	s20 =	sadd.s32 $0x3C200, s20;
	s15 =	smax.u32 s15, $0x1;
	s21 =	sshrl.u32 s21, $0x3  }
.LBB2_11:
0x13: {  	s0 =	sadd.s32 s28, s20;
	[sflag:s22] =	ssyncadd.s32 $0xFFFFC000  }
0x14: {  	[tilespmem:s4], [sflag:$0x2] =	stream.linear.gather [hbm4b:s0+s4], $0x80, $0x38;
	[tilespmem:$0x17D00] =	vst v63  }
0x15: {  	_ =	swait.ge [sflag:s22], $0x80  }
0x16: {  	[sflag:s22] =	ssyncset.done $0x0  }
0x17: {  	s31 =	sadd.s32 s28, s19;
	[sflag:s22] =	ssyncadd.s32 $0xFFFFFF80  }
0x18: {  	[tilespmem:s23], [sflag:$0x2] =	stream.linear.gather [hbm4b:s31+s4], $0x80, $0x38;
	[tilespmem:$0x17D00] =	vst v63  }
0x19: {  	_ =	swait.ge [sflag:s22], $0x80  }
0x1a: {  	[sflag:s22] =	ssyncset.done $0x0  }
0x1b: {  	[sflag:s22] =	ssyncadd.s32 $0xFFFFFF80  }
0x1c: {  	[tilespmem:s24], [sflag:$0x1] =	stream.indirect.gather [hbm4b:s8+s23], $0x80, s4, s23, $0xb8;
	[tilespmem:$0x17D00] =	vst v63  }
0x1d: {  	_ =	swait.ge [sflag:s25], $0x4000  }
0x1e: {  	[sflag:s25] =	ssyncset.done $0x0  }
0x1f: {  	[sflag:s25] =	ssyncadd.s32 $0xFFFFC000  }
0x20: {  	[spmem:s2] =	stream.indirect.scatter.add.f32 [tilespmem:s24], [sflag:$0x2], $0x80, s23, s23, $0xb8;
	[tilespmem:$0x17D00] =	vst v63  }
0x21: {  	_ =	swait.ge [sflag:s22], $0x4000  }
0x22: {  	[sflag:s22] =	ssyncset.done $0x0  }
0x23: {  	s28 =	smov.u32 s10;
	[sflag:s22] =	ssyncadd.s32 $0xFFFFC000  }
.LBB2_12:
0x24: {  	s0 =	sadd.s32 s28, s13  }
0x25: {  	[bflag:$0x0] =	sbarrier.arrive $0xFFFF;
	s31 =	sshrl.u32 s12, $0x3;
	s26 =	sadd.s32 $0x1, s26  }
0x26: {  	[hbm:s0], [sflag:s16] =	dma.local [spmem:s31], $0x2780  }
0x27: {  	p1 =	sne.s32 s26, s15  }
.Ltmp1:
0x28: {  	_ =	swait.ge [sflag:s22], $0x2780;
	(pc) =	sbr.rel @!p1 .LBB2_13-.Ltmp1, $3  }
0x29: {  	[sflag:s22] =	ssyncset.done $0x0  }
0x2a: {  	[sflag:s22] =	ssyncadd.s32 $0xFFFFD880  }
0x2b: {  	[bflag:$0x0] =	sbarrier.arrive $0xFFFF;
	_ =	sdelay $0x1  }
.LBB2_1:
0x2c: {  	[spmem:s21], [sflag:s16] =	dma.local [hbm:s1], $0x880  }
.Ltmp2:
0x2d: {  	_ =	swait.ge [sflag:s22], $0x880;
	(pc) =	sbr.rel @!p0 .LBB2_2-.Ltmp2, $3  }
0x2e: {  	[sflag:s22] =	ssyncset.done $0x0  }
0x2f: {  	[sflag:s22] =	ssyncadd.s32 $0xFFFFF780  }
0x30: {  	[bflag:$0x0] =	sbarrier.arrive $0xFFFF;
	_ =	sdelay $0x1  }
0x31: {  	s0 =	sadd.s32 $0x0, s18  }
0x32: {  	[tilespmem:s4], [sflag:$0x2] =	stream.linear.gather [hbm4b:s0+s4], $0x80, $0x38;
	[tilespmem:$0x17D00] =	vst v63  }
0x33: {  	_ =	swait.ge [sflag:s22], $0x80  }
0x34: {  	[sflag:s22] =	ssyncset.done $0x0  }
0x35: {  	s31 =	sadd.s32 $0x0, s17;
	[sflag:s22] =	ssyncadd.s32 $0xFFFFFF80  }
0x36: {  	[tilespmem:s23], [sflag:$0x2] =	stream.linear.gather [hbm4b:s31+s4], $0x80, $0x38;
	[tilespmem:$0x17D00] =	vst v63  }
0x37: {  	_ =	swait.ge [sflag:s22], $0x80  }
0x38: {  	[sflag:s22] =	ssyncset.done $0x0  }
0x39: {  	[sflag:s22] =	ssyncadd.s32 $0xFFFFFF80  }
0x3a: {  	[tilespmem:s24], [sflag:$0x1] =	stream.indirect.gather [hbm4b:s6+s23], $0x80, s4, s23, $0xb8;
	[tilespmem:$0x17D00] =	vst v63  }
0x3b: {  	_ =	swait.ge [sflag:s25], $0x4000  }
0x3c: {  	[sflag:s25] =	ssyncset.done $0x0  }
0x3d: {  	[sflag:s25] =	ssyncadd.s32 $0xFFFFC000  }
0x3e: {  	[spmem:s2] =	stream.indirect.scatter.add.f32 [tilespmem:s24], [sflag:$0x2], $0x80, s23, s23, $0xb8;
	[tilespmem:$0x17D00] =	vst v63  }
0x3f: {  	_ =	swait.ge [sflag:s22], $0x4000  }
0x40: {  	s28 =	simm.s32 $0x10;
	s29 =	simm.s32 $0x20;
	[sflag:s22] =	ssyncset.done $0x0  }
.LBB2_8:
0x41: {  	s0 =	sadd.s32 s28, s18  }
0x42: {  	[sflag:s22] =	ssyncadd.s32 $0xFFFFC000;
	s30 =	smov.u32 s29;
	s31 =	sadd.s32 $0x10, s29  }
0x43: {  	[tilespmem:s4], [sflag:$0x2] =	stream.linear.gather [hbm4b:s0+s4], $0x80, $0x38;
	[tilespmem:$0x17D00] =	vst v63  }
0x44: {  	p1 =	sne.s32 s29, $0x610;
	_ =	swait.ge [sflag:s22], $0x80  }
0x45: {  	[sflag:s22] =	ssyncset.done $0x0  }
0x46: {  	s0 =	sadd.s32 s28, s17;
	s28 =	smov.u32 s30;
	[sflag:s22] =	ssyncadd.s32 $0xFFFFFF80  }
0x47: {  	[tilespmem:s23], [sflag:$0x2] =	stream.linear.gather [hbm4b:s0+s4], $0x80, $0x38;
	[tilespmem:$0x17D00] =	vst v63  }
0x48: {  	_ =	swait.ge [sflag:s22], $0x80  }
0x49: {  	[sflag:s22] =	ssyncset.done $0x0  }
0x4a: {  	[sflag:s22] =	ssyncadd.s32 $0xFFFFFF80  }
0x4b: {  	[tilespmem:s24], [sflag:$0x1] =	stream.indirect.gather [hbm4b:s6+s23], $0x80, s4, s23, $0xb8;
	[tilespmem:$0x17D00] =	vst v63  }
0x4c: {  	_ =	swait.ge [sflag:s25], $0x4000  }
.Ltmp3:
0x4d: {  	[sflag:s25] =	ssyncset.done $0x0;
	(pc) =	sbr.rel @p1 .LBB2_8-.Ltmp3, $4  }
0x4e: {  	[sflag:s25] =	ssyncadd.s32 $0xFFFFC000  }
0x4f: {  	[spmem:s2] =	stream.indirect.scatter.add.f32 [tilespmem:s24], [sflag:$0x2], $0x80, s23, s23, $0xb8;
	[tilespmem:$0x17D00] =	vst v63  }
0x50: {  	_ =	swait.ge [sflag:s22], $0x4000  }
0x51: {  	s29 =	smov.u32 s31;
	[sflag:s22] =	ssyncset.done $0x0  }
0x52: {  	s0 =	sadd.s32 s28, s18;
	[sflag:s22] =	ssyncadd.s32 $0xFFFFC000  }
0x53: {  	[tilespmem:s4], [sflag:$0x2] =	stream.linear.gather [hbm4b:s0+s4], $0x80, $0x38;
	[tilespmem:$0x17D00] =	vst v63  }
0x54: {  	_ =	swait.ge [sflag:s22], $0x80  }
0x55: {  	[sflag:s22] =	ssyncset.done $0x0  }
0x56: {  	s30 =	sadd.s32 s28, s17;
	[sflag:s22] =	ssyncadd.s32 $0xFFFFFF80  }
0x57: {  	[tilespmem:s23], [sflag:$0x2] =	stream.linear.gather [hbm4b:s30+s4], $0x80, $0x38;
	[tilespmem:$0x17D00] =	vst v63  }
0x58: {  	_ =	swait.ge [sflag:s22], $0x80  }
0x59: {  	[sflag:s22] =	ssyncset.done $0x0  }
0x5a: {  	[sflag:s22] =	ssyncadd.s32 $0xFFFFFF80  }
0x5b: {  	[tilespmem:s24], [sflag:$0x1] =	stream.indirect.gather [hbm4b:s6+s23], $0x80, s4, s23, $0xb8;
	[tilespmem:$0x17D00] =	vst v63  }
0x5c: {  	_ =	swait.ge [sflag:s25], $0x4000  }
0x5d: {  	[sflag:s25] =	ssyncset.done $0x0  }
0x5e: {  	[sflag:s25] =	ssyncadd.s32 $0xFFFFC000  }
0x5f: {  	[spmem:s2] =	stream.indirect.scatter.add.f32 [tilespmem:s24], [sflag:$0x2], $0x80, s23, s23, $0xb8;
	[tilespmem:$0x17D00] =	vst v63  }
0x60: {  	_ =	swait.ge [sflag:s22], $0x4000  }
0x61: {  	[sflag:s22] =	ssyncset.done $0x0  }
0x62: {  	[sflag:s22] =	ssyncadd.s32 $0xFFFFC000  }
0x63: {  	[bflag:$0x0] =	sbarrier.arrive $0xFFFF  }
0x64: {  	[hbm:s14], [sflag:s16] =	dma.local [spmem:s21], $0x880  }
0x65: {  	_ =	swait.ge [sflag:s22], $0x880  }
0x66: {  	[sflag:s22] =	ssyncset.done $0x0  }
0x67: {  	[sflag:s22] =	ssyncadd.s32 $0xFFFFF780  }
0x68: {  	s31 =	sshrl.u32 s12, $0x3;
	[bflag:$0x0] =	sbarrier.arrive $0xFFFF  }
0x69: {  	[spmem:s31], [sflag:s16] =	dma.local [hbm:s1], $0x2780  }
0x6a: {  	_ =	swait.ge [sflag:s22], $0x2780  }
0x6b: {  	[sflag:s22] =	ssyncset.done $0x0  }
0x6c: {  	[sflag:s22] =	ssyncadd.s32 $0xFFFFD880  }
0x6d: {  	s30 =	sadd.s32 $0x0, s20;
	[bflag:$0x0] =	sbarrier.arrive $0xFFFF  }
0x6e: {  	[tilespmem:s4], [sflag:$0x2] =	stream.linear.gather [hbm4b:s30+s4], $0x80, $0x38;
	[tilespmem:$0x17D00] =	vst v63  }
0x6f: {  	_ =	swait.ge [sflag:s22], $0x80  }
0x70: {  	[sflag:s22] =	ssyncset.done $0x0  }
0x71: {  	s31 =	sadd.s32 $0x0, s19;
	[sflag:s22] =	ssyncadd.s32 $0xFFFFFF80  }
0x72: {  	[tilespmem:s23], [sflag:$0x2] =	stream.linear.gather [hbm4b:s31+s4], $0x80, $0x38;
	[tilespmem:$0x17D00] =	vst v63  }
0x73: {  	_ =	swait.ge [sflag:s22], $0x80  }
0x74: {  	[sflag:s22] =	ssyncset.done $0x0  }
0x75: {  	[sflag:s22] =	ssyncadd.s32 $0xFFFFFF80  }
0x76: {  	[tilespmem:s24], [sflag:$0x1] =	stream.indirect.gather [hbm4b:s8+s23], $0x80, s4, s23, $0xb8;
	[tilespmem:$0x17D00] =	vst v63  }
0x77: {  	_ =	swait.ge [sflag:s25], $0x4000  }
0x78: {  	[sflag:s25] =	ssyncset.done $0x0  }
0x79: {  	[sflag:s25] =	ssyncadd.s32 $0xFFFFC000  }
0x7a: {  	[spmem:s2] =	stream.indirect.scatter.add.f32 [tilespmem:s24], [sflag:$0x2], $0x80, s23, s23, $0xb8;
	[tilespmem:$0x17D00] =	vst v63  }
0x7b: {  	_ =	swait.ge [sflag:s22], $0x4000  }
0x7c: {  	s28 =	simm.s32 $0x10;
	s29 =	simm.s32 $0x20;
	[sflag:s22] =	ssyncset.done $0x0  }
.LBB2_10:
0x7d: {  	s0 =	sadd.s32 s28, s20  }
0x7e: {  	[sflag:s22] =	ssyncadd.s32 $0xFFFFC000;
	s30 =	smov.u32 s29;
	s31 =	sadd.s32 $0x10, s29  }
0x7f: {  	[tilespmem:s4], [sflag:$0x2] =	stream.linear.gather [hbm4b:s0+s4], $0x80, $0x38;
	[tilespmem:$0x17D00] =	vst v63  }
0x80: {  	p1 =	sne.s32 s29, $0x4E0;
	_ =	swait.ge [sflag:s22], $0x80  }
0x81: {  	[sflag:s22] =	ssyncset.done $0x0  }
0x82: {  	s0 =	sadd.s32 s28, s19;
	s28 =	smov.u32 s30;
	[sflag:s22] =	ssyncadd.s32 $0xFFFFFF80  }
0x83: {  	[tilespmem:s23], [sflag:$0x2] =	stream.linear.gather [hbm4b:s0+s4], $0x80, $0x38;
	[tilespmem:$0x17D00] =	vst v63  }
0x84: {  	_ =	swait.ge [sflag:s22], $0x80  }
0x85: {  	[sflag:s22] =	ssyncset.done $0x0  }
0x86: {  	[sflag:s22] =	ssyncadd.s32 $0xFFFFFF80  }
0x87: {  	[tilespmem:s24], [sflag:$0x1] =	stream.indirect.gather [hbm4b:s8+s23], $0x80, s4, s23, $0xb8;
	[tilespmem:$0x17D00] =	vst v63  }
0x88: {  	_ =	swait.ge [sflag:s25], $0x4000  }
.Ltmp4:
0x89: {  	[sflag:s25] =	ssyncset.done $0x0;
	(pc) =	sbr.rel @p1 .LBB2_10-.Ltmp4, $4  }
0x8a: {  	[sflag:s25] =	ssyncadd.s32 $0xFFFFC000  }
0x8b: {  	[spmem:s2] =	stream.indirect.scatter.add.f32 [tilespmem:s24], [sflag:$0x2], $0x80, s23, s23, $0xb8;
	[tilespmem:$0x17D00] =	vst v63  }
0x8c: {  	_ =	swait.ge [sflag:s22], $0x4000  }
0x8d: {  	s29 =	smov.u32 s31;
	[sflag:s22] =	ssyncset.done $0x0  }
.Ltmp5:
0x8e: {  	_ = 	snop;
	(pc) =	sbr.rel .LBB2_11-.Ltmp5, $1  }
0x8f: {  	_ =	sdelay $0x3  }
.LBB2_2:
0x90: {  	s28 =	sadd.s32 $0x0, s18  }
0x91: {  	[tilespmem:s4], [sflag:$0x2] =	stream.linear.gather [hbm4b:s28+s4], $0x80, $0x38;
	[tilespmem:$0x17D00] =	vst v63  }
0x92: {  	_ =	swait.ge [sflag:s22], $0x80  }
0x93: {  	[sflag:s22] =	ssyncset.done $0x0  }
0x94: {  	s28 =	sadd.s32 $0x0, s17;
	[sflag:s22] =	ssyncadd.s32 $0xFFFFFF80  }
0x95: {  	[tilespmem:s23], [sflag:$0x2] =	stream.linear.gather [hbm4b:s28+s4], $0x80, $0x38;
	[tilespmem:$0x17D00] =	vst v63  }
0x96: {  	_ =	swait.ge [sflag:s22], $0x80  }
0x97: {  	[sflag:s22] =	ssyncset.done $0x0  }
0x98: {  	[sflag:s22] =	ssyncadd.s32 $0xFFFFFF80  }
0x99: {  	[tilespmem:s24], [sflag:$0x1] =	stream.indirect.gather [hbm4b:s5+s23], $0x80, s4, s23, $0xb8;
	[tilespmem:$0x17D00] =	vst v63  }
0x9a: {  	_ =	swait.ge [sflag:s25], $0x4000  }
0x9b: {  	[sflag:s25] =	ssyncset.done $0x0  }
0x9c: {  	[sflag:s25] =	ssyncadd.s32 $0xFFFFC000  }
0x9d: {  	[spmem:s2] =	stream.indirect.scatter.add.f32 [tilespmem:s24], [sflag:$0x2], $0x80, s23, s23, $0xb8;
	[tilespmem:$0x17D00] =	vst v63  }
0x9e: {  	_ =	swait.ge [sflag:s22], $0x4000  }
0x9f: {  	s29 =	simm.s32 $0x20;
	s28 =	simm.s32 $0x10;
	[sflag:s22] =	ssyncset.done $0x0  }
.LBB2_3:
0xa0: {  	s30 =	sadd.s32 s28, s18  }
0xa1: {  	[sflag:s22] =	ssyncadd.s32 $0xFFFFC000;
	s31 =	smov.u32 s29;
	s0 =	sadd.s32 $0x10, s29  }
0xa2: {  	[tilespmem:s4], [sflag:$0x2] =	stream.linear.gather [hbm4b:s30+s4], $0x80, $0x38;
	[tilespmem:$0x17D00] =	vst v63  }
0xa3: {  	p1 =	sne.s32 s29, $0x610;
	_ =	swait.ge [sflag:s22], $0x80  }
0xa4: {  	[sflag:s22] =	ssyncset.done $0x0  }
0xa5: {  	s29 =	sadd.s32 s28, s17;
	s28 =	smov.u32 s31;
	[sflag:s22] =	ssyncadd.s32 $0xFFFFFF80  }
0xa6: {  	[tilespmem:s23], [sflag:$0x2] =	stream.linear.gather [hbm4b:s29+s4], $0x80, $0x38;
	[tilespmem:$0x17D00] =	vst v63  }
0xa7: {  	_ =	swait.ge [sflag:s22], $0x80  }
0xa8: {  	[sflag:s22] =	ssyncset.done $0x0  }
0xa9: {  	[sflag:s22] =	ssyncadd.s32 $0xFFFFFF80  }
0xaa: {  	[tilespmem:s24], [sflag:$0x1] =	stream.indirect.gather [hbm4b:s5+s23], $0x80, s4, s23, $0xb8;
	[tilespmem:$0x17D00] =	vst v63  }
0xab: {  	_ =	swait.ge [sflag:s25], $0x4000  }
.Ltmp6:
0xac: {  	[sflag:s25] =	ssyncset.done $0x0;
	(pc) =	sbr.rel @p1 .LBB2_3-.Ltmp6, $4  }
0xad: {  	[sflag:s25] =	ssyncadd.s32 $0xFFFFC000  }
0xae: {  	[spmem:s2] =	stream.indirect.scatter.add.f32 [tilespmem:s24], [sflag:$0x2], $0x80, s23, s23, $0xb8;
	[tilespmem:$0x17D00] =	vst v63  }
0xaf: {  	_ =	swait.ge [sflag:s22], $0x4000  }
0xb0: {  	s29 =	smov.u32 s0;
	[sflag:s22] =	ssyncset.done $0x0  }
0xb1: {  	s0 =	sadd.s32 s28, s18;
	[sflag:s22] =	ssyncadd.s32 $0xFFFFC000  }
0xb2: {  	[tilespmem:s4], [sflag:$0x2] =	stream.linear.gather [hbm4b:s0+s4], $0x80, $0x38;
	[tilespmem:$0x17D00] =	vst v63  }
0xb3: {  	_ =	swait.ge [sflag:s22], $0x80  }
0xb4: {  	[sflag:s22] =	ssyncset.done $0x0  }
0xb5: {  	s30 =	sadd.s32 s28, s17;
	[sflag:s22] =	ssyncadd.s32 $0xFFFFFF80  }
0xb6: {  	[tilespmem:s23], [sflag:$0x2] =	stream.linear.gather [hbm4b:s30+s4], $0x80, $0x38;
	[tilespmem:$0x17D00] =	vst v63  }
0xb7: {  	_ =	swait.ge [sflag:s22], $0x80  }
0xb8: {  	[sflag:s22] =	ssyncset.done $0x0  }
0xb9: {  	[sflag:s22] =	ssyncadd.s32 $0xFFFFFF80  }
0xba: {  	[tilespmem:s24], [sflag:$0x1] =	stream.indirect.gather [hbm4b:s5+s23], $0x80, s4, s23, $0xb8;
	[tilespmem:$0x17D00] =	vst v63  }
0xbb: {  	_ =	swait.ge [sflag:s25], $0x4000  }
0xbc: {  	[sflag:s25] =	ssyncset.done $0x0  }
0xbd: {  	[sflag:s25] =	ssyncadd.s32 $0xFFFFC000  }
0xbe: {  	[spmem:s2] =	stream.indirect.scatter.add.f32 [tilespmem:s24], [sflag:$0x2], $0x80, s23, s23, $0xb8;
	[tilespmem:$0x17D00] =	vst v63  }
0xbf: {  	_ =	swait.ge [sflag:s22], $0x4000  }
0xc0: {  	[sflag:s22] =	ssyncset.done $0x0  }
0xc1: {  	[sflag:s22] =	ssyncadd.s32 $0xFFFFC000  }
0xc2: {  	[bflag:$0x0] =	sbarrier.arrive $0xFFFF  }
0xc3: {  	[hbm:s11], [sflag:s16] =	dma.local [spmem:s21], $0x880  }
0xc4: {  	_ =	swait.ge [sflag:s22], $0x880  }
0xc5: {  	[sflag:s22] =	ssyncset.done $0x0  }
0xc6: {  	[sflag:s22] =	ssyncadd.s32 $0xFFFFF780  }
0xc7: {  	s31 =	sshrl.u32 s12, $0x3;
	[bflag:$0x0] =	sbarrier.arrive $0xFFFF  }
0xc8: {  	[spmem:s31], [sflag:s16] =	dma.local [hbm:s1], $0x2780  }
0xc9: {  	_ =	swait.ge [sflag:s22], $0x2780  }
0xca: {  	[sflag:s22] =	ssyncset.done $0x0  }
0xcb: {  	[sflag:s22] =	ssyncadd.s32 $0xFFFFD880  }
0xcc: {  	s30 =	sadd.s32 $0x0, s20;
	[bflag:$0x0] =	sbarrier.arrive $0xFFFF  }
0xcd: {  	[tilespmem:s4], [sflag:$0x2] =	stream.linear.gather [hbm4b:s30+s4], $0x80, $0x38;
	[tilespmem:$0x17D00] =	vst v63  }
0xce: {  	_ =	swait.ge [sflag:s22], $0x80  }
0xcf: {  	[sflag:s22] =	ssyncset.done $0x0  }
0xd0: {  	s31 =	sadd.s32 $0x0, s19;
	[sflag:s22] =	ssyncadd.s32 $0xFFFFFF80  }
0xd1: {  	[tilespmem:s23], [sflag:$0x2] =	stream.linear.gather [hbm4b:s31+s4], $0x80, $0x38;
	[tilespmem:$0x17D00] =	vst v63  }
0xd2: {  	_ =	swait.ge [sflag:s22], $0x80  }
0xd3: {  	[sflag:s22] =	ssyncset.done $0x0  }
0xd4: {  	[sflag:s22] =	ssyncadd.s32 $0xFFFFFF80  }
0xd5: {  	[tilespmem:s24], [sflag:$0x1] =	stream.indirect.gather [hbm4b:s7+s23], $0x80, s4, s23, $0xb8;
	[tilespmem:$0x17D00] =	vst v63  }
0xd6: {  	_ =	swait.ge [sflag:s25], $0x4000  }
0xd7: {  	[sflag:s25] =	ssyncset.done $0x0  }
0xd8: {  	[sflag:s25] =	ssyncadd.s32 $0xFFFFC000  }
0xd9: {  	[spmem:s2] =	stream.indirect.scatter.add.f32 [tilespmem:s24], [sflag:$0x2], $0x80, s23, s23, $0xb8;
	[tilespmem:$0x17D00] =	vst v63  }
0xda: {  	_ =	swait.ge [sflag:s22], $0x4000  }
0xdb: {  	s28 =	simm.s32 $0x10;
	s29 =	simm.s32 $0x20;
	[sflag:s22] =	ssyncset.done $0x0  }
.LBB2_5:
0xdc: {  	s0 =	sadd.s32 s28, s20  }
0xdd: {  	[sflag:s22] =	ssyncadd.s32 $0xFFFFC000;
	s30 =	smov.u32 s29;
	s31 =	sadd.s32 $0x10, s29  }
0xde: {  	[tilespmem:s4], [sflag:$0x2] =	stream.linear.gather [hbm4b:s0+s4], $0x80, $0x38;
	[tilespmem:$0x17D00] =	vst v63  }
0xdf: {  	p1 =	seq.s32 s29, $0x4E0;
	_ =	swait.ge [sflag:s22], $0x80  }
0xe0: {  	[sflag:s22] =	ssyncset.done $0x0  }
0xe1: {  	s0 =	sadd.s32 s28, s19;
	s28 =	smov.u32 s30;
	[sflag:s22] =	ssyncadd.s32 $0xFFFFFF80  }
0xe2: {  	[tilespmem:s23], [sflag:$0x2] =	stream.linear.gather [hbm4b:s0+s4], $0x80, $0x38;
	[tilespmem:$0x17D00] =	vst v63  }
0xe3: {  	_ =	swait.ge [sflag:s22], $0x80  }
0xe4: {  	[sflag:s22] =	ssyncset.done $0x0  }
0xe5: {  	[sflag:s22] =	ssyncadd.s32 $0xFFFFFF80  }
0xe6: {  	[tilespmem:s24], [sflag:$0x1] =	stream.indirect.gather [hbm4b:s7+s23], $0x80, s4, s23, $0xb8;
	[tilespmem:$0x17D00] =	vst v63  }
0xe7: {  	_ =	swait.ge [sflag:s25], $0x4000  }
.Ltmp7:
0xe8: {  	[sflag:s25] =	ssyncset.done $0x0;
	(pc) =	sbr.rel @!p1 .LBB2_5-.Ltmp7, $4  }
0xe9: {  	[sflag:s25] =	ssyncadd.s32 $0xFFFFC000  }
0xea: {  	[spmem:s2] =	stream.indirect.scatter.add.f32 [tilespmem:s24], [sflag:$0x2], $0x80, s23, s23, $0xb8;
	[tilespmem:$0x17D00] =	vst v63  }
0xeb: {  	_ =	swait.ge [sflag:s22], $0x4000  }
0xec: {  	s29 =	smov.u32 s31;
	[sflag:s22] =	ssyncset.done $0x0  }
0xed: {  	s0 =	sadd.s32 s28, s20;
	[sflag:s22] =	ssyncadd.s32 $0xFFFFC000  }
0xee: {  	[tilespmem:s4], [sflag:$0x2] =	stream.linear.gather [hbm4b:s0+s4], $0x80, $0x38;
	[tilespmem:$0x17D00] =	vst v63  }
0xef: {  	_ =	swait.ge [sflag:s22], $0x80  }
0xf0: {  	[sflag:s22] =	ssyncset.done $0x0  }
0xf1: {  	s31 =	sadd.s32 s28, s19;
	[sflag:s22] =	ssyncadd.s32 $0xFFFFFF80  }
0xf2: {  	[tilespmem:s23], [sflag:$0x2] =	stream.linear.gather [hbm4b:s31+s4], $0x80, $0x38;
	[tilespmem:$0x17D00] =	vst v63  }
0xf3: {  	_ =	swait.ge [sflag:s22], $0x80  }
0xf4: {  	[sflag:s22] =	ssyncset.done $0x0  }
0xf5: {  	[sflag:s22] =	ssyncadd.s32 $0xFFFFFF80  }
0xf6: {  	[tilespmem:s24], [sflag:$0x1] =	stream.indirect.gather [hbm4b:s7+s23], $0x80, s4, s23, $0xb8;
	[tilespmem:$0x17D00] =	vst v63  }
0xf7: {  	_ =	swait.ge [sflag:s25], $0x4000  }
0xf8: {  	[sflag:s25] =	ssyncset.done $0x0  }
.Ltmp8:
0xf9: {  	[sflag:s25] =	ssyncadd.s32 $0xFFFFC000;
	(pc) =	sbr.rel .LBB2_12-.Ltmp8, $4  }
0xfa: {  	[spmem:s2] =	stream.indirect.scatter.add.f32 [tilespmem:s24], [sflag:$0x2], $0x80, s23, s23, $0xb8;
	[tilespmem:$0x17D00] =	vst v63  }
0xfb: {  	_ =	swait.ge [sflag:s22], $0x4000  }
0xfc: {  	[sflag:s22] =	ssyncset.done $0x0  }
0xfd: {  	s28 =	smov.u32 s9;
	[sflag:s22] =	ssyncadd.s32 $0xFFFFC000  }
.LBB2_13:
0xfe: {  	_ =	sfence.sel $0x180000  }
0xff: {  	[bflag:$0x0] =	sbarrier.arrive $0xFFFF  }
0x100: {  	_ =	strace $0x9000004D  }
0x101: {  	[bflag:$0x2] =	sbarrier.arrive $0xFFFF  }
0x102: {  	p0 =	sne.s32 s3, $0x0;
	s0 =	rddreg [dreg:$0x3]  }
0x103: {  	s0 =	sadd.s32 @!p0 $0x100000, s0  }
0x104: {  	[sflag:s0] =	ssyncadd.tile.s32 @!p0 $0x1;
	_ =	shalt  }
.Lfunc_end2:
_tile_overlayer_lowered:
.L_overlay_start_2:
0x105: {  	(tag) =	ssettag $0x2  }
0x106: {  	s0 =	rddreg [dreg:$0x0];
	s2 =	stileid.u32  }
0x107: {  	s1 =	rddreg [dreg:$0x1];
	p0 =	sne.s32 s2, $0x0  }
0x108: {  	s3 =	rddreg [dreg:$0x2];
	[bflag:$0x3] =	sbarrier.arrive $0xFFFF;
	s2 =	simm.s32 @!p0 $0x1C02  }
0x109: {  	[timem:s3], [sflag:s2] =	dma.local @!p0 [hbm:s0], s1  }
0x10a: {  	s0 =	simm.s32 @!p0 $0x2  }
0x10b: {  	_ =	swait.ge @!p0 [sflag:s0], s1  }
0x10c: {  	s1 =	ssub.s32 @!p0 $0x0, s1;
	[sflag:s0] =	ssyncset.done @!p0 $0x0  }
0x10d: {  	[sflag:s0] =	ssyncadd.s32 @!p0 s1  }
0x10e: {  	[bflag:$0x3] =	sbarrier.arrive $0xFFFF  }
0x10f: {  	_ =	shalt  }

</sc_bundles>
